<compile_context>
chip_gen: v7x
topology: tpu7x:2x2x1
jax: 0.10.2.dev20260603
libtpu: 0.0.44.dev20260713+nightly
codegen_flags: <defaults>
</compile_context>

<pallas_src>
import functools

import jax
import jax.numpy as jnp
from jax import lax
from jax.experimental import pallas as pl
from jax.experimental.pallas import tpu as pltpu
from jax.experimental.pallas import tpu_sc as plsc

N = 10000
NC, NS = 2, 16
NW = NC * NS
CHUNK = 128
N_PAD = 10240
RPT = N_PAD // NS
RC = RPT // CHUNK


HMAX = 56
PH0 = (56, 56)
PH1 = (24, 22)
SPLIT0 = sum(PH0)
SPLIT1 = sum(PH1)


def _spmm_sc(D):
  mesh = plsc.VectorSubcoreMesh(core_axis_name="c", subcore_axis_name="s")

  @functools.partial(
      pl.kernel,
      out_type=jax.ShapeDtypeStruct((NC, N_PAD, D), jnp.float32),
      mesh=mesh,
      scratch_types=[
          pltpu.VMEM((2, HMAX, CHUNK), jnp.int32),
          pltpu.VMEM((CHUNK, D), jnp.float32),
          pltpu.VMEM((CHUNK, D), jnp.float32),
          pltpu.VMEM_SHARED((N_PAD, D), jnp.float32),
          pltpu.SemaphoreType.DMA,
          pltpu.SemaphoreType.DMA,
      ],
  )
  def spmm(table, edges, zeros, out, idx, buf0, buf1, acc, sem0, sem1):
    c = lax.axis_index("c")
    s = lax.axis_index("s")
    rbase = s * RPT
    w = c * NS + s

    pltpu.sync_copy(zeros, acc.at[pl.ds(rbase, RPT)])
    plsc.subcore_barrier()

    def run_phase(off, nhalf):
      pltpu.sync_copy(edges.at[:, w, pl.ds(off, HMAX)], idx)
      pltpu.async_copy(table.at[idx.at[0, 0]], buf0, sem0)
      pltpu.async_copy(table.at[idx.at[0, 1]], buf1, sem1)

      def body(j, carry):
        i = 2 * j
        pltpu.make_async_copy(table.at[idx.at[0, i]], buf0, sem0).wait()
        pltpu.sync_copy(buf0, acc.at[idx.at[1, i]], add=True)
        pltpu.async_copy(table.at[idx.at[0, i + 2]], buf0, sem0)
        pltpu.make_async_copy(table.at[idx.at[0, i + 1]], buf1, sem1).wait()
        pltpu.sync_copy(buf1, acc.at[idx.at[1, i + 1]], add=True)
        pltpu.async_copy(table.at[idx.at[0, i + 3]], buf1, sem1)
        return carry

      lax.fori_loop(0, nhalf - 1, body, 0)

      last = 2 * (nhalf - 1)
      pltpu.make_async_copy(table.at[idx.at[0, last]], buf0, sem0).wait()
      pltpu.sync_copy(buf0, acc.at[idx.at[1, last]], add=True)
      pltpu.make_async_copy(table.at[idx.at[0, last + 1]], buf1, sem1).wait()
      pltpu.sync_copy(buf1, acc.at[idx.at[1, last + 1]], add=True)

    run_phase(0, jnp.where(c == 0, PH0[0] // 2, PH1[0] // 2))
    run_phase(HMAX, jnp.where(c == 0, PH0[1] // 2, PH1[1] // 2))

    plsc.subcore_barrier()
    pltpu.sync_copy(acc.at[pl.ds(rbase, RPT)],
                    out.at[c, pl.ds(rbase, RPT)])

  return spmm


def _mm_body(x_ref, w_ref, o_ref):
  o_ref[...] = jnp.dot(x_ref[...], w_ref[...],
                       preferred_element_type=jnp.float32)


def _matmul(x, w):
  m, k = x.shape
  d = w.shape[1]
  bm = m // 4
  return pl.pallas_call(
      _mm_body,
      grid=(4,),
      in_specs=[pl.BlockSpec((bm, k), lambda i: (i, 0)),
                pl.BlockSpec((k, d), lambda i: (0, 0))],
      out_specs=pl.BlockSpec((bm, d), lambda i: (i, 0)),
      out_shape=jax.ShapeDtypeStruct((m, d), jnp.float32),
  )(x, w)


def _fuse_body(relu, pa_ref, pb_ref, b_ref, w_ref, o_ref):
  h = pa_ref[...] + pb_ref[...] + b_ref[...]
  if relu:
    h = jnp.maximum(h, 0.0)
  o_ref[...] = jnp.dot(h, w_ref[...], preferred_element_type=jnp.float32)


def _fuse_matmul(pa, pb, b, w, relu):
  m, k = pa.shape
  d = w.shape[1]
  bm = m // 4
  return pl.pallas_call(
      functools.partial(_fuse_body, relu),
      grid=(4,),
      in_specs=[pl.BlockSpec((bm, k), lambda i: (i, 0)),
                pl.BlockSpec((bm, k), lambda i: (i, 0)),
                pl.BlockSpec((1, k), lambda i: (0, 0)),
                pl.BlockSpec((k, d), lambda i: (0, 0))],
      out_specs=pl.BlockSpec((bm, d), lambda i: (i, 0)),
      out_shape=jax.ShapeDtypeStruct((m, d), jnp.float32),
  )(pa, pb, b.reshape(1, k), w)


def _final_body(pa_ref, pb_ref, b_ref, o_ref):
  h = pa_ref[...] + pb_ref[...] + b_ref[...]
  m = jnp.max(h, axis=1, keepdims=True)
  lse = jnp.log(jnp.sum(jnp.exp(h - m), axis=1, keepdims=True)) + m
  o_ref[...] = h - lse


def _final(pa, pb, b):
  m, d = pa.shape
  bm = m // 4
  return pl.pallas_call(
      _final_body,
      grid=(4,),
      in_specs=[pl.BlockSpec((bm, d), lambda i: (i, 0)),
                pl.BlockSpec((bm, d), lambda i: (i, 0)),
                pl.BlockSpec((1, d), lambda i: (0, 0))],
      out_specs=pl.BlockSpec((bm, d), lambda i: (i, 0)),
      out_shape=jax.ShapeDtypeStruct((m, d), jnp.float32),
  )(pa, pb, b.reshape(1, d))


def kernel(x, adj, W1, b1, W2, b2, W3, b3):
  e = adj.shape[1]
  tot = NS * (SPLIT0 + SPLIT1)
  assert tot * CHUNK >= e
  e_pad = tot * CHUNK
  adj = adj.astype(jnp.int32)
  src = jnp.concatenate([adj[0], jnp.zeros((e_pad - e,), jnp.int32)])
  pad_dst = N + jnp.arange(e_pad - e, dtype=jnp.int32) % (N_PAD - N)
  dst = jnp.concatenate([adj[1], pad_dst])
  c0 = NS * SPLIT0 * CHUNK
  def per_tile(v):
    a = v[:c0].reshape(NS, SPLIT0, CHUNK)
    b = v[c0:].reshape(NS, SPLIT1, CHUNK)
    z = lambda r: jnp.zeros((NS, r, CHUNK), jnp.int32)
    a = jnp.concatenate([a[:, :PH0[0]], z(HMAX - PH0[0]),
                         a[:, PH0[0]:], z(HMAX - PH0[1])], axis=1)
    b = jnp.concatenate([b[:, :PH1[0]], z(HMAX - PH1[0]),
                         b[:, PH1[0]:], z(HMAX - PH1[1])], axis=1)
    return jnp.concatenate([a, b], axis=0)
  edges = jnp.stack([per_tile(src), per_tile(dst)], axis=0)
  x_pad = jnp.pad(x, ((0, N_PAD - N), (0, 0)))
  z128 = jnp.zeros((RPT, 128), jnp.float32)
  spmm128 = _spmm_sc(128)
  W3p = jnp.pad(W3, ((0, 0), (0, 128 - W3.shape[1])))

  t1 = _matmul(x_pad, W1)
  p1 = spmm128(t1, edges, z128)
  t2 = _fuse_matmul(p1[0], p1[1], b1, W2, relu=True)
  p2 = spmm128(t2, edges, z128)
  t3 = _fuse_matmul(p2[0], p2[1], b2, W3p, relu=False)
  p3 = spmm128(t3, edges, z128)
  out = _final(p3[0, :, :64], p3[1, :, :64], b3)
  return out[:N]

# --- scband reference (transcript-rebuilt; emitter-appended) ---
"""Pipeline reference for scband-gcn3-44418551775312 (READ-ONLY COPY).

The authoritative reference and input builder live on the scoring server;
editing this copy changes nothing except your own understanding.
"""

import jax, jax.numpy as jnp
import numpy as np

N_NODES = 10000


def spmm(edge_index, h, n):
    # adjacency matmul: out[dst] += h[src] for each edge (binary adjacency)
    src = edge_index[0]
    dst = edge_index[1]
    msgs = jnp.take(h, src, axis=0)
    return jax.ops.segment_sum(msgs, dst, num_segments=n)


def setup_inputs(seed: int = 0) -> dict:
    key = jax.random.key(seed)
    ks = jax.random.split(key, 8)
    x = jax.random.normal(ks[0], (N_NODES, 128), dtype=jnp.float32)
    edge_index = jax.random.randint(ks[1], (2, 320000), 0, N_NODES, dtype=jnp.int64)
    # GraphConvolution params (xavier-ish init)
    W1 = jax.random.normal(ks[2], (128, 128), dtype=jnp.float32) * (1.0 / np.sqrt(128))
    b1 = jnp.zeros((128,), dtype=jnp.float32)
    W2 = jax.random.normal(ks[3], (128, 128), dtype=jnp.float32) * (1.0 / np.sqrt(128))
    b2 = jnp.zeros((128,), dtype=jnp.float32)
    W3 = jax.random.normal(ks[4], (128, 64), dtype=jnp.float32) * (1.0 / np.sqrt(128))
    b3 = jnp.zeros((64,), dtype=jnp.float32)
    return {"x": x, "adj": edge_index, "W1": W1, "b1": b1, "W2": W2, "b2": b2, "W3": W3, "b3": b3}


def reference(x, adj, W1, b1, W2, b2, W3, b3):
    n = x.shape[0]
    # gc1: support = x @ W1; out = A @ support + b1
    h = spmm(adj, x @ W1, n) + b1
    h = jax.nn.relu(h)
    # dropout: eval mode -> identity
    # gc2
    h = spmm(adj, h @ W2, n) + b2
    # dropout: eval mode -> identity
    # gc3
    h = spmm(adj, h @ W3, n) + b3
    return jax.nn.log_softmax(h, axis=1)

if __name__ == "__main__":
    import jax
    _d = setup_inputs()
    print(jax.jit(kernel)(*tuple(_d.values())))

</pallas_src>

<mosaic_0001>
#map = affine_map<(d0, d1) -> (0, 0)>
#map1 = affine_map<(d0, d1) -> (0, 0, 0, 0)>
#map2 = affine_map<(d0, d1) -> (0, 0, 0)>
module attributes {stable_mosaic.version = 14 : i64} {
  func.func @spmm(%arg0: i32, %arg1: i32, %arg2: memref<10240x128xf32, #tpu.memory_space<hbm>>, %arg3: memref<2x32x112x128xi32, #tpu.memory_space<hbm>>, %arg4: memref<640x128xf32, #tpu.memory_space<hbm>>, %arg5: memref<2x10240x128xf32, #tpu.memory_space<hbm>>, %arg6: memref<2x56x128xi32, #tpu.memory_space<vmem>>, %arg7: memref<128x128xf32, #tpu.memory_space<vmem>>, %arg8: memref<128x128xf32, #tpu.memory_space<vmem>>, %arg9: memref<10240x128xf32, #tpu.memory_space<vmem_shared>>, %arg10: memref<!tpu.dma_semaphore, #tpu.memory_space<semaphore_mem>>, %arg11: memref<!tpu.dma_semaphore, #tpu.memory_space<semaphore_mem>>) attributes {dimension_semantics = [#tpu.dimension_semantics<core_parallel>, #tpu.dimension_semantics<subcore_parallel>], iteration_bounds = array<i64: 2, 16>, scalar_prefetch = 0 : i64, scratch_operands = 6 : i64, tpu.core_type = #tpu.core_type<sc_vector_subcore>, window_params = [{transform_indices = #map}, {transform_indices = #map1}, {transform_indices = #map}, {transform_indices = #map2}]} {
    %mul3A = arith.constant 640 : i32
    %mul3A_0 = arith.muli %arg1, %mul3A : i32
    %mul3A_1 = arith.constant 16 : i32
    %mul3A_2 = arith.muli %arg0, %mul3A_1 : i32
    %add3A = arith.addi %mul3A_2, %arg1 : i32
    "tpu.region"() ({
      %run_scoped3A_110 = tpu.sem_alloc : memref<!tpu.dma_semaphore, #tpu.memory_space<semaphore_mem>>
      %dma_start3A_111 = arith.constant 0 : i32
      %dma_start3A_112 = tpu.memref_slice %arg9[%mul3A_0, %dma_start3A_111] : memref<10240x128xf32, #tpu.memory_space<vmem_shared>> -> memref<640x128xf32, #tpu.memory_space<vmem_shared>>
      tpu.enqueue_dma source(%arg4 : memref<640x128xf32, #tpu.memory_space<hbm>>) target(%dma_start3A_112 : memref<640x128xf32, #tpu.memory_space<vmem_shared>>) target_semaphore(%run_scoped3A_110 : memref<!tpu.dma_semaphore, #tpu.memory_space<semaphore_mem>>)
      %dma_wait3A_113 = arith.constant 0 : i32
      %dma_wait3A_114 = tpu.memref_slice %arg9[%mul3A_0, %dma_wait3A_113] : memref<10240x128xf32, #tpu.memory_space<vmem_shared>> -> memref<640x128xf32, #tpu.memory_space<vmem_shared>>
      tpu.wait_dma2 semaphore(%run_scoped3A_110 : memref<!tpu.dma_semaphore, #tpu.memory_space<semaphore_mem>>) src(%arg4 : memref<640x128xf32, #tpu.memory_space<hbm>>) dst(%dma_wait3A_114 : memref<640x128xf32, #tpu.memory_space<vmem_shared>>)
      tpu.yield
    }) : () -> ()
    %barrier3A = arith.constant 0 : index
    tpu.barrier barrier_id(%barrier3A)
    %eq3A = arith.constant 0 : i32
    %eq3A_3 = arith.cmpi eq, %arg0, %eq3A : i32
    %jit3A = arith.constant 28 : i32
    %jit3A_4 = arith.constant 12 : i32
    %select_n3A = arith.select %eq3A_3, %jit3A, %jit3A_4 : i32
    "tpu.region"() ({
      %run_scoped3A_110 = tpu.sem_alloc : memref<!tpu.dma_semaphore, #tpu.memory_space<semaphore_mem>>
      %dma_start3A_111 = arith.constant 0 : i32
      %dma_start3A_112 = arith.constant 0 : i32
      %dma_start3A_113 = arith.constant 0 : i32
      %dma_start3A_114 = tpu.memref_slice %arg3[%dma_start3A_111, %add3A, %dma_start3A_112, %dma_start3A_113] : memref<2x32x112x128xi32, #tpu.memory_space<hbm>> -> memref<2x1x56x128xi32, #tpu.memory_space<hbm>>
      %dma_start3A_115 = tpu.memref_squeeze %dma_start3A_114 : memref<2x1x56x128xi32, #tpu.memory_space<hbm>> -> memref<2x56x128xi32, #tpu.memory_space<hbm>>
      %dma_start3A_116 = arith.constant 0 : i32
      %dma_start3A_117 = arith.constant 0 : i32
      %dma_start3A_118 = arith.constant 0 : i32
      %dma_start3A_119 = tpu.memref_slice %arg3[%dma_start3A_116, %add3A, %dma_start3A_117, %dma_start3A_118] : memref<2x32x112x128xi32, #tpu.memory_space<hbm>> -> memref<2x1x56x128xi32, #tpu.memory_space<hbm>>
      %dma_start3A_120 = tpu.memref_squeeze %dma_start3A_119 : memref<2x1x56x128xi32, #tpu.memory_space<hbm>> -> memref<2x56x128xi32, #tpu.memory_space<hbm>>
      tpu.enqueue_dma source(%dma_start3A_120 : memref<2x56x128xi32, #tpu.memory_space<hbm>>) target(%arg6 : memref<2x56x128xi32, #tpu.memory_space<vmem>>) target_semaphore(%run_scoped3A_110 : memref<!tpu.dma_semaphore, #tpu.memory_space<semaphore_mem>>)
      %dma_wait3A_121 = arith.constant 0 : i32
      %dma_wait3A_122 = arith.constant 0 : i32
      %dma_wait3A_123 = arith.constant 0 : i32
      %dma_wait3A_124 = tpu.memref_slice %arg3[%dma_wait3A_121, %add3A, %dma_wait3A_122, %dma_wait3A_123] : memref<2x32x112x128xi32, #tpu.memory_space<hbm>> -> memref<2x1x56x128xi32, #tpu.memory_space<hbm>>
      %dma_wait3A_125 = tpu.memref_squeeze %dma_wait3A_124 : memref<2x1x56x128xi32, #tpu.memory_space<hbm>> -> memref<2x56x128xi32, #tpu.memory_space<hbm>>
      %dma_wait3A_126 = arith.constant 0 : i32
      %dma_wait3A_127 = arith.constant 0 : i32
      %dma_wait3A_128 = arith.constant 0 : i32
      %dma_wait3A_129 = tpu.memref_slice %arg3[%dma_wait3A_126, %add3A, %dma_wait3A_127, %dma_wait3A_128] : memref<2x32x112x128xi32, #tpu.memory_space<hbm>> -> memref<2x1x56x128xi32, #tpu.memory_space<hbm>>
      %dma_wait3A_130 = tpu.memref_squeeze %dma_wait3A_129 : memref<2x1x56x128xi32, #tpu.memory_space<hbm>> -> memref<2x56x128xi32, #tpu.memory_space<hbm>>
      tpu.wait_dma2 semaphore(%run_scoped3A_110 : memref<!tpu.dma_semaphore, #tpu.memory_space<semaphore_mem>>) src(%dma_wait3A_130 : memref<2x56x128xi32, #tpu.memory_space<hbm>>) dst(%arg6 : memref<2x56x128xi32, #tpu.memory_space<vmem>>)
      tpu.yield
    }) : () -> ()
    %dma_start3A = arith.constant 0 : i32
    %dma_start3A_5 = arith.constant 0 : i32
    %dma_start3A_6 = arith.constant 0 : i32
    %dma_start3A_7 = tpu.memref_slice %arg6[%dma_start3A, %dma_start3A_5, %dma_start3A_6] : memref<2x56x128xi32, #tpu.memory_space<vmem>> -> memref<1x1x128xi32, #tpu.memory_space<vmem>>
    %dma_start3A_8 = tpu.memref_squeeze %dma_start3A_7 : memref<1x1x128xi32, #tpu.memory_space<vmem>> -> memref<128xi32, #tpu.memory_space<vmem>>
    %dma_start3A_9 = arith.constant 0 : i32
    %dma_start3A_10 = arith.constant 0 : i32
    %dma_start3A_11 = tpu.memref_slice %arg2[%dma_start3A_9, %dma_start3A_10] : memref<10240x128xf32, #tpu.memory_space<hbm>> -> memref<10240x128xf32, #tpu.memory_space<hbm>>
    tpu.enqueue_indirect_dma source(%dma_start3A_11 : memref<10240x128xf32, #tpu.memory_space<hbm>>) target(%arg7 : memref<128x128xf32, #tpu.memory_space<vmem>>) offsets(%dma_start3A_8 : memref<128xi32, #tpu.memory_space<vmem>>) semaphore(%arg10 : memref<!tpu.dma_semaphore, #tpu.memory_space<semaphore_mem>>)
    %dma_start3A_12 = arith.constant 0 : i32
    %dma_start3A_13 = arith.constant 1 : i32
    %dma_start3A_14 = arith.constant 0 : i32
    %dma_start3A_15 = tpu.memref_slice %arg6[%dma_start3A_12, %dma_start3A_13, %dma_start3A_14] : memref<2x56x128xi32, #tpu.memory_space<vmem>> -> memref<1x1x128xi32, #tpu.memory_space<vmem>>
    %dma_start3A_16 = tpu.memref_squeeze %dma_start3A_15 : memref<1x1x128xi32, #tpu.memory_space<vmem>> -> memref<128xi32, #tpu.memory_space<vmem>>
    %dma_start3A_17 = arith.constant 0 : i32
    %dma_start3A_18 = arith.constant 0 : i32
    %dma_start3A_19 = tpu.memref_slice %arg2[%dma_start3A_17, %dma_start3A_18] : memref<10240x128xf32, #tpu.memory_space<hbm>> -> memref<10240x128xf32, #tpu.memory_space<hbm>>
    tpu.enqueue_indirect_dma source(%dma_start3A_19 : memref<10240x128xf32, #tpu.memory_space<hbm>>) target(%arg8 : memref<128x128xf32, #tpu.memory_space<vmem>>) offsets(%dma_start3A_16 : memref<128xi32, #tpu.memory_space<vmem>>) semaphore(%arg11 : memref<!tpu.dma_semaphore, #tpu.memory_space<semaphore_mem>>)
    %sub3A = arith.constant 1 : i32
    %sub3A_20 = arith.subi %select_n3A, %sub3A : i32
    %while3A = arith.constant 0 : i32
    %while3A_21 = arith.constant 0 : i32
    %while3A_22 = arith.subi %sub3A_20, %while3A_21 : i32
    %while3A_23 = arith.addi %while3A_21, %while3A_22 : i32
    %while3A_24 = arith.constant 1 : i32
    %while3A_25 = arith.divsi %while3A_22, %while3A_24 : i32
    %while3A_26 = arith.muli %while3A_25, %while3A_24 : i32
    %while3A_27 = arith.addi %while3A_21, %while3A_26 : i32
    %while3A_28 = arith.constant 1 : i32
    scf.for %while3A_110 = %while3A_21 to %while3A_27 step %while3A_28  : i32 {
      %mul3A_111 = arith.constant 2 : i32
      %mul3A_112 = arith.muli %mul3A_111, %while3A_110 : i32
      %dma_wait3A_113 = arith.constant 0 : i32
      %dma_wait3A_114 = arith.constant 0 : i32
      %dma_wait3A_115 = tpu.memref_slice %arg6[%dma_wait3A_113, %mul3A_112, %dma_wait3A_114] : memref<2x56x128xi32, #tpu.memory_space<vmem>> -> memref<1x1x128xi32, #tpu.memory_space<vmem>>
      %dma_wait3A_116 = tpu.memref_squeeze %dma_wait3A_115 : memref<1x1x128xi32, #tpu.memory_space<vmem>> -> memref<128xi32, #tpu.memory_space<vmem>>
      %dma_wait3A_117 = arith.constant 0 : i32
      %dma_wait3A_118 = arith.constant 0 : i32
      %dma_wait3A_119 = tpu.memref_slice %arg2[%dma_wait3A_117, %dma_wait3A_118] : memref<10240x128xf32, #tpu.memory_space<hbm>> -> memref<10240x128xf32, #tpu.memory_space<hbm>>
      tpu.wait_indirect_dma semaphore(%arg10 : memref<!tpu.dma_semaphore, #tpu.memory_space<semaphore_mem>>) src(%dma_wait3A_119 : memref<10240x128xf32, #tpu.memory_space<hbm>>) dst(%arg7 : memref<128x128xf32, #tpu.memory_space<vmem>>)
      %run_scoped3A_120 = arith.constant 1 : i32
      "tpu.region"() ({
        %run_scoped3A_151 = tpu.sem_alloc : memref<!tpu.dma_semaphore, #tpu.memory_space<semaphore_mem>>
        %dma_start3A_152 = arith.constant 0 : i32
        %dma_start3A_153 = tpu.memref_slice %arg6[%run_scoped3A_120, %mul3A_112, %dma_start3A_152] : memref<2x56x128xi32, #tpu.memory_space<vmem>> -> memref<1x1x128xi32, #tpu.memory_space<vmem>>
        %dma_start3A_154 = tpu.memref_squeeze %dma_start3A_153 : memref<1x1x128xi32, #tpu.memory_space<vmem>> -> memref<128xi32, #tpu.memory_space<vmem>>
        %dma_start3A_155 = arith.constant 0 : i32
        %dma_start3A_156 = arith.constant 0 : i32
        %dma_start3A_157 = tpu.memref_slice %arg9[%dma_start3A_155, %dma_start3A_156] : memref<10240x128xf32, #tpu.memory_space<vmem_shared>> -> memref<10240x128xf32, #tpu.memory_space<vmem_shared>>
        tpu.enqueue_indirect_dma source(%arg7 : memref<128x128xf32, #tpu.memory_space<vmem>>) target(%dma_start3A_157 : memref<10240x128xf32, #tpu.memory_space<vmem_shared>>) offsets(%dma_start3A_154 : memref<128xi32, #tpu.memory_space<vmem>>) semaphore(%run_scoped3A_151 : memref<!tpu.dma_semaphore, #tpu.memory_space<semaphore_mem>>) {add = true}
        %dma_wait3A_158 = arith.constant 0 : i32
        %dma_wait3A_159 = tpu.memref_slice %arg6[%run_scoped3A_120, %mul3A_112, %dma_wait3A_158] : memref<2x56x128xi32, #tpu.memory_space<vmem>> -> memref<1x1x128xi32, #tpu.memory_space<vmem>>
        %dma_wait3A_160 = tpu.memref_squeeze %dma_wait3A_159 : memref<1x1x128xi32, #tpu.memory_space<vmem>> -> memref<128xi32, #tpu.memory_space<vmem>>
        %dma_wait3A_161 = arith.constant 0 : i32
        %dma_wait3A_162 = arith.constant 0 : i32
        %dma_wait3A_163 = tpu.memref_slice %arg9[%dma_wait3A_161, %dma_wait3A_162] : memref<10240x128xf32, #tpu.memory_space<vmem_shared>> -> memref<10240x128xf32, #tpu.memory_space<vmem_shared>>
        tpu.wait_indirect_dma semaphore(%run_scoped3A_151 : memref<!tpu.dma_semaphore, #tpu.memory_space<semaphore_mem>>) src(%arg7 : memref<128x128xf32, #tpu.memory_space<vmem>>) dst(%dma_wait3A_163 : memref<10240x128xf32, #tpu.memory_space<vmem_shared>>)
        tpu.yield
      }) : () -> ()
      %add3A_121 = arith.constant 2 : i32
      %add3A_122 = arith.addi %mul3A_112, %add3A_121 : i32
      %dma_start3A_123 = arith.constant 0 : i32
      %dma_start3A_124 = arith.constant 0 : i32
      %dma_start3A_125 = tpu.memref_slice %arg6[%dma_start3A_123, %add3A_122, %dma_start3A_124] : memref<2x56x128xi32, #tpu.memory_space<vmem>> -> memref<1x1x128xi32, #tpu.memory_space<vmem>>
      %dma_start3A_126 = tpu.memref_squeeze %dma_start3A_125 : memref<1x1x128xi32, #tpu.memory_space<vmem>> -> memref<128xi32, #tpu.memory_space<vmem>>
      %dma_start3A_127 = arith.constant 0 : i32
      %dma_start3A_128 = arith.constant 0 : i32
      %dma_start3A_129 = tpu.memref_slice %arg2[%dma_start3A_127, %dma_start3A_128] : memref<10240x128xf32, #tpu.memory_space<hbm>> -> memref<10240x128xf32, #tpu.memory_space<hbm>>
      tpu.enqueue_indirect_dma source(%dma_start3A_129 : memref<10240x128xf32, #tpu.memory_space<hbm>>) target(%arg7 : memref<128x128xf32, #tpu.memory_space<vmem>>) offsets(%dma_start3A_126 : memref<128xi32, #tpu.memory_space<vmem>>) semaphore(%arg10 : memref<!tpu.dma_semaphore, #tpu.memory_space<semaphore_mem>>)
      %add3A_130 = arith.constant 1 : i32
      %add3A_131 = arith.addi %mul3A_112, %add3A_130 : i32
      %dma_wait3A_132 = arith.constant 0 : i32
      %dma_wait3A_133 = arith.constant 0 : i32
      %dma_wait3A_134 = tpu.memref_slice %arg6[%dma_wait3A_132, %add3A_131, %dma_wait3A_133] : memref<2x56x128xi32, #tpu.memory_space<vmem>> -> memref<1x1x128xi32, #tpu.memory_space<vmem>>
      %dma_wait3A_135 = tpu.memref_squeeze %dma_wait3A_134 : memref<1x1x128xi32, #tpu.memory_space<vmem>> -> memref<128xi32, #tpu.memory_space<vmem>>
      %dma_wait3A_136 = arith.constant 0 : i32
      %dma_wait3A_137 = arith.constant 0 : i32
      %dma_wait3A_138 = tpu.memref_slice %arg2[%dma_wait3A_136, %dma_wait3A_137] : memref<10240x128xf32, #tpu.memory_space<hbm>> -> memref<10240x128xf32, #tpu.memory_space<hbm>>
      tpu.wait_indirect_dma semaphore(%arg11 : memref<!tpu.dma_semaphore, #tpu.memory_space<semaphore_mem>>) src(%dma_wait3A_138 : memref<10240x128xf32, #tpu.memory_space<hbm>>) dst(%arg8 : memref<128x128xf32, #tpu.memory_space<vmem>>)
      %add3A_139 = arith.constant 1 : i32
      %add3A_140 = arith.addi %mul3A_112, %add3A_139 : i32
      %run_scoped3A_141 = arith.constant 1 : i32
      "tpu.region"() ({
        %run_scoped3A_151 = tpu.sem_alloc : memref<!tpu.dma_semaphore, #tpu.memory_space<semaphore_mem>>
        %dma_start3A_152 = arith.constant 0 : i32
        %dma_start3A_153 = tpu.memref_slice %arg6[%run_scoped3A_141, %add3A_140, %dma_start3A_152] : memref<2x56x128xi32, #tpu.memory_space<vmem>> -> memref<1x1x128xi32, #tpu.memory_space<vmem>>
        %dma_start3A_154 = tpu.memref_squeeze %dma_start3A_153 : memref<1x1x128xi32, #tpu.memory_space<vmem>> -> memref<128xi32, #tpu.memory_space<vmem>>
        %dma_start3A_155 = arith.constant 0 : i32
        %dma_start3A_156 = arith.constant 0 : i32
        %dma_start3A_157 = tpu.memref_slice %arg9[%dma_start3A_155, %dma_start3A_156] : memref<10240x128xf32, #tpu.memory_space<vmem_shared>> -> memref<10240x128xf32, #tpu.memory_space<vmem_shared>>
        tpu.enqueue_indirect_dma source(%arg8 : memref<128x128xf32, #tpu.memory_space<vmem>>) target(%dma_start3A_157 : memref<10240x128xf32, #tpu.memory_space<vmem_shared>>) offsets(%dma_start3A_154 : memref<128xi32, #tpu.memory_space<vmem>>) semaphore(%run_scoped3A_151 : memref<!tpu.dma_semaphore, #tpu.memory_space<semaphore_mem>>) {add = true}
        %dma_wait3A_158 = arith.constant 0 : i32
        %dma_wait3A_159 = tpu.memref_slice %arg6[%run_scoped3A_141, %add3A_140, %dma_wait3A_158] : memref<2x56x128xi32, #tpu.memory_space<vmem>> -> memref<1x1x128xi32, #tpu.memory_space<vmem>>
        %dma_wait3A_160 = tpu.memref_squeeze %dma_wait3A_159 : memref<1x1x128xi32, #tpu.memory_space<vmem>> -> memref<128xi32, #tpu.memory_space<vmem>>
        %dma_wait3A_161 = arith.constant 0 : i32
        %dma_wait3A_162 = arith.constant 0 : i32
        %dma_wait3A_163 = tpu.memref_slice %arg9[%dma_wait3A_161, %dma_wait3A_162] : memref<10240x128xf32, #tpu.memory_space<vmem_shared>> -> memref<10240x128xf32, #tpu.memory_space<vmem_shared>>
        tpu.wait_indirect_dma semaphore(%run_scoped3A_151 : memref<!tpu.dma_semaphore, #tpu.memory_space<semaphore_mem>>) src(%arg8 : memref<128x128xf32, #tpu.memory_space<vmem>>) dst(%dma_wait3A_163 : memref<10240x128xf32, #tpu.memory_space<vmem_shared>>)
        tpu.yield
      }) : () -> ()
      %add3A_142 = arith.constant 3 : i32
      %add3A_143 = arith.addi %mul3A_112, %add3A_142 : i32
      %dma_start3A_144 = arith.constant 0 : i32
      %dma_start3A_145 = arith.constant 0 : i32
      %dma_start3A_146 = tpu.memref_slice %arg6[%dma_start3A_144, %add3A_143, %dma_start3A_145] : memref<2x56x128xi32, #tpu.memory_space<vmem>> -> memref<1x1x128xi32, #tpu.memory_space<vmem>>
      %dma_start3A_147 = tpu.memref_squeeze %dma_start3A_146 : memref<1x1x128xi32, #tpu.memory_space<vmem>> -> memref<128xi32, #tpu.memory_space<vmem>>
      %dma_start3A_148 = arith.constant 0 : i32
      %dma_start3A_149 = arith.constant 0 : i32
      %dma_start3A_150 = tpu.memref_slice %arg2[%dma_start3A_148, %dma_start3A_149] : memref<10240x128xf32, #tpu.memory_space<hbm>> -> memref<10240x128xf32, #tpu.memory_space<hbm>>
      tpu.enqueue_indirect_dma source(%dma_start3A_150 : memref<10240x128xf32, #tpu.memory_space<hbm>>) target(%arg8 : memref<128x128xf32, #tpu.memory_space<vmem>>) offsets(%dma_start3A_147 : memref<128xi32, #tpu.memory_space<vmem>>) semaphore(%arg11 : memref<!tpu.dma_semaphore, #tpu.memory_space<semaphore_mem>>)
    }
    %while3A_29 = arith.constant 1 : i32
    scf.for %while3A_110 = %while3A_27 to %while3A_23 step %while3A_29  : i32 {
      %mul3A_111 = arith.constant 2 : i32
      %mul3A_112 = arith.muli %mul3A_111, %while3A_110 : i32
      %dma_wait3A_113 = arith.constant 0 : i32
      %dma_wait3A_114 = arith.constant 0 : i32
      %dma_wait3A_115 = tpu.memref_slice %arg6[%dma_wait3A_113, %mul3A_112, %dma_wait3A_114] : memref<2x56x128xi32, #tpu.memory_space<vmem>> -> memref<1x1x128xi32, #tpu.memory_space<vmem>>
      %dma_wait3A_116 = tpu.memref_squeeze %dma_wait3A_115 : memref<1x1x128xi32, #tpu.memory_space<vmem>> -> memref<128xi32, #tpu.memory_space<vmem>>
      %dma_wait3A_117 = arith.constant 0 : i32
      %dma_wait3A_118 = arith.constant 0 : i32
      %dma_wait3A_119 = tpu.memref_slice %arg2[%dma_wait3A_117, %dma_wait3A_118] : memref<10240x128xf32, #tpu.memory_space<hbm>> -> memref<10240x128xf32, #tpu.memory_space<hbm>>
      tpu.wait_indirect_dma semaphore(%arg10 : memref<!tpu.dma_semaphore, #tpu.memory_space<semaphore_mem>>) src(%dma_wait3A_119 : memref<10240x128xf32, #tpu.memory_space<hbm>>) dst(%arg7 : memref<128x128xf32, #tpu.memory_space<vmem>>)
      %run_scoped3A_120 = arith.constant 1 : i32
      "tpu.region"() ({
        %run_scoped3A_151 = tpu.sem_alloc : memref<!tpu.dma_semaphore, #tpu.memory_space<semaphore_mem>>
        %dma_start3A_152 = arith.constant 0 : i32
        %dma_start3A_153 = tpu.memref_slice %arg6[%run_scoped3A_120, %mul3A_112, %dma_start3A_152] : memref<2x56x128xi32, #tpu.memory_space<vmem>> -> memref<1x1x128xi32, #tpu.memory_space<vmem>>
        %dma_start3A_154 = tpu.memref_squeeze %dma_start3A_153 : memref<1x1x128xi32, #tpu.memory_space<vmem>> -> memref<128xi32, #tpu.memory_space<vmem>>
        %dma_start3A_155 = arith.constant 0 : i32
        %dma_start3A_156 = arith.constant 0 : i32
        %dma_start3A_157 = tpu.memref_slice %arg9[%dma_start3A_155, %dma_start3A_156] : memref<10240x128xf32, #tpu.memory_space<vmem_shared>> -> memref<10240x128xf32, #tpu.memory_space<vmem_shared>>
        tpu.enqueue_indirect_dma source(%arg7 : memref<128x128xf32, #tpu.memory_space<vmem>>) target(%dma_start3A_157 : memref<10240x128xf32, #tpu.memory_space<vmem_shared>>) offsets(%dma_start3A_154 : memref<128xi32, #tpu.memory_space<vmem>>) semaphore(%run_scoped3A_151 : memref<!tpu.dma_semaphore, #tpu.memory_space<semaphore_mem>>) {add = true}
        %dma_wait3A_158 = arith.constant 0 : i32
        %dma_wait3A_159 = tpu.memref_slice %arg6[%run_scoped3A_120, %mul3A_112, %dma_wait3A_158] : memref<2x56x128xi32, #tpu.memory_space<vmem>> -> memref<1x1x128xi32, #tpu.memory_space<vmem>>
        %dma_wait3A_160 = tpu.memref_squeeze %dma_wait3A_159 : memref<1x1x128xi32, #tpu.memory_space<vmem>> -> memref<128xi32, #tpu.memory_space<vmem>>
        %dma_wait3A_161 = arith.constant 0 : i32
        %dma_wait3A_162 = arith.constant 0 : i32
        %dma_wait3A_163 = tpu.memref_slice %arg9[%dma_wait3A_161, %dma_wait3A_162] : memref<10240x128xf32, #tpu.memory_space<vmem_shared>> -> memref<10240x128xf32, #tpu.memory_space<vmem_shared>>
        tpu.wait_indirect_dma semaphore(%run_scoped3A_151 : memref<!tpu.dma_semaphore, #tpu.memory_space<semaphore_mem>>) src(%arg7 : memref<128x128xf32, #tpu.memory_space<vmem>>) dst(%dma_wait3A_163 : memref<10240x128xf32, #tpu.memory_space<vmem_shared>>)
        tpu.yield
      }) : () -> ()
      %add3A_121 = arith.constant 2 : i32
      %add3A_122 = arith.addi %mul3A_112, %add3A_121 : i32
      %dma_start3A_123 = arith.constant 0 : i32
      %dma_start3A_124 = arith.constant 0 : i32
      %dma_start3A_125 = tpu.memref_slice %arg6[%dma_start3A_123, %add3A_122, %dma_start3A_124] : memref<2x56x128xi32, #tpu.memory_space<vmem>> -> memref<1x1x128xi32, #tpu.memory_space<vmem>>
      %dma_start3A_126 = tpu.memref_squeeze %dma_start3A_125 : memref<1x1x128xi32, #tpu.memory_space<vmem>> -> memref<128xi32, #tpu.memory_space<vmem>>
      %dma_start3A_127 = arith.constant 0 : i32
      %dma_start3A_128 = arith.constant 0 : i32
      %dma_start3A_129 = tpu.memref_slice %arg2[%dma_start3A_127, %dma_start3A_128] : memref<10240x128xf32, #tpu.memory_space<hbm>> -> memref<10240x128xf32, #tpu.memory_space<hbm>>
      tpu.enqueue_indirect_dma source(%dma_start3A_129 : memref<10240x128xf32, #tpu.memory_space<hbm>>) target(%arg7 : memref<128x128xf32, #tpu.memory_space<vmem>>) offsets(%dma_start3A_126 : memref<128xi32, #tpu.memory_space<vmem>>) semaphore(%arg10 : memref<!tpu.dma_semaphore, #tpu.memory_space<semaphore_mem>>)
      %add3A_130 = arith.constant 1 : i32
      %add3A_131 = arith.addi %mul3A_112, %add3A_130 : i32
      %dma_wait3A_132 = arith.constant 0 : i32
      %dma_wait3A_133 = arith.constant 0 : i32
      %dma_wait3A_134 = tpu.memref_slice %arg6[%dma_wait3A_132, %add3A_131, %dma_wait3A_133] : memref<2x56x128xi32, #tpu.memory_space<vmem>> -> memref<1x1x128xi32, #tpu.memory_space<vmem>>
      %dma_wait3A_135 = tpu.memref_squeeze %dma_wait3A_134 : memref<1x1x128xi32, #tpu.memory_space<vmem>> -> memref<128xi32, #tpu.memory_space<vmem>>
      %dma_wait3A_136 = arith.constant 0 : i32
      %dma_wait3A_137 = arith.constant 0 : i32
      %dma_wait3A_138 = tpu.memref_slice %arg2[%dma_wait3A_136, %dma_wait3A_137] : memref<10240x128xf32, #tpu.memory_space<hbm>> -> memref<10240x128xf32, #tpu.memory_space<hbm>>
      tpu.wait_indirect_dma semaphore(%arg11 : memref<!tpu.dma_semaphore, #tpu.memory_space<semaphore_mem>>) src(%dma_wait3A_138 : memref<10240x128xf32, #tpu.memory_space<hbm>>) dst(%arg8 : memref<128x128xf32, #tpu.memory_space<vmem>>)
      %add3A_139 = arith.constant 1 : i32
      %add3A_140 = arith.addi %mul3A_112, %add3A_139 : i32
      %run_scoped3A_141 = arith.constant 1 : i32
      "tpu.region"() ({
        %run_scoped3A_151 = tpu.sem_alloc : memref<!tpu.dma_semaphore, #tpu.memory_space<semaphore_mem>>
        %dma_start3A_152 = arith.constant 0 : i32
        %dma_start3A_153 = tpu.memref_slice %arg6[%run_scoped3A_141, %add3A_140, %dma_start3A_152] : memref<2x56x128xi32, #tpu.memory_space<vmem>> -> memref<1x1x128xi32, #tpu.memory_space<vmem>>
        %dma_start3A_154 = tpu.memref_squeeze %dma_start3A_153 : memref<1x1x128xi32, #tpu.memory_space<vmem>> -> memref<128xi32, #tpu.memory_space<vmem>>
        %dma_start3A_155 = arith.constant 0 : i32
        %dma_start3A_156 = arith.constant 0 : i32
        %dma_start3A_157 = tpu.memref_slice %arg9[%dma_start3A_155, %dma_start3A_156] : memref<10240x128xf32, #tpu.memory_space<vmem_shared>> -> memref<10240x128xf32, #tpu.memory_space<vmem_shared>>
        tpu.enqueue_indirect_dma source(%arg8 : memref<128x128xf32, #tpu.memory_space<vmem>>) target(%dma_start3A_157 : memref<10240x128xf32, #tpu.memory_space<vmem_shared>>) offsets(%dma_start3A_154 : memref<128xi32, #tpu.memory_space<vmem>>) semaphore(%run_scoped3A_151 : memref<!tpu.dma_semaphore, #tpu.memory_space<semaphore_mem>>) {add = true}
        %dma_wait3A_158 = arith.constant 0 : i32
        %dma_wait3A_159 = tpu.memref_slice %arg6[%run_scoped3A_141, %add3A_140, %dma_wait3A_158] : memref<2x56x128xi32, #tpu.memory_space<vmem>> -> memref<1x1x128xi32, #tpu.memory_space<vmem>>
        %dma_wait3A_160 = tpu.memref_squeeze %dma_wait3A_159 : memref<1x1x128xi32, #tpu.memory_space<vmem>> -> memref<128xi32, #tpu.memory_space<vmem>>
        %dma_wait3A_161 = arith.constant 0 : i32
        %dma_wait3A_162 = arith.constant 0 : i32
        %dma_wait3A_163 = tpu.memref_slice %arg9[%dma_wait3A_161, %dma_wait3A_162] : memref<10240x128xf32, #tpu.memory_space<vmem_shared>> -> memref<10240x128xf32, #tpu.memory_space<vmem_shared>>
        tpu.wait_indirect_dma semaphore(%run_scoped3A_151 : memref<!tpu.dma_semaphore, #tpu.memory_space<semaphore_mem>>) src(%arg8 : memref<128x128xf32, #tpu.memory_space<vmem>>) dst(%dma_wait3A_163 : memref<10240x128xf32, #tpu.memory_space<vmem_shared>>)
        tpu.yield
      }) : () -> ()
      %add3A_142 = arith.constant 3 : i32
      %add3A_143 = arith.addi %mul3A_112, %add3A_142 : i32
      %dma_start3A_144 = arith.constant 0 : i32
      %dma_start3A_145 = arith.constant 0 : i32
      %dma_start3A_146 = tpu.memref_slice %arg6[%dma_start3A_144, %add3A_143, %dma_start3A_145] : memref<2x56x128xi32, #tpu.memory_space<vmem>> -> memref<1x1x128xi32, #tpu.memory_space<vmem>>
      %dma_start3A_147 = tpu.memref_squeeze %dma_start3A_146 : memref<1x1x128xi32, #tpu.memory_space<vmem>> -> memref<128xi32, #tpu.memory_space<vmem>>
      %dma_start3A_148 = arith.constant 0 : i32
      %dma_start3A_149 = arith.constant 0 : i32
      %dma_start3A_150 = tpu.memref_slice %arg2[%dma_start3A_148, %dma_start3A_149] : memref<10240x128xf32, #tpu.memory_space<hbm>> -> memref<10240x128xf32, #tpu.memory_space<hbm>>
      tpu.enqueue_indirect_dma source(%dma_start3A_150 : memref<10240x128xf32, #tpu.memory_space<hbm>>) target(%arg8 : memref<128x128xf32, #tpu.memory_space<vmem>>) offsets(%dma_start3A_147 : memref<128xi32, #tpu.memory_space<vmem>>) semaphore(%arg11 : memref<!tpu.dma_semaphore, #tpu.memory_space<semaphore_mem>>)
    }
    %sub3A_30 = arith.constant 1 : i32
    %sub3A_31 = arith.subi %select_n3A, %sub3A_30 : i32
    %mul3A_32 = arith.constant 2 : i32
    %mul3A_33 = arith.muli %mul3A_32, %sub3A_31 : i32
    %dma_wait3A = arith.constant 0 : i32
    %dma_wait3A_34 = arith.constant 0 : i32
    %dma_wait3A_35 = tpu.memref_slice %arg6[%dma_wait3A, %mul3A_33, %dma_wait3A_34] : memref<2x56x128xi32, #tpu.memory_space<vmem>> -> memref<1x1x128xi32, #tpu.memory_space<vmem>>
    %dma_wait3A_36 = tpu.memref_squeeze %dma_wait3A_35 : memref<1x1x128xi32, #tpu.memory_space<vmem>> -> memref<128xi32, #tpu.memory_space<vmem>>
    %dma_wait3A_37 = arith.constant 0 : i32
    %dma_wait3A_38 = arith.constant 0 : i32
    %dma_wait3A_39 = tpu.memref_slice %arg2[%dma_wait3A_37, %dma_wait3A_38] : memref<10240x128xf32, #tpu.memory_space<hbm>> -> memref<10240x128xf32, #tpu.memory_space<hbm>>
    tpu.wait_indirect_dma semaphore(%arg10 : memref<!tpu.dma_semaphore, #tpu.memory_space<semaphore_mem>>) src(%dma_wait3A_39 : memref<10240x128xf32, #tpu.memory_space<hbm>>) dst(%arg7 : memref<128x128xf32, #tpu.memory_space<vmem>>)
    %run_scoped3A = arith.constant 1 : i32
    "tpu.region"() ({
      %run_scoped3A_110 = tpu.sem_alloc : memref<!tpu.dma_semaphore, #tpu.memory_space<semaphore_mem>>
      %dma_start3A_111 = arith.constant 0 : i32
      %dma_start3A_112 = tpu.memref_slice %arg6[%run_scoped3A, %mul3A_33, %dma_start3A_111] : memref<2x56x128xi32, #tpu.memory_space<vmem>> -> memref<1x1x128xi32, #tpu.memory_space<vmem>>
      %dma_start3A_113 = tpu.memref_squeeze %dma_start3A_112 : memref<1x1x128xi32, #tpu.memory_space<vmem>> -> memref<128xi32, #tpu.memory_space<vmem>>
      %dma_start3A_114 = arith.constant 0 : i32
      %dma_start3A_115 = arith.constant 0 : i32
      %dma_start3A_116 = tpu.memref_slice %arg9[%dma_start3A_114, %dma_start3A_115] : memref<10240x128xf32, #tpu.memory_space<vmem_shared>> -> memref<10240x128xf32, #tpu.memory_space<vmem_shared>>
      tpu.enqueue_indirect_dma source(%arg7 : memref<128x128xf32, #tpu.memory_space<vmem>>) target(%dma_start3A_116 : memref<10240x128xf32, #tpu.memory_space<vmem_shared>>) offsets(%dma_start3A_113 : memref<128xi32, #tpu.memory_space<vmem>>) semaphore(%run_scoped3A_110 : memref<!tpu.dma_semaphore, #tpu.memory_space<semaphore_mem>>) {add = true}
      %dma_wait3A_117 = arith.constant 0 : i32
      %dma_wait3A_118 = tpu.memref_slice %arg6[%run_scoped3A, %mul3A_33, %dma_wait3A_117] : memref<2x56x128xi32, #tpu.memory_space<vmem>> -> memref<1x1x128xi32, #tpu.memory_space<vmem>>
      %dma_wait3A_119 = tpu.memref_squeeze %dma_wait3A_118 : memref<1x1x128xi32, #tpu.memory_space<vmem>> -> memref<128xi32, #tpu.memory_space<vmem>>
      %dma_wait3A_120 = arith.constant 0 : i32
      %dma_wait3A_121 = arith.constant 0 : i32
      %dma_wait3A_122 = tpu.memref_slice %arg9[%dma_wait3A_120, %dma_wait3A_121] : memref<10240x128xf32, #tpu.memory_space<vmem_shared>> -> memref<10240x128xf32, #tpu.memory_space<vmem_shared>>
      tpu.wait_indirect_dma semaphore(%run_scoped3A_110 : memref<!tpu.dma_semaphore, #tpu.memory_space<semaphore_mem>>) src(%arg7 : memref<128x128xf32, #tpu.memory_space<vmem>>) dst(%dma_wait3A_122 : memref<10240x128xf32, #tpu.memory_space<vmem_shared>>)
      tpu.yield
    }) : () -> ()
    %add3A_40 = arith.constant 1 : i32
    %add3A_41 = arith.addi %mul3A_33, %add3A_40 : i32
    %dma_wait3A_42 = arith.constant 0 : i32
    %dma_wait3A_43 = arith.constant 0 : i32
    %dma_wait3A_44 = tpu.memref_slice %arg6[%dma_wait3A_42, %add3A_41, %dma_wait3A_43] : memref<2x56x128xi32, #tpu.memory_space<vmem>> -> memref<1x1x128xi32, #tpu.memory_space<vmem>>
    %dma_wait3A_45 = tpu.memref_squeeze %dma_wait3A_44 : memref<1x1x128xi32, #tpu.memory_space<vmem>> -> memref<128xi32, #tpu.memory_space<vmem>>
    %dma_wait3A_46 = arith.constant 0 : i32
    %dma_wait3A_47 = arith.constant 0 : i32
    %dma_wait3A_48 = tpu.memref_slice %arg2[%dma_wait3A_46, %dma_wait3A_47] : memref<10240x128xf32, #tpu.memory_space<hbm>> -> memref<10240x128xf32, #tpu.memory_space<hbm>>
    tpu.wait_indirect_dma semaphore(%arg11 : memref<!tpu.dma_semaphore, #tpu.memory_space<semaphore_mem>>) src(%dma_wait3A_48 : memref<10240x128xf32, #tpu.memory_space<hbm>>) dst(%arg8 : memref<128x128xf32, #tpu.memory_space<vmem>>)
    %add3A_49 = arith.constant 1 : i32
    %add3A_50 = arith.addi %mul3A_33, %add3A_49 : i32
    %run_scoped3A_51 = arith.constant 1 : i32
    "tpu.region"() ({
      %run_scoped3A_110 = tpu.sem_alloc : memref<!tpu.dma_semaphore, #tpu.memory_space<semaphore_mem>>
      %dma_start3A_111 = arith.constant 0 : i32
      %dma_start3A_112 = tpu.memref_slice %arg6[%run_scoped3A_51, %add3A_50, %dma_start3A_111] : memref<2x56x128xi32, #tpu.memory_space<vmem>> -> memref<1x1x128xi32, #tpu.memory_space<vmem>>
      %dma_start3A_113 = tpu.memref_squeeze %dma_start3A_112 : memref<1x1x128xi32, #tpu.memory_space<vmem>> -> memref<128xi32, #tpu.memory_space<vmem>>
      %dma_start3A_114 = arith.constant 0 : i32
      %dma_start3A_115 = arith.constant 0 : i32
      %dma_start3A_116 = tpu.memref_slice %arg9[%dma_start3A_114, %dma_start3A_115] : memref<10240x128xf32, #tpu.memory_space<vmem_shared>> -> memref<10240x128xf32, #tpu.memory_space<vmem_shared>>
      tpu.enqueue_indirect_dma source(%arg8 : memref<128x128xf32, #tpu.memory_space<vmem>>) target(%dma_start3A_116 : memref<10240x128xf32, #tpu.memory_space<vmem_shared>>) offsets(%dma_start3A_113 : memref<128xi32, #tpu.memory_space<vmem>>) semaphore(%run_scoped3A_110 : memref<!tpu.dma_semaphore, #tpu.memory_space<semaphore_mem>>) {add = true}
      %dma_wait3A_117 = arith.constant 0 : i32
      %dma_wait3A_118 = tpu.memref_slice %arg6[%run_scoped3A_51, %add3A_50, %dma_wait3A_117] : memref<2x56x128xi32, #tpu.memory_space<vmem>> -> memref<1x1x128xi32, #tpu.memory_space<vmem>>
      %dma_wait3A_119 = tpu.memref_squeeze %dma_wait3A_118 : memref<1x1x128xi32, #tpu.memory_space<vmem>> -> memref<128xi32, #tpu.memory_space<vmem>>
      %dma_wait3A_120 = arith.constant 0 : i32
      %dma_wait3A_121 = arith.constant 0 : i32
      %dma_wait3A_122 = tpu.memref_slice %arg9[%dma_wait3A_120, %dma_wait3A_121] : memref<10240x128xf32, #tpu.memory_space<vmem_shared>> -> memref<10240x128xf32, #tpu.memory_space<vmem_shared>>
      tpu.wait_indirect_dma semaphore(%run_scoped3A_110 : memref<!tpu.dma_semaphore, #tpu.memory_space<semaphore_mem>>) src(%arg8 : memref<128x128xf32, #tpu.memory_space<vmem>>) dst(%dma_wait3A_122 : memref<10240x128xf32, #tpu.memory_space<vmem_shared>>)
      tpu.yield
    }) : () -> ()
    %eq3A_52 = arith.constant 0 : i32
    %eq3A_53 = arith.cmpi eq, %arg0, %eq3A_52 : i32
    %jit3A_54 = arith.constant 28 : i32
    %jit3A_55 = arith.constant 11 : i32
    %select_n3A_56 = arith.select %eq3A_53, %jit3A_54, %jit3A_55 : i32
    "tpu.region"() ({
      %run_scoped3A_110 = tpu.sem_alloc : memref<!tpu.dma_semaphore, #tpu.memory_space<semaphore_mem>>
      %dma_start3A_111 = arith.constant 0 : i32
      %dma_start3A_112 = arith.constant 56 : i32
      %dma_start3A_113 = arith.constant 0 : i32
      %dma_start3A_114 = tpu.memref_slice %arg3[%dma_start3A_111, %add3A, %dma_start3A_112, %dma_start3A_113] : memref<2x32x112x128xi32, #tpu.memory_space<hbm>> -> memref<2x1x56x128xi32, #tpu.memory_space<hbm>>
      %dma_start3A_115 = tpu.memref_squeeze %dma_start3A_114 : memref<2x1x56x128xi32, #tpu.memory_space<hbm>> -> memref<2x56x128xi32, #tpu.memory_space<hbm>>
      %dma_start3A_116 = arith.constant 0 : i32
      %dma_start3A_117 = arith.constant 56 : i32
      %dma_start3A_118 = arith.constant 0 : i32
      %dma_start3A_119 = tpu.memref_slice %arg3[%dma_start3A_116, %add3A, %dma_start3A_117, %dma_start3A_118] : memref<2x32x112x128xi32, #tpu.memory_space<hbm>> -> memref<2x1x56x128xi32, #tpu.memory_space<hbm>>
      %dma_start3A_120 = tpu.memref_squeeze %dma_start3A_119 : memref<2x1x56x128xi32, #tpu.memory_space<hbm>> -> memref<2x56x128xi32, #tpu.memory_space<hbm>>
      tpu.enqueue_dma source(%dma_start3A_120 : memref<2x56x128xi32, #tpu.memory_space<hbm>>) target(%arg6 : memref<2x56x128xi32, #tpu.memory_space<vmem>>) target_semaphore(%run_scoped3A_110 : memref<!tpu.dma_semaphore, #tpu.memory_space<semaphore_mem>>)
      %dma_wait3A_121 = arith.constant 0 : i32
      %dma_wait3A_122 = arith.constant 56 : i32
      %dma_wait3A_123 = arith.constant 0 : i32
      %dma_wait3A_124 = tpu.memref_slice %arg3[%dma_wait3A_121, %add3A, %dma_wait3A_122, %dma_wait3A_123] : memref<2x32x112x128xi32, #tpu.memory_space<hbm>> -> memref<2x1x56x128xi32, #tpu.memory_space<hbm>>
      %dma_wait3A_125 = tpu.memref_squeeze %dma_wait3A_124 : memref<2x1x56x128xi32, #tpu.memory_space<hbm>> -> memref<2x56x128xi32, #tpu.memory_space<hbm>>
      %dma_wait3A_126 = arith.constant 0 : i32
      %dma_wait3A_127 = arith.constant 56 : i32
      %dma_wait3A_128 = arith.constant 0 : i32
      %dma_wait3A_129 = tpu.memref_slice %arg3[%dma_wait3A_126, %add3A, %dma_wait3A_127, %dma_wait3A_128] : memref<2x32x112x128xi32, #tpu.memory_space<hbm>> -> memref<2x1x56x128xi32, #tpu.memory_space<hbm>>
      %dma_wait3A_130 = tpu.memref_squeeze %dma_wait3A_129 : memref<2x1x56x128xi32, #tpu.memory_space<hbm>> -> memref<2x56x128xi32, #tpu.memory_space<hbm>>
      tpu.wait_dma2 semaphore(%run_scoped3A_110 : memref<!tpu.dma_semaphore, #tpu.memory_space<semaphore_mem>>) src(%dma_wait3A_130 : memref<2x56x128xi32, #tpu.memory_space<hbm>>) dst(%arg6 : memref<2x56x128xi32, #tpu.memory_space<vmem>>)
      tpu.yield
    }) : () -> ()
    %dma_start3A_57 = arith.constant 0 : i32
    %dma_start3A_58 = arith.constant 0 : i32
    %dma_start3A_59 = arith.constant 0 : i32
    %dma_start3A_60 = tpu.memref_slice %arg6[%dma_start3A_57, %dma_start3A_58, %dma_start3A_59] : memref<2x56x128xi32, #tpu.memory_space<vmem>> -> memref<1x1x128xi32, #tpu.memory_space<vmem>>
    %dma_start3A_61 = tpu.memref_squeeze %dma_start3A_60 : memref<1x1x128xi32, #tpu.memory_space<vmem>> -> memref<128xi32, #tpu.memory_space<vmem>>
    %dma_start3A_62 = arith.constant 0 : i32
    %dma_start3A_63 = arith.constant 0 : i32
    %dma_start3A_64 = tpu.memref_slice %arg2[%dma_start3A_62, %dma_start3A_63] : memref<10240x128xf32, #tpu.memory_space<hbm>> -> memref<10240x128xf32, #tpu.memory_space<hbm>>
    tpu.enqueue_indirect_dma source(%dma_start3A_64 : memref<10240x128xf32, #tpu.memory_space<hbm>>) target(%arg7 : memref<128x128xf32, #tpu.memory_space<vmem>>) offsets(%dma_start3A_61 : memref<128xi32, #tpu.memory_space<vmem>>) semaphore(%arg10 : memref<!tpu.dma_semaphore, #tpu.memory_space<semaphore_mem>>)
    %dma_start3A_65 = arith.constant 0 : i32
    %dma_start3A_66 = arith.constant 1 : i32
    %dma_start3A_67 = arith.constant 0 : i32
    %dma_start3A_68 = tpu.memref_slice %arg6[%dma_start3A_65, %dma_start3A_66, %dma_start3A_67] : memref<2x56x128xi32, #tpu.memory_space<vmem>> -> memref<1x1x128xi32, #tpu.memory_space<vmem>>
    %dma_start3A_69 = tpu.memref_squeeze %dma_start3A_68 : memref<1x1x128xi32, #tpu.memory_space<vmem>> -> memref<128xi32, #tpu.memory_space<vmem>>
    %dma_start3A_70 = arith.constant 0 : i32
    %dma_start3A_71 = arith.constant 0 : i32
    %dma_start3A_72 = tpu.memref_slice %arg2[%dma_start3A_70, %dma_start3A_71] : memref<10240x128xf32, #tpu.memory_space<hbm>> -> memref<10240x128xf32, #tpu.memory_space<hbm>>
    tpu.enqueue_indirect_dma source(%dma_start3A_72 : memref<10240x128xf32, #tpu.memory_space<hbm>>) target(%arg8 : memref<128x128xf32, #tpu.memory_space<vmem>>) offsets(%dma_start3A_69 : memref<128xi32, #tpu.memory_space<vmem>>) semaphore(%arg11 : memref<!tpu.dma_semaphore, #tpu.memory_space<semaphore_mem>>)
    %sub3A_73 = arith.constant 1 : i32
    %sub3A_74 = arith.subi %select_n3A_56, %sub3A_73 : i32
    %while3A_75 = arith.constant 0 : i32
    %while3A_76 = arith.constant 0 : i32
    %while3A_77 = arith.subi %sub3A_74, %while3A_76 : i32
    %while3A_78 = arith.addi %while3A_76, %while3A_77 : i32
    %while3A_79 = arith.constant 1 : i32
    %while3A_80 = arith.divsi %while3A_77, %while3A_79 : i32
    %while3A_81 = arith.muli %while3A_80, %while3A_79 : i32
    %while3A_82 = arith.addi %while3A_76, %while3A_81 : i32
    %while3A_83 = arith.constant 1 : i32
    scf.for %while3A_110 = %while3A_76 to %while3A_82 step %while3A_83  : i32 {
      %mul3A_111 = arith.constant 2 : i32
      %mul3A_112 = arith.muli %mul3A_111, %while3A_110 : i32
      %dma_wait3A_113 = arith.constant 0 : i32
      %dma_wait3A_114 = arith.constant 0 : i32
      %dma_wait3A_115 = tpu.memref_slice %arg6[%dma_wait3A_113, %mul3A_112, %dma_wait3A_114] : memref<2x56x128xi32, #tpu.memory_space<vmem>> -> memref<1x1x128xi32, #tpu.memory_space<vmem>>
      %dma_wait3A_116 = tpu.memref_squeeze %dma_wait3A_115 : memref<1x1x128xi32, #tpu.memory_space<vmem>> -> memref<128xi32, #tpu.memory_space<vmem>>
      %dma_wait3A_117 = arith.constant 0 : i32
      %dma_wait3A_118 = arith.constant 0 : i32
      %dma_wait3A_119 = tpu.memref_slice %arg2[%dma_wait3A_117, %dma_wait3A_118] : memref<10240x128xf32, #tpu.memory_space<hbm>> -> memref<10240x128xf32, #tpu.memory_space<hbm>>
      tpu.wait_indirect_dma semaphore(%arg10 : memref<!tpu.dma_semaphore, #tpu.memory_space<semaphore_mem>>) src(%dma_wait3A_119 : memref<10240x128xf32, #tpu.memory_space<hbm>>) dst(%arg7 : memref<128x128xf32, #tpu.memory_space<vmem>>)
      %run_scoped3A_120 = arith.constant 1 : i32
      "tpu.region"() ({
        %run_scoped3A_151 = tpu.sem_alloc : memref<!tpu.dma_semaphore, #tpu.memory_space<semaphore_mem>>
        %dma_start3A_152 = arith.constant 0 : i32
        %dma_start3A_153 = tpu.memref_slice %arg6[%run_scoped3A_120, %mul3A_112, %dma_start3A_152] : memref<2x56x128xi32, #tpu.memory_space<vmem>> -> memref<1x1x128xi32, #tpu.memory_space<vmem>>
        %dma_start3A_154 = tpu.memref_squeeze %dma_start3A_153 : memref<1x1x128xi32, #tpu.memory_space<vmem>> -> memref<128xi32, #tpu.memory_space<vmem>>
        %dma_start3A_155 = arith.constant 0 : i32
        %dma_start3A_156 = arith.constant 0 : i32
        %dma_start3A_157 = tpu.memref_slice %arg9[%dma_start3A_155, %dma_start3A_156] : memref<10240x128xf32, #tpu.memory_space<vmem_shared>> -> memref<10240x128xf32, #tpu.memory_space<vmem_shared>>
        tpu.enqueue_indirect_dma source(%arg7 : memref<128x128xf32, #tpu.memory_space<vmem>>) target(%dma_start3A_157 : memref<10240x128xf32, #tpu.memory_space<vmem_shared>>) offsets(%dma_start3A_154 : memref<128xi32, #tpu.memory_space<vmem>>) semaphore(%run_scoped3A_151 : memref<!tpu.dma_semaphore, #tpu.memory_space<semaphore_mem>>) {add = true}
        %dma_wait3A_158 = arith.constant 0 : i32
        %dma_wait3A_159 = tpu.memref_slice %arg6[%run_scoped3A_120, %mul3A_112, %dma_wait3A_158] : memref<2x56x128xi32, #tpu.memory_space<vmem>> -> memref<1x1x128xi32, #tpu.memory_space<vmem>>
        %dma_wait3A_160 = tpu.memref_squeeze %dma_wait3A_159 : memref<1x1x128xi32, #tpu.memory_space<vmem>> -> memref<128xi32, #tpu.memory_space<vmem>>
        %dma_wait3A_161 = arith.constant 0 : i32
        %dma_wait3A_162 = arith.constant 0 : i32
        %dma_wait3A_163 = tpu.memref_slice %arg9[%dma_wait3A_161, %dma_wait3A_162] : memref<10240x128xf32, #tpu.memory_space<vmem_shared>> -> memref<10240x128xf32, #tpu.memory_space<vmem_shared>>
        tpu.wait_indirect_dma semaphore(%run_scoped3A_151 : memref<!tpu.dma_semaphore, #tpu.memory_space<semaphore_mem>>) src(%arg7 : memref<128x128xf32, #tpu.memory_space<vmem>>) dst(%dma_wait3A_163 : memref<10240x128xf32, #tpu.memory_space<vmem_shared>>)
        tpu.yield
      }) : () -> ()
      %add3A_121 = arith.constant 2 : i32
      %add3A_122 = arith.addi %mul3A_112, %add3A_121 : i32
      %dma_start3A_123 = arith.constant 0 : i32
      %dma_start3A_124 = arith.constant 0 : i32
      %dma_start3A_125 = tpu.memref_slice %arg6[%dma_start3A_123, %add3A_122, %dma_start3A_124] : memref<2x56x128xi32, #tpu.memory_space<vmem>> -> memref<1x1x128xi32, #tpu.memory_space<vmem>>
      %dma_start3A_126 = tpu.memref_squeeze %dma_start3A_125 : memref<1x1x128xi32, #tpu.memory_space<vmem>> -> memref<128xi32, #tpu.memory_space<vmem>>
      %dma_start3A_127 = arith.constant 0 : i32
      %dma_start3A_128 = arith.constant 0 : i32
      %dma_start3A_129 = tpu.memref_slice %arg2[%dma_start3A_127, %dma_start3A_128] : memref<10240x128xf32, #tpu.memory_space<hbm>> -> memref<10240x128xf32, #tpu.memory_space<hbm>>
      tpu.enqueue_indirect_dma source(%dma_start3A_129 : memref<10240x128xf32, #tpu.memory_space<hbm>>) target(%arg7 : memref<128x128xf32, #tpu.memory_space<vmem>>) offsets(%dma_start3A_126 : memref<128xi32, #tpu.memory_space<vmem>>) semaphore(%arg10 : memref<!tpu.dma_semaphore, #tpu.memory_space<semaphore_mem>>)
      %add3A_130 = arith.constant 1 : i32
      %add3A_131 = arith.addi %mul3A_112, %add3A_130 : i32
      %dma_wait3A_132 = arith.constant 0 : i32
      %dma_wait3A_133 = arith.constant 0 : i32
      %dma_wait3A_134 = tpu.memref_slice %arg6[%dma_wait3A_132, %add3A_131, %dma_wait3A_133] : memref<2x56x128xi32, #tpu.memory_space<vmem>> -> memref<1x1x128xi32, #tpu.memory_space<vmem>>
      %dma_wait3A_135 = tpu.memref_squeeze %dma_wait3A_134 : memref<1x1x128xi32, #tpu.memory_space<vmem>> -> memref<128xi32, #tpu.memory_space<vmem>>
      %dma_wait3A_136 = arith.constant 0 : i32
      %dma_wait3A_137 = arith.constant 0 : i32
      %dma_wait3A_138 = tpu.memref_slice %arg2[%dma_wait3A_136, %dma_wait3A_137] : memref<10240x128xf32, #tpu.memory_space<hbm>> -> memref<10240x128xf32, #tpu.memory_space<hbm>>
      tpu.wait_indirect_dma semaphore(%arg11 : memref<!tpu.dma_semaphore, #tpu.memory_space<semaphore_mem>>) src(%dma_wait3A_138 : memref<10240x128xf32, #tpu.memory_space<hbm>>) dst(%arg8 : memref<128x128xf32, #tpu.memory_space<vmem>>)
      %add3A_139 = arith.constant 1 : i32
      %add3A_140 = arith.addi %mul3A_112, %add3A_139 : i32
      %run_scoped3A_141 = arith.constant 1 : i32
      "tpu.region"() ({
        %run_scoped3A_151 = tpu.sem_alloc : memref<!tpu.dma_semaphore, #tpu.memory_space<semaphore_mem>>
        %dma_start3A_152 = arith.constant 0 : i32
        %dma_start3A_153 = tpu.memref_slice %arg6[%run_scoped3A_141, %add3A_140, %dma_start3A_152] : memref<2x56x128xi32, #tpu.memory_space<vmem>> -> memref<1x1x128xi32, #tpu.memory_space<vmem>>
        %dma_start3A_154 = tpu.memref_squeeze %dma_start3A_153 : memref<1x1x128xi32, #tpu.memory_space<vmem>> -> memref<128xi32, #tpu.memory_space<vmem>>
        %dma_start3A_155 = arith.constant 0 : i32
        %dma_start3A_156 = arith.constant 0 : i32
        %dma_start3A_157 = tpu.memref_slice %arg9[%dma_start3A_155, %dma_start3A_156] : memref<10240x128xf32, #tpu.memory_space<vmem_shared>> -> memref<10240x128xf32, #tpu.memory_space<vmem_shared>>
        tpu.enqueue_indirect_dma source(%arg8 : memref<128x128xf32, #tpu.memory_space<vmem>>) target(%dma_start3A_157 : memref<10240x128xf32, #tpu.memory_space<vmem_shared>>) offsets(%dma_start3A_154 : memref<128xi32, #tpu.memory_space<vmem>>) semaphore(%run_scoped3A_151 : memref<!tpu.dma_semaphore, #tpu.memory_space<semaphore_mem>>) {add = true}
        %dma_wait3A_158 = arith.constant 0 : i32
        %dma_wait3A_159 = tpu.memref_slice %arg6[%run_scoped3A_141, %add3A_140, %dma_wait3A_158] : memref<2x56x128xi32, #tpu.memory_space<vmem>> -> memref<1x1x128xi32, #tpu.memory_space<vmem>>
        %dma_wait3A_160 = tpu.memref_squeeze %dma_wait3A_159 : memref<1x1x128xi32, #tpu.memory_space<vmem>> -> memref<128xi32, #tpu.memory_space<vmem>>
        %dma_wait3A_161 = arith.constant 0 : i32
        %dma_wait3A_162 = arith.constant 0 : i32
        %dma_wait3A_163 = tpu.memref_slice %arg9[%dma_wait3A_161, %dma_wait3A_162] : memref<10240x128xf32, #tpu.memory_space<vmem_shared>> -> memref<10240x128xf32, #tpu.memory_space<vmem_shared>>
        tpu.wait_indirect_dma semaphore(%run_scoped3A_151 : memref<!tpu.dma_semaphore, #tpu.memory_space<semaphore_mem>>) src(%arg8 : memref<128x128xf32, #tpu.memory_space<vmem>>) dst(%dma_wait3A_163 : memref<10240x128xf32, #tpu.memory_space<vmem_shared>>)
        tpu.yield
      }) : () -> ()
      %add3A_142 = arith.constant 3 : i32
      %add3A_143 = arith.addi %mul3A_112, %add3A_142 : i32
      %dma_start3A_144 = arith.constant 0 : i32
      %dma_start3A_145 = arith.constant 0 : i32
      %dma_start3A_146 = tpu.memref_slice %arg6[%dma_start3A_144, %add3A_143, %dma_start3A_145] : memref<2x56x128xi32, #tpu.memory_space<vmem>> -> memref<1x1x128xi32, #tpu.memory_space<vmem>>
      %dma_start3A_147 = tpu.memref_squeeze %dma_start3A_146 : memref<1x1x128xi32, #tpu.memory_space<vmem>> -> memref<128xi32, #tpu.memory_space<vmem>>
      %dma_start3A_148 = arith.constant 0 : i32
      %dma_start3A_149 = arith.constant 0 : i32
      %dma_start3A_150 = tpu.memref_slice %arg2[%dma_start3A_148, %dma_start3A_149] : memref<10240x128xf32, #tpu.memory_space<hbm>> -> memref<10240x128xf32, #tpu.memory_space<hbm>>
      tpu.enqueue_indirect_dma source(%dma_start3A_150 : memref<10240x128xf32, #tpu.memory_space<hbm>>) target(%arg8 : memref<128x128xf32, #tpu.memory_space<vmem>>) offsets(%dma_start3A_147 : memref<128xi32, #tpu.memory_space<vmem>>) semaphore(%arg11 : memref<!tpu.dma_semaphore, #tpu.memory_space<semaphore_mem>>)
    }
    %while3A_84 = arith.constant 1 : i32
    scf.for %while3A_110 = %while3A_82 to %while3A_78 step %while3A_84  : i32 {
      %mul3A_111 = arith.constant 2 : i32
      %mul3A_112 = arith.muli %mul3A_111, %while3A_110 : i32
      %dma_wait3A_113 = arith.constant 0 : i32
      %dma_wait3A_114 = arith.constant 0 : i32
      %dma_wait3A_115 = tpu.memref_slice %arg6[%dma_wait3A_113, %mul3A_112, %dma_wait3A_114] : memref<2x56x128xi32, #tpu.memory_space<vmem>> -> memref<1x1x128xi32, #tpu.memory_space<vmem>>
      %dma_wait3A_116 = tpu.memref_squeeze %dma_wait3A_115 : memref<1x1x128xi32, #tpu.memory_space<vmem>> -> memref<128xi32, #tpu.memory_space<vmem>>
      %dma_wait3A_117 = arith.constant 0 : i32
      %dma_wait3A_118 = arith.constant 0 : i32
      %dma_wait3A_119 = tpu.memref_slice %arg2[%dma_wait3A_117, %dma_wait3A_118] : memref<10240x128xf32, #tpu.memory_space<hbm>> -> memref<10240x128xf32, #tpu.memory_space<hbm>>
      tpu.wait_indirect_dma semaphore(%arg10 : memref<!tpu.dma_semaphore, #tpu.memory_space<semaphore_mem>>) src(%dma_wait3A_119 : memref<10240x128xf32, #tpu.memory_space<hbm>>) dst(%arg7 : memref<128x128xf32, #tpu.memory_space<vmem>>)
      %run_scoped3A_120 = arith.constant 1 : i32
      "tpu.region"() ({
        %run_scoped3A_151 = tpu.sem_alloc : memref<!tpu.dma_semaphore, #tpu.memory_space<semaphore_mem>>
        %dma_start3A_152 = arith.constant 0 : i32
        %dma_start3A_153 = tpu.memref_slice %arg6[%run_scoped3A_120, %mul3A_112, %dma_start3A_152] : memref<2x56x128xi32, #tpu.memory_space<vmem>> -> memref<1x1x128xi32, #tpu.memory_space<vmem>>
        %dma_start3A_154 = tpu.memref_squeeze %dma_start3A_153 : memref<1x1x128xi32, #tpu.memory_space<vmem>> -> memref<128xi32, #tpu.memory_space<vmem>>
        %dma_start3A_155 = arith.constant 0 : i32
        %dma_start3A_156 = arith.constant 0 : i32
        %dma_start3A_157 = tpu.memref_slice %arg9[%dma_start3A_155, %dma_start3A_156] : memref<10240x128xf32, #tpu.memory_space<vmem_shared>> -> memref<10240x128xf32, #tpu.memory_space<vmem_shared>>
        tpu.enqueue_indirect_dma source(%arg7 : memref<128x128xf32, #tpu.memory_space<vmem>>) target(%dma_start3A_157 : memref<10240x128xf32, #tpu.memory_space<vmem_shared>>) offsets(%dma_start3A_154 : memref<128xi32, #tpu.memory_space<vmem>>) semaphore(%run_scoped3A_151 : memref<!tpu.dma_semaphore, #tpu.memory_space<semaphore_mem>>) {add = true}
        %dma_wait3A_158 = arith.constant 0 : i32
        %dma_wait3A_159 = tpu.memref_slice %arg6[%run_scoped3A_120, %mul3A_112, %dma_wait3A_158] : memref<2x56x128xi32, #tpu.memory_space<vmem>> -> memref<1x1x128xi32, #tpu.memory_space<vmem>>
        %dma_wait3A_160 = tpu.memref_squeeze %dma_wait3A_159 : memref<1x1x128xi32, #tpu.memory_space<vmem>> -> memref<128xi32, #tpu.memory_space<vmem>>
        %dma_wait3A_161 = arith.constant 0 : i32
        %dma_wait3A_162 = arith.constant 0 : i32
        %dma_wait3A_163 = tpu.memref_slice %arg9[%dma_wait3A_161, %dma_wait3A_162] : memref<10240x128xf32, #tpu.memory_space<vmem_shared>> -> memref<10240x128xf32, #tpu.memory_space<vmem_shared>>
        tpu.wait_indirect_dma semaphore(%run_scoped3A_151 : memref<!tpu.dma_semaphore, #tpu.memory_space<semaphore_mem>>) src(%arg7 : memref<128x128xf32, #tpu.memory_space<vmem>>) dst(%dma_wait3A_163 : memref<10240x128xf32, #tpu.memory_space<vmem_shared>>)
        tpu.yield
      }) : () -> ()
      %add3A_121 = arith.constant 2 : i32
      %add3A_122 = arith.addi %mul3A_112, %add3A_121 : i32
      %dma_start3A_123 = arith.constant 0 : i32
      %dma_start3A_124 = arith.constant 0 : i32
      %dma_start3A_125 = tpu.memref_slice %arg6[%dma_start3A_123, %add3A_122, %dma_start3A_124] : memref<2x56x128xi32, #tpu.memory_space<vmem>> -> memref<1x1x128xi32, #tpu.memory_space<vmem>>
      %dma_start3A_126 = tpu.memref_squeeze %dma_start3A_125 : memref<1x1x128xi32, #tpu.memory_space<vmem>> -> memref<128xi32, #tpu.memory_space<vmem>>
      %dma_start3A_127 = arith.constant 0 : i32
      %dma_start3A_128 = arith.constant 0 : i32
      %dma_start3A_129 = tpu.memref_slice %arg2[%dma_start3A_127, %dma_start3A_128] : memref<10240x128xf32, #tpu.memory_space<hbm>> -> memref<10240x128xf32, #tpu.memory_space<hbm>>
      tpu.enqueue_indirect_dma source(%dma_start3A_129 : memref<10240x128xf32, #tpu.memory_space<hbm>>) target(%arg7 : memref<128x128xf32, #tpu.memory_space<vmem>>) offsets(%dma_start3A_126 : memref<128xi32, #tpu.memory_space<vmem>>) semaphore(%arg10 : memref<!tpu.dma_semaphore, #tpu.memory_space<semaphore_mem>>)
      %add3A_130 = arith.constant 1 : i32
      %add3A_131 = arith.addi %mul3A_112, %add3A_130 : i32
      %dma_wait3A_132 = arith.constant 0 : i32
      %dma_wait3A_133 = arith.constant 0 : i32
      %dma_wait3A_134 = tpu.memref_slice %arg6[%dma_wait3A_132, %add3A_131, %dma_wait3A_133] : memref<2x56x128xi32, #tpu.memory_space<vmem>> -> memref<1x1x128xi32, #tpu.memory_space<vmem>>
      %dma_wait3A_135 = tpu.memref_squeeze %dma_wait3A_134 : memref<1x1x128xi32, #tpu.memory_space<vmem>> -> memref<128xi32, #tpu.memory_space<vmem>>
      %dma_wait3A_136 = arith.constant 0 : i32
      %dma_wait3A_137 = arith.constant 0 : i32
      %dma_wait3A_138 = tpu.memref_slice %arg2[%dma_wait3A_136, %dma_wait3A_137] : memref<10240x128xf32, #tpu.memory_space<hbm>> -> memref<10240x128xf32, #tpu.memory_space<hbm>>
      tpu.wait_indirect_dma semaphore(%arg11 : memref<!tpu.dma_semaphore, #tpu.memory_space<semaphore_mem>>) src(%dma_wait3A_138 : memref<10240x128xf32, #tpu.memory_space<hbm>>) dst(%arg8 : memref<128x128xf32, #tpu.memory_space<vmem>>)
      %add3A_139 = arith.constant 1 : i32
      %add3A_140 = arith.addi %mul3A_112, %add3A_139 : i32
      %run_scoped3A_141 = arith.constant 1 : i32
      "tpu.region"() ({
        %run_scoped3A_151 = tpu.sem_alloc : memref<!tpu.dma_semaphore, #tpu.memory_space<semaphore_mem>>
        %dma_start3A_152 = arith.constant 0 : i32
        %dma_start3A_153 = tpu.memref_slice %arg6[%run_scoped3A_141, %add3A_140, %dma_start3A_152] : memref<2x56x128xi32, #tpu.memory_space<vmem>> -> memref<1x1x128xi32, #tpu.memory_space<vmem>>
        %dma_start3A_154 = tpu.memref_squeeze %dma_start3A_153 : memref<1x1x128xi32, #tpu.memory_space<vmem>> -> memref<128xi32, #tpu.memory_space<vmem>>
        %dma_start3A_155 = arith.constant 0 : i32
        %dma_start3A_156 = arith.constant 0 : i32
        %dma_start3A_157 = tpu.memref_slice %arg9[%dma_start3A_155, %dma_start3A_156] : memref<10240x128xf32, #tpu.memory_space<vmem_shared>> -> memref<10240x128xf32, #tpu.memory_space<vmem_shared>>
        tpu.enqueue_indirect_dma source(%arg8 : memref<128x128xf32, #tpu.memory_space<vmem>>) target(%dma_start3A_157 : memref<10240x128xf32, #tpu.memory_space<vmem_shared>>) offsets(%dma_start3A_154 : memref<128xi32, #tpu.memory_space<vmem>>) semaphore(%run_scoped3A_151 : memref<!tpu.dma_semaphore, #tpu.memory_space<semaphore_mem>>) {add = true}
        %dma_wait3A_158 = arith.constant 0 : i32
        %dma_wait3A_159 = tpu.memref_slice %arg6[%run_scoped3A_141, %add3A_140, %dma_wait3A_158] : memref<2x56x128xi32, #tpu.memory_space<vmem>> -> memref<1x1x128xi32, #tpu.memory_space<vmem>>
        %dma_wait3A_160 = tpu.memref_squeeze %dma_wait3A_159 : memref<1x1x128xi32, #tpu.memory_space<vmem>> -> memref<128xi32, #tpu.memory_space<vmem>>
        %dma_wait3A_161 = arith.constant 0 : i32
        %dma_wait3A_162 = arith.constant 0 : i32
        %dma_wait3A_163 = tpu.memref_slice %arg9[%dma_wait3A_161, %dma_wait3A_162] : memref<10240x128xf32, #tpu.memory_space<vmem_shared>> -> memref<10240x128xf32, #tpu.memory_space<vmem_shared>>
        tpu.wait_indirect_dma semaphore(%run_scoped3A_151 : memref<!tpu.dma_semaphore, #tpu.memory_space<semaphore_mem>>) src(%arg8 : memref<128x128xf32, #tpu.memory_space<vmem>>) dst(%dma_wait3A_163 : memref<10240x128xf32, #tpu.memory_space<vmem_shared>>)
        tpu.yield
      }) : () -> ()
      %add3A_142 = arith.constant 3 : i32
      %add3A_143 = arith.addi %mul3A_112, %add3A_142 : i32
      %dma_start3A_144 = arith.constant 0 : i32
      %dma_start3A_145 = arith.constant 0 : i32
      %dma_start3A_146 = tpu.memref_slice %arg6[%dma_start3A_144, %add3A_143, %dma_start3A_145] : memref<2x56x128xi32, #tpu.memory_space<vmem>> -> memref<1x1x128xi32, #tpu.memory_space<vmem>>
      %dma_start3A_147 = tpu.memref_squeeze %dma_start3A_146 : memref<1x1x128xi32, #tpu.memory_space<vmem>> -> memref<128xi32, #tpu.memory_space<vmem>>
      %dma_start3A_148 = arith.constant 0 : i32
      %dma_start3A_149 = arith.constant 0 : i32
      %dma_start3A_150 = tpu.memref_slice %arg2[%dma_start3A_148, %dma_start3A_149] : memref<10240x128xf32, #tpu.memory_space<hbm>> -> memref<10240x128xf32, #tpu.memory_space<hbm>>
      tpu.enqueue_indirect_dma source(%dma_start3A_150 : memref<10240x128xf32, #tpu.memory_space<hbm>>) target(%arg8 : memref<128x128xf32, #tpu.memory_space<vmem>>) offsets(%dma_start3A_147 : memref<128xi32, #tpu.memory_space<vmem>>) semaphore(%arg11 : memref<!tpu.dma_semaphore, #tpu.memory_space<semaphore_mem>>)
    }
    %sub3A_85 = arith.constant 1 : i32
    %sub3A_86 = arith.subi %select_n3A_56, %sub3A_85 : i32
    %mul3A_87 = arith.constant 2 : i32
    %mul3A_88 = arith.muli %mul3A_87, %sub3A_86 : i32
    %dma_wait3A_89 = arith.constant 0 : i32
    %dma_wait3A_90 = arith.constant 0 : i32
    %dma_wait3A_91 = tpu.memref_slice %arg6[%dma_wait3A_89, %mul3A_88, %dma_wait3A_90] : memref<2x56x128xi32, #tpu.memory_space<vmem>> -> memref<1x1x128xi32, #tpu.memory_space<vmem>>
    %dma_wait3A_92 = tpu.memref_squeeze %dma_wait3A_91 : memref<1x1x128xi32, #tpu.memory_space<vmem>> -> memref<128xi32, #tpu.memory_space<vmem>>
    %dma_wait3A_93 = arith.constant 0 : i32
    %dma_wait3A_94 = arith.constant 0 : i32
    %dma_wait3A_95 = tpu.memref_slice %arg2[%dma_wait3A_93, %dma_wait3A_94] : memref<10240x128xf32, #tpu.memory_space<hbm>> -> memref<10240x128xf32, #tpu.memory_space<hbm>>
    tpu.wait_indirect_dma semaphore(%arg10 : memref<!tpu.dma_semaphore, #tpu.memory_space<semaphore_mem>>) src(%dma_wait3A_95 : memref<10240x128xf32, #tpu.memory_space<hbm>>) dst(%arg7 : memref<128x128xf32, #tpu.memory_space<vmem>>)
    %run_scoped3A_96 = arith.constant 1 : i32
    "tpu.region"() ({
      %run_scoped3A_110 = tpu.sem_alloc : memref<!tpu.dma_semaphore, #tpu.memory_space<semaphore_mem>>
      %dma_start3A_111 = arith.constant 0 : i32
      %dma_start3A_112 = tpu.memref_slice %arg6[%run_scoped3A_96, %mul3A_88, %dma_start3A_111] : memref<2x56x128xi32, #tpu.memory_space<vmem>> -> memref<1x1x128xi32, #tpu.memory_space<vmem>>
      %dma_start3A_113 = tpu.memref_squeeze %dma_start3A_112 : memref<1x1x128xi32, #tpu.memory_space<vmem>> -> memref<128xi32, #tpu.memory_space<vmem>>
      %dma_start3A_114 = arith.constant 0 : i32
      %dma_start3A_115 = arith.constant 0 : i32
      %dma_start3A_116 = tpu.memref_slice %arg9[%dma_start3A_114, %dma_start3A_115] : memref<10240x128xf32, #tpu.memory_space<vmem_shared>> -> memref<10240x128xf32, #tpu.memory_space<vmem_shared>>
      tpu.enqueue_indirect_dma source(%arg7 : memref<128x128xf32, #tpu.memory_space<vmem>>) target(%dma_start3A_116 : memref<10240x128xf32, #tpu.memory_space<vmem_shared>>) offsets(%dma_start3A_113 : memref<128xi32, #tpu.memory_space<vmem>>) semaphore(%run_scoped3A_110 : memref<!tpu.dma_semaphore, #tpu.memory_space<semaphore_mem>>) {add = true}
      %dma_wait3A_117 = arith.constant 0 : i32
      %dma_wait3A_118 = tpu.memref_slice %arg6[%run_scoped3A_96, %mul3A_88, %dma_wait3A_117] : memref<2x56x128xi32, #tpu.memory_space<vmem>> -> memref<1x1x128xi32, #tpu.memory_space<vmem>>
      %dma_wait3A_119 = tpu.memref_squeeze %dma_wait3A_118 : memref<1x1x128xi32, #tpu.memory_space<vmem>> -> memref<128xi32, #tpu.memory_space<vmem>>
      %dma_wait3A_120 = arith.constant 0 : i32
      %dma_wait3A_121 = arith.constant 0 : i32
      %dma_wait3A_122 = tpu.memref_slice %arg9[%dma_wait3A_120, %dma_wait3A_121] : memref<10240x128xf32, #tpu.memory_space<vmem_shared>> -> memref<10240x128xf32, #tpu.memory_space<vmem_shared>>
      tpu.wait_indirect_dma semaphore(%run_scoped3A_110 : memref<!tpu.dma_semaphore, #tpu.memory_space<semaphore_mem>>) src(%arg7 : memref<128x128xf32, #tpu.memory_space<vmem>>) dst(%dma_wait3A_122 : memref<10240x128xf32, #tpu.memory_space<vmem_shared>>)
      tpu.yield
    }) : () -> ()
    %add3A_97 = arith.constant 1 : i32
    %add3A_98 = arith.addi %mul3A_88, %add3A_97 : i32
    %dma_wait3A_99 = arith.constant 0 : i32
    %dma_wait3A_100 = arith.constant 0 : i32
    %dma_wait3A_101 = tpu.memref_slice %arg6[%dma_wait3A_99, %add3A_98, %dma_wait3A_100] : memref<2x56x128xi32, #tpu.memory_space<vmem>> -> memref<1x1x128xi32, #tpu.memory_space<vmem>>
    %dma_wait3A_102 = tpu.memref_squeeze %dma_wait3A_101 : memref<1x1x128xi32, #tpu.memory_space<vmem>> -> memref<128xi32, #tpu.memory_space<vmem>>
    %dma_wait3A_103 = arith.constant 0 : i32
    %dma_wait3A_104 = arith.constant 0 : i32
    %dma_wait3A_105 = tpu.memref_slice %arg2[%dma_wait3A_103, %dma_wait3A_104] : memref<10240x128xf32, #tpu.memory_space<hbm>> -> memref<10240x128xf32, #tpu.memory_space<hbm>>
    tpu.wait_indirect_dma semaphore(%arg11 : memref<!tpu.dma_semaphore, #tpu.memory_space<semaphore_mem>>) src(%dma_wait3A_105 : memref<10240x128xf32, #tpu.memory_space<hbm>>) dst(%arg8 : memref<128x128xf32, #tpu.memory_space<vmem>>)
    %add3A_106 = arith.constant 1 : i32
    %add3A_107 = arith.addi %mul3A_88, %add3A_106 : i32
    %run_scoped3A_108 = arith.constant 1 : i32
    "tpu.region"() ({
      %run_scoped3A_110 = tpu.sem_alloc : memref<!tpu.dma_semaphore, #tpu.memory_space<semaphore_mem>>
      %dma_start3A_111 = arith.constant 0 : i32
      %dma_start3A_112 = tpu.memref_slice %arg6[%run_scoped3A_108, %add3A_107, %dma_start3A_111] : memref<2x56x128xi32, #tpu.memory_space<vmem>> -> memref<1x1x128xi32, #tpu.memory_space<vmem>>
      %dma_start3A_113 = tpu.memref_squeeze %dma_start3A_112 : memref<1x1x128xi32, #tpu.memory_space<vmem>> -> memref<128xi32, #tpu.memory_space<vmem>>
      %dma_start3A_114 = arith.constant 0 : i32
      %dma_start3A_115 = arith.constant 0 : i32
      %dma_start3A_116 = tpu.memref_slice %arg9[%dma_start3A_114, %dma_start3A_115] : memref<10240x128xf32, #tpu.memory_space<vmem_shared>> -> memref<10240x128xf32, #tpu.memory_space<vmem_shared>>
      tpu.enqueue_indirect_dma source(%arg8 : memref<128x128xf32, #tpu.memory_space<vmem>>) target(%dma_start3A_116 : memref<10240x128xf32, #tpu.memory_space<vmem_shared>>) offsets(%dma_start3A_113 : memref<128xi32, #tpu.memory_space<vmem>>) semaphore(%run_scoped3A_110 : memref<!tpu.dma_semaphore, #tpu.memory_space<semaphore_mem>>) {add = true}
      %dma_wait3A_117 = arith.constant 0 : i32
      %dma_wait3A_118 = tpu.memref_slice %arg6[%run_scoped3A_108, %add3A_107, %dma_wait3A_117] : memref<2x56x128xi32, #tpu.memory_space<vmem>> -> memref<1x1x128xi32, #tpu.memory_space<vmem>>
      %dma_wait3A_119 = tpu.memref_squeeze %dma_wait3A_118 : memref<1x1x128xi32, #tpu.memory_space<vmem>> -> memref<128xi32, #tpu.memory_space<vmem>>
      %dma_wait3A_120 = arith.constant 0 : i32
      %dma_wait3A_121 = arith.constant 0 : i32
      %dma_wait3A_122 = tpu.memref_slice %arg9[%dma_wait3A_120, %dma_wait3A_121] : memref<10240x128xf32, #tpu.memory_space<vmem_shared>> -> memref<10240x128xf32, #tpu.memory_space<vmem_shared>>
      tpu.wait_indirect_dma semaphore(%run_scoped3A_110 : memref<!tpu.dma_semaphore, #tpu.memory_space<semaphore_mem>>) src(%arg8 : memref<128x128xf32, #tpu.memory_space<vmem>>) dst(%dma_wait3A_122 : memref<10240x128xf32, #tpu.memory_space<vmem_shared>>)
      tpu.yield
    }) : () -> ()
    %barrier3A_109 = arith.constant 0 : index
    tpu.barrier barrier_id(%barrier3A_109)
    "tpu.region"() ({
      %run_scoped3A_110 = tpu.sem_alloc : memref<!tpu.dma_semaphore, #tpu.memory_space<semaphore_mem>>
      %dma_start3A_111 = arith.constant 0 : i32
      %dma_start3A_112 = tpu.memref_slice %arg5[%arg0, %mul3A_0, %dma_start3A_111] : memref<2x10240x128xf32, #tpu.memory_space<hbm>> -> memref<1x640x128xf32, #tpu.memory_space<hbm>>
      %dma_start3A_113 = tpu.memref_squeeze %dma_start3A_112 : memref<1x640x128xf32, #tpu.memory_space<hbm>> -> memref<640x128xf32, #tpu.memory_space<hbm>>
      %dma_start3A_114 = arith.constant 0 : i32
      %dma_start3A_115 = tpu.memref_slice %arg9[%mul3A_0, %dma_start3A_114] : memref<10240x128xf32, #tpu.memory_space<vmem_shared>> -> memref<640x128xf32, #tpu.memory_space<vmem_shared>>
      tpu.enqueue_dma source(%dma_start3A_115 : memref<640x128xf32, #tpu.memory_space<vmem_shared>>) target(%dma_start3A_113 : memref<640x128xf32, #tpu.memory_space<hbm>>) target_semaphore(%run_scoped3A_110 : memref<!tpu.dma_semaphore, #tpu.memory_space<semaphore_mem>>)
      %dma_wait3A_116 = arith.constant 0 : i32
      %dma_wait3A_117 = tpu.memref_slice %arg5[%arg0, %mul3A_0, %dma_wait3A_116] : memref<2x10240x128xf32, #tpu.memory_space<hbm>> -> memref<1x640x128xf32, #tpu.memory_space<hbm>>
      %dma_wait3A_118 = tpu.memref_squeeze %dma_wait3A_117 : memref<1x640x128xf32, #tpu.memory_space<hbm>> -> memref<640x128xf32, #tpu.memory_space<hbm>>
      %dma_wait3A_119 = arith.constant 0 : i32
      %dma_wait3A_120 = tpu.memref_slice %arg9[%mul3A_0, %dma_wait3A_119] : memref<10240x128xf32, #tpu.memory_space<vmem_shared>> -> memref<640x128xf32, #tpu.memory_space<vmem_shared>>
      tpu.wait_dma2 semaphore(%run_scoped3A_110 : memref<!tpu.dma_semaphore, #tpu.memory_space<semaphore_mem>>) src(%dma_wait3A_120 : memref<640x128xf32, #tpu.memory_space<vmem_shared>>) dst(%dma_wait3A_118 : memref<640x128xf32, #tpu.memory_space<hbm>>)
      tpu.yield
    }) : () -> ()
    return
  }
}

#map = affine_map<(d0, d1) -> (0, 0)>
#map1 = affine_map<(d0, d1) -> (0, 0, 0, 0)>
#map2 = affine_map<(d0, d1) -> (0, 0, 0)>
module attributes {stable_mosaic.version = 14 : i64} {
  func.func @spmm(%arg0: i32, %arg1: i32, %arg2: memref<10240x128xf32, #tpu.memory_space<hbm>>, %arg3: memref<2x32x112x128xi32, #tpu.memory_space<hbm>>, %arg4: memref<640x128xf32, #tpu.memory_space<hbm>>, %arg5: memref<2x10240x128xf32, #tpu.memory_space<hbm>>, %arg6: memref<2x56x128xi32, #tpu.memory_space<vmem>>, %arg7: memref<128x128xf32, #tpu.memory_space<vmem>>, %arg8: memref<128x128xf32, #tpu.memory_space<vmem>>, %arg9: memref<10240x128xf32, #tpu.memory_space<vmem_shared>>, %arg10: memref<!tpu.dma_semaphore, #tpu.memory_space<semaphore_mem>>, %arg11: memref<!tpu.dma_semaphore, #tpu.memory_space<semaphore_mem>>) attributes {dimension_semantics = [#tpu.dimension_semantics<core_parallel>, #tpu.dimension_semantics<subcore_parallel>], iteration_bounds = array<i64: 2, 16>, scalar_prefetch = 0 : i64, scratch_operands = 6 : i64, tpu.core_type = #tpu.core_type<sc_vector_subcore>, window_params = [{transform_indices = #map}, {transform_indices = #map1}, {transform_indices = #map}, {transform_indices = #map2}]} {
    %mul3A = arith.constant 640 : i32
    %mul3A_0 = arith.muli %arg1, %mul3A : i32
    %mul3A_1 = arith.constant 16 : i32
    %mul3A_2 = arith.muli %arg0, %mul3A_1 : i32
    %add3A = arith.addi %mul3A_2, %arg1 : i32
    "tpu.region"() ({
      %run_scoped3A_110 = tpu.sem_alloc : memref<!tpu.dma_semaphore, #tpu.memory_space<semaphore_mem>>
      %dma_start3A_111 = arith.constant 0 : i32
      %dma_start3A_112 = tpu.memref_slice %arg9[%mul3A_0, %dma_start3A_111] : memref<10240x128xf32, #tpu.memory_space<vmem_shared>> -> memref<640x128xf32, #tpu.memory_space<vmem_shared>>
      tpu.enqueue_dma source(%arg4 : memref<640x128xf32, #tpu.memory_space<hbm>>) target(%dma_start3A_112 : memref<640x128xf32, #tpu.memory_space<vmem_shared>>) target_semaphore(%run_scoped3A_110 : memref<!tpu.dma_semaphore, #tpu.memory_space<semaphore_mem>>)
      %dma_wait3A_113 = arith.constant 0 : i32
      %dma_wait3A_114 = tpu.memref_slice %arg9[%mul3A_0, %dma_wait3A_113] : memref<10240x128xf32, #tpu.memory_space<vmem_shared>> -> memref<640x128xf32, #tpu.memory_space<vmem_shared>>
      tpu.wait_dma2 semaphore(%run_scoped3A_110 : memref<!tpu.dma_semaphore, #tpu.memory_space<semaphore_mem>>) src(%arg4 : memref<640x128xf32, #tpu.memory_space<hbm>>) dst(%dma_wait3A_114 : memref<640x128xf32, #tpu.memory_space<vmem_shared>>)
      tpu.yield
    }) : () -> ()
    %barrier3A = arith.constant 0 : index
    tpu.barrier barrier_id(%barrier3A)
    %eq3A = arith.constant 0 : i32
    %eq3A_3 = arith.cmpi eq, %arg0, %eq3A : i32
    %jit3A = arith.constant 28 : i32
    %jit3A_4 = arith.constant 12 : i32
    %select_n3A = arith.select %eq3A_3, %jit3A, %jit3A_4 : i32
    "tpu.region"() ({
      %run_scoped3A_110 = tpu.sem_alloc : memref<!tpu.dma_semaphore, #tpu.memory_space<semaphore_mem>>
      %dma_start3A_111 = arith.constant 0 : i32
      %dma_start3A_112 = arith.constant 0 : i32
      %dma_start3A_113 = arith.constant 0 : i32
      %dma_start3A_114 = tpu.memref_slice %arg3[%dma_start3A_111, %add3A, %dma_start3A_112, %dma_start3A_113] : memref<2x32x112x128xi32, #tpu.memory_space<hbm>> -> memref<2x1x56x128xi32, #tpu.memory_space<hbm>>
      %dma_start3A_115 = tpu.memref_squeeze %dma_start3A_114 : memref<2x1x56x128xi32, #tpu.memory_space<hbm>> -> memref<2x56x128xi32, #tpu.memory_space<hbm>>
      %dma_start3A_116 = arith.constant 0 : i32
      %dma_start3A_117 = arith.constant 0 : i32
      %dma_start3A_118 = arith.constant 0 : i32
      %dma_start3A_119 = tpu.memref_slice %arg3[%dma_start3A_116, %add3A, %dma_start3A_117, %dma_start3A_118] : memref<2x32x112x128xi32, #tpu.memory_space<hbm>> -> memref<2x1x56x128xi32, #tpu.memory_space<hbm>>
      %dma_start3A_120 = tpu.memref_squeeze %dma_start3A_119 : memref<2x1x56x128xi32, #tpu.memory_space<hbm>> -> memref<2x56x128xi32, #tpu.memory_space<hbm>>
      tpu.enqueue_dma source(%dma_start3A_120 : memref<2x56x128xi32, #tpu.memory_space<hbm>>) target(%arg6 : memref<2x56x128xi32, #tpu.memory_space<vmem>>) target_semaphore(%run_scoped3A_110 : memref<!tpu.dma_semaphore, #tpu.memory_space<semaphore_mem>>)
      %dma_wait3A_121 = arith.constant 0 : i32
      %dma_wait3A_122 = arith.constant 0 : i32
      %dma_wait3A_123 = arith.constant 0 : i32
      %dma_wait3A_124 = tpu.memref_slice %arg3[%dma_wait3A_121, %add3A, %dma_wait3A_122, %dma_wait3A_123] : memref<2x32x112x128xi32, #tpu.memory_space<hbm>> -> memref<2x1x56x128xi32, #tpu.memory_space<hbm>>
      %dma_wait3A_125 = tpu.memref_squeeze %dma_wait3A_124 : memref<2x1x56x128xi32, #tpu.memory_space<hbm>> -> memref<2x56x128xi32, #tpu.memory_space<hbm>>
      %dma_wait3A_126 = arith.constant 0 : i32
      %dma_wait3A_127 = arith.constant 0 : i32
      %dma_wait3A_128 = arith.constant 0 : i32
      %dma_wait3A_129 = tpu.memref_slice %arg3[%dma_wait3A_126, %add3A, %dma_wait3A_127, %dma_wait3A_128] : memref<2x32x112x128xi32, #tpu.memory_space<hbm>> -> memref<2x1x56x128xi32, #tpu.memory_space<hbm>>
      %dma_wait3A_130 = tpu.memref_squeeze %dma_wait3A_129 : memref<2x1x56x128xi32, #tpu.memory_space<hbm>> -> memref<2x56x128xi32, #tpu.memory_space<hbm>>
      tpu.wait_dma2 semaphore(%run_scoped3A_110 : memref<!tpu.dma_semaphore, #tpu.memory_space<semaphore_mem>>) src(%dma_wait3A_130 : memref<2x56x128xi32, #tpu.memory_space<hbm>>) dst(%arg6 : memref<2x56x128xi32, #tpu.memory_space<vmem>>)
      tpu.yield
    }) : () -> ()
    %dma_start3A = arith.constant 0 : i32
    %dma_start3A_5 = arith.constant 0 : i32
    %dma_start3A_6 = arith.constant 0 : i32
    %dma_start3A_7 = tpu.memref_slice %arg6[%dma_start3A, %dma_start3A_5, %dma_start3A_6] : memref<2x56x128xi32, #tpu.memory_space<vmem>> -> memref<1x1x128xi32, #tpu.memory_space<vmem>>
    %dma_start3A_8 = tpu.memref_squeeze %dma_start3A_7 : memref<1x1x128xi32, #tpu.memory_space<vmem>> -> memref<128xi32, #tpu.memory_space<vmem>>
    %dma_start3A_9 = arith.constant 0 : i32
    %dma_start3A_10 = arith.constant 0 : i32
    %dma_start3A_11 = tpu.memref_slice %arg2[%dma_start3A_9, %dma_start3A_10] : memref<10240x128xf32, #tpu.memory_space<hbm>> -> memref<10240x128xf32, #tpu.memory_space<hbm>>
    tpu.enqueue_indirect_dma source(%dma_start3A_11 : memref<10240x128xf32, #tpu.memory_space<hbm>>) target(%arg7 : memref<128x128xf32, #tpu.memory_space<vmem>>) offsets(%dma_start3A_8 : memref<128xi32, #tpu.memory_space<vmem>>) semaphore(%arg10 : memref<!tpu.dma_semaphore, #tpu.memory_space<semaphore_mem>>)
    %dma_start3A_12 = arith.constant 0 : i32
    %dma_start3A_13 = arith.constant 1 : i32
    %dma_start3A_14 = arith.constant 0 : i32
    %dma_start3A_15 = tpu.memref_slice %arg6[%dma_start3A_12, %dma_start3A_13, %dma_start3A_14] : memref<2x56x128xi32, #tpu.memory_space<vmem>> -> memref<1x1x128xi32, #tpu.memory_space<vmem>>
    %dma_start3A_16 = tpu.memref_squeeze %dma_start3A_15 : memref<1x1x128xi32, #tpu.memory_space<vmem>> -> memref<128xi32, #tpu.memory_space<vmem>>
    %dma_start3A_17 = arith.constant 0 : i32
    %dma_start3A_18 = arith.constant 0 : i32
    %dma_start3A_19 = tpu.memref_slice %arg2[%dma_start3A_17, %dma_start3A_18] : memref<10240x128xf32, #tpu.memory_space<hbm>> -> memref<10240x128xf32, #tpu.memory_space<hbm>>
    tpu.enqueue_indirect_dma source(%dma_start3A_19 : memref<10240x128xf32, #tpu.memory_space<hbm>>) target(%arg8 : memref<128x128xf32, #tpu.memory_space<vmem>>) offsets(%dma_start3A_16 : memref<128xi32, #tpu.memory_space<vmem>>) semaphore(%arg11 : memref<!tpu.dma_semaphore, #tpu.memory_space<semaphore_mem>>)
    %sub3A = arith.constant 1 : i32
    %sub3A_20 = arith.subi %select_n3A, %sub3A : i32
    %while3A = arith.constant 0 : i32
    %while3A_21 = arith.constant 0 : i32
    %while3A_22 = arith.subi %sub3A_20, %while3A_21 : i32
    %while3A_23 = arith.addi %while3A_21, %while3A_22 : i32
    %while3A_24 = arith.constant 1 : i32
    %while3A_25 = arith.divsi %while3A_22, %while3A_24 : i32
    %while3A_26 = arith.muli %while3A_25, %while3A_24 : i32
    %while3A_27 = arith.addi %while3A_21, %while3A_26 : i32
    %while3A_28 = arith.constant 1 : i32
    scf.for %while3A_110 = %while3A_21 to %while3A_27 step %while3A_28  : i32 {
      %mul3A_111 = arith.constant 2 : i32
      %mul3A_112 = arith.muli %mul3A_111, %while3A_110 : i32
      %dma_wait3A_113 = arith.constant 0 : i32
      %dma_wait3A_114 = arith.constant 0 : i32
      %dma_wait3A_115 = tpu.memref_slice %arg6[%dma_wait3A_113, %mul3A_112, %dma_wait3A_114] : memref<2x56x128xi32, #tpu.memory_space<vmem>> -> memref<1x1x128xi32, #tpu.memory_space<vmem>>
      %dma_wait3A_116 = tpu.memref_squeeze %dma_wait3A_115 : memref<1x1x128xi32, #tpu.memory_space<vmem>> -> memref<128xi32, #tpu.memory_space<vmem>>
      %dma_wait3A_117 = arith.constant 0 : i32
      %dma_wait3A_118 = arith.constant 0 : i32
      %dma_wait3A_119 = tpu.memref_slice %arg2[%dma_wait3A_117, %dma_wait3A_118] : memref<10240x128xf32, #tpu.memory_space<hbm>> -> memref<10240x128xf32, #tpu.memory_space<hbm>>
      tpu.wait_indirect_dma semaphore(%arg10 : memref<!tpu.dma_semaphore, #tpu.memory_space<semaphore_mem>>) src(%dma_wait3A_119 : memref<10240x128xf32, #tpu.memory_space<hbm>>) dst(%arg7 : memref<128x128xf32, #tpu.memory_space<vmem>>)
      %run_scoped3A_120 = arith.constant 1 : i32
      "tpu.region"() ({
        %run_scoped3A_151 = tpu.sem_alloc : memref<!tpu.dma_semaphore, #tpu.memory_space<semaphore_mem>>
        %dma_start3A_152 = arith.constant 0 : i32
        %dma_start3A_153 = tpu.memref_slice %arg6[%run_scoped3A_120, %mul3A_112, %dma_start3A_152] : memref<2x56x128xi32, #tpu.memory_space<vmem>> -> memref<1x1x128xi32, #tpu.memory_space<vmem>>
        %dma_start3A_154 = tpu.memref_squeeze %dma_start3A_153 : memref<1x1x128xi32, #tpu.memory_space<vmem>> -> memref<128xi32, #tpu.memory_space<vmem>>
        %dma_start3A_155 = arith.constant 0 : i32
        %dma_start3A_156 = arith.constant 0 : i32
        %dma_start3A_157 = tpu.memref_slice %arg9[%dma_start3A_155, %dma_start3A_156] : memref<10240x128xf32, #tpu.memory_space<vmem_shared>> -> memref<10240x128xf32, #tpu.memory_space<vmem_shared>>
        tpu.enqueue_indirect_dma source(%arg7 : memref<128x128xf32, #tpu.memory_space<vmem>>) target(%dma_start3A_157 : memref<10240x128xf32, #tpu.memory_space<vmem_shared>>) offsets(%dma_start3A_154 : memref<128xi32, #tpu.memory_space<vmem>>) semaphore(%run_scoped3A_151 : memref<!tpu.dma_semaphore, #tpu.memory_space<semaphore_mem>>) {add = true}
        %dma_wait3A_158 = arith.constant 0 : i32
        %dma_wait3A_159 = tpu.memref_slice %arg6[%run_scoped3A_120, %mul3A_112, %dma_wait3A_158] : memref<2x56x128xi32, #tpu.memory_space<vmem>> -> memref<1x1x128xi32, #tpu.memory_space<vmem>>
        %dma_wait3A_160 = tpu.memref_squeeze %dma_wait3A_159 : memref<1x1x128xi32, #tpu.memory_space<vmem>> -> memref<128xi32, #tpu.memory_space<vmem>>
        %dma_wait3A_161 = arith.constant 0 : i32
        %dma_wait3A_162 = arith.constant 0 : i32
        %dma_wait3A_163 = tpu.memref_slice %arg9[%dma_wait3A_161, %dma_wait3A_162] : memref<10240x128xf32, #tpu.memory_space<vmem_shared>> -> memref<10240x128xf32, #tpu.memory_space<vmem_shared>>
        tpu.wait_indirect_dma semaphore(%run_scoped3A_151 : memref<!tpu.dma_semaphore, #tpu.memory_space<semaphore_mem>>) src(%arg7 : memref<128x128xf32, #tpu.memory_space<vmem>>) dst(%dma_wait3A_163 : memref<10240x128xf32, #tpu.memory_space<vmem_shared>>)
        tpu.yield
      }) : () -> ()
      %add3A_121 = arith.constant 2 : i32
      %add3A_122 = arith.addi %mul3A_112, %add3A_121 : i32
      %dma_start3A_123 = arith.constant 0 : i32
      %dma_start3A_124 = arith.constant 0 : i32
      %dma_start3A_125 = tpu.memref_slice %arg6[%dma_start3A_123, %add3A_122, %dma_start3A_124] : memref<2x56x128xi32, #tpu.memory_space<vmem>> -> memref<1x1x128xi32, #tpu.memory_space<vmem>>
      %dma_start3A_126 = tpu.memref_squeeze %dma_start3A_125 : memref<1x1x128xi32, #tpu.memory_space<vmem>> -> memref<128xi32, #tpu.memory_space<vmem>>
      %dma_start3A_127 = arith.constant 0 : i32
      %dma_start3A_128 = arith.constant 0 : i32
      %dma_start3A_129 = tpu.memref_slice %arg2[%dma_start3A_127, %dma_start3A_128] : memref<10240x128xf32, #tpu.memory_space<hbm>> -> memref<10240x128xf32, #tpu.memory_space<hbm>>
      tpu.enqueue_indirect_dma source(%dma_start3A_129 : memref<10240x128xf32, #tpu.memory_space<hbm>>) target(%arg7 : memref<128x128xf32, #tpu.memory_space<vmem>>) offsets(%dma_start3A_126 : memref<128xi32, #tpu.memory_space<vmem>>) semaphore(%arg10 : memref<!tpu.dma_semaphore, #tpu.memory_space<semaphore_mem>>)
      %add3A_130 = arith.constant 1 : i32
      %add3A_131 = arith.addi %mul3A_112, %add3A_130 : i32
      %dma_wait3A_132 = arith.constant 0 : i32
      %dma_wait3A_133 = arith.constant 0 : i32
      %dma_wait3A_134 = tpu.memref_slice %arg6[%dma_wait3A_132, %add3A_131, %dma_wait3A_133] : memref<2x56x128xi32, #tpu.memory_space<vmem>> -> memref<1x1x128xi32, #tpu.memory_space<vmem>>
      %dma_wait3A_135 = tpu.memref_squeeze %dma_wait3A_134 : memref<1x1x128xi32, #tpu.memory_space<vmem>> -> memref<128xi32, #tpu.memory_space<vmem>>
      %dma_wait3A_136 = arith.constant 0 : i32
      %dma_wait3A_137 = arith.constant 0 : i32
      %dma_wait3A_138 = tpu.memref_slice %arg2[%dma_wait3A_136, %dma_wait3A_137] : memref<10240x128xf32, #tpu.memory_space<hbm>> -> memref<10240x128xf32, #tpu.memory_space<hbm>>
      tpu.wait_indirect_dma semaphore(%arg11 : memref<!tpu.dma_semaphore, #tpu.memory_space<semaphore_mem>>) src(%dma_wait3A_138 : memref<10240x128xf32, #tpu.memory_space<hbm>>) dst(%arg8 : memref<128x128xf32, #tpu.memory_space<vmem>>)
      %add3A_139 = arith.constant 1 : i32
      %add3A_140 = arith.addi %mul3A_112, %add3A_139 : i32
      %run_scoped3A_141 = arith.constant 1 : i32
      "tpu.region"() ({
        %run_scoped3A_151 = tpu.sem_alloc : memref<!tpu.dma_semaphore, #tpu.memory_space<semaphore_mem>>
        %dma_start3A_152 = arith.constant 0 : i32
        %dma_start3A_153 = tpu.memref_slice %arg6[%run_scoped3A_141, %add3A_140, %dma_start3A_152] : memref<2x56x128xi32, #tpu.memory_space<vmem>> -> memref<1x1x128xi32, #tpu.memory_space<vmem>>
        %dma_start3A_154 = tpu.memref_squeeze %dma_start3A_153 : memref<1x1x128xi32, #tpu.memory_space<vmem>> -> memref<128xi32, #tpu.memory_space<vmem>>
        %dma_start3A_155 = arith.constant 0 : i32
        %dma_start3A_156 = arith.constant 0 : i32
        %dma_start3A_157 = tpu.memref_slice %arg9[%dma_start3A_155, %dma_start3A_156] : memref<10240x128xf32, #tpu.memory_space<vmem_shared>> -> memref<10240x128xf32, #tpu.memory_space<vmem_shared>>
        tpu.enqueue_indirect_dma source(%arg8 : memref<128x128xf32, #tpu.memory_space<vmem>>) target(%dma_start3A_157 : memref<10240x128xf32, #tpu.memory_space<vmem_shared>>) offsets(%dma_start3A_154 : memref<128xi32, #tpu.memory_space<vmem>>) semaphore(%run_scoped3A_151 : memref<!tpu.dma_semaphore, #tpu.memory_space<semaphore_mem>>) {add = true}
        %dma_wait3A_158 = arith.constant 0 : i32
        %dma_wait3A_159 = tpu.memref_slice %arg6[%run_scoped3A_141, %add3A_140, %dma_wait3A_158] : memref<2x56x128xi32, #tpu.memory_space<vmem>> -> memref<1x1x128xi32, #tpu.memory_space<vmem>>
        %dma_wait3A_160 = tpu.memref_squeeze %dma_wait3A_159 : memref<1x1x128xi32, #tpu.memory_space<vmem>> -> memref<128xi32, #tpu.memory_space<vmem>>
        %dma_wait3A_161 = arith.constant 0 : i32
        %dma_wait3A_162 = arith.constant 0 : i32
        %dma_wait3A_163 = tpu.memref_slice %arg9[%dma_wait3A_161, %dma_wait3A_162] : memref<10240x128xf32, #tpu.memory_space<vmem_shared>> -> memref<10240x128xf32, #tpu.memory_space<vmem_shared>>
        tpu.wait_indirect_dma semaphore(%run_scoped3A_151 : memref<!tpu.dma_semaphore, #tpu.memory_space<semaphore_mem>>) src(%arg8 : memref<128x128xf32, #tpu.memory_space<vmem>>) dst(%dma_wait3A_163 : memref<10240x128xf32, #tpu.memory_space<vmem_shared>>)
        tpu.yield
      }) : () -> ()
      %add3A_142 = arith.constant 3 : i32
      %add3A_143 = arith.addi %mul3A_112, %add3A_142 : i32
      %dma_start3A_144 = arith.constant 0 : i32
      %dma_start3A_145 = arith.constant 0 : i32
      %dma_start3A_146 = tpu.memref_slice %arg6[%dma_start3A_144, %add3A_143, %dma_start3A_145] : memref<2x56x128xi32, #tpu.memory_space<vmem>> -> memref<1x1x128xi32, #tpu.memory_space<vmem>>
      %dma_start3A_147 = tpu.memref_squeeze %dma_start3A_146 : memref<1x1x128xi32, #tpu.memory_space<vmem>> -> memref<128xi32, #tpu.memory_space<vmem>>
      %dma_start3A_148 = arith.constant 0 : i32
      %dma_start3A_149 = arith.constant 0 : i32
      %dma_start3A_150 = tpu.memref_slice %arg2[%dma_start3A_148, %dma_start3A_149] : memref<10240x128xf32, #tpu.memory_space<hbm>> -> memref<10240x128xf32, #tpu.memory_space<hbm>>
      tpu.enqueue_indirect_dma source(%dma_start3A_150 : memref<10240x128xf32, #tpu.memory_space<hbm>>) target(%arg8 : memref<128x128xf32, #tpu.memory_space<vmem>>) offsets(%dma_start3A_147 : memref<128xi32, #tpu.memory_space<vmem>>) semaphore(%arg11 : memref<!tpu.dma_semaphore, #tpu.memory_space<semaphore_mem>>)
    }
    %while3A_29 = arith.constant 1 : i32
    scf.for %while3A_110 = %while3A_27 to %while3A_23 step %while3A_29  : i32 {
      %mul3A_111 = arith.constant 2 : i32
      %mul3A_112 = arith.muli %mul3A_111, %while3A_110 : i32
      %dma_wait3A_113 = arith.constant 0 : i32
      %dma_wait3A_114 = arith.constant 0 : i32
      %dma_wait3A_115 = tpu.memref_slice %arg6[%dma_wait3A_113, %mul3A_112, %dma_wait3A_114] : memref<2x56x128xi32, #tpu.memory_space<vmem>> -> memref<1x1x128xi32, #tpu.memory_space<vmem>>
      %dma_wait3A_116 = tpu.memref_squeeze %dma_wait3A_115 : memref<1x1x128xi32, #tpu.memory_space<vmem>> -> memref<128xi32, #tpu.memory_space<vmem>>
      %dma_wait3A_117 = arith.constant 0 : i32
      %dma_wait3A_118 = arith.constant 0 : i32
      %dma_wait3A_119 = tpu.memref_slice %arg2[%dma_wait3A_117, %dma_wait3A_118] : memref<10240x128xf32, #tpu.memory_space<hbm>> -> memref<10240x128xf32, #tpu.memory_space<hbm>>
      tpu.wait_indirect_dma semaphore(%arg10 : memref<!tpu.dma_semaphore, #tpu.memory_space<semaphore_mem>>) src(%dma_wait3A_119 : memref<10240x128xf32, #tpu.memory_space<hbm>>) dst(%arg7 : memref<128x128xf32, #tpu.memory_space<vmem>>)
      %run_scoped3A_120 = arith.constant 1 : i32
      "tpu.region"() ({
        %run_scoped3A_151 = tpu.sem_alloc : memref<!tpu.dma_semaphore, #tpu.memory_space<semaphore_mem>>
        %dma_start3A_152 = arith.constant 0 : i32
        %dma_start3A_153 = tpu.memref_slice %arg6[%run_scoped3A_120, %mul3A_112, %dma_start3A_152] : memref<2x56x128xi32, #tpu.memory_space<vmem>> -> memref<1x1x128xi32, #tpu.memory_space<vmem>>
        %dma_start3A_154 = tpu.memref_squeeze %dma_start3A_153 : memref<1x1x128xi32, #tpu.memory_space<vmem>> -> memref<128xi32, #tpu.memory_space<vmem>>
        %dma_start3A_155 = arith.constant 0 : i32
        %dma_start3A_156 = arith.constant 0 : i32
        %dma_start3A_157 = tpu.memref_slice %arg9[%dma_start3A_155, %dma_start3A_156] : memref<10240x128xf32, #tpu.memory_space<vmem_shared>> -> memref<10240x128xf32, #tpu.memory_space<vmem_shared>>
        tpu.enqueue_indirect_dma source(%arg7 : memref<128x128xf32, #tpu.memory_space<vmem>>) target(%dma_start3A_157 : memref<10240x128xf32, #tpu.memory_space<vmem_shared>>) offsets(%dma_start3A_154 : memref<128xi32, #tpu.memory_space<vmem>>) semaphore(%run_scoped3A_151 : memref<!tpu.dma_semaphore, #tpu.memory_space<semaphore_mem>>) {add = true}
        %dma_wait3A_158 = arith.constant 0 : i32
        %dma_wait3A_159 = tpu.memref_slice %arg6[%run_scoped3A_120, %mul3A_112, %dma_wait3A_158] : memref<2x56x128xi32, #tpu.memory_space<vmem>> -> memref<1x1x128xi32, #tpu.memory_space<vmem>>
        %dma_wait3A_160 = tpu.memref_squeeze %dma_wait3A_159 : memref<1x1x128xi32, #tpu.memory_space<vmem>> -> memref<128xi32, #tpu.memory_space<vmem>>
        %dma_wait3A_161 = arith.constant 0 : i32
        %dma_wait3A_162 = arith.constant 0 : i32
        %dma_wait3A_163 = tpu.memref_slice %arg9[%dma_wait3A_161, %dma_wait3A_162] : memref<10240x128xf32, #tpu.memory_space<vmem_shared>> -> memref<10240x128xf32, #tpu.memory_space<vmem_shared>>
        tpu.wait_indirect_dma semaphore(%run_scoped3A_151 : memref<!tpu.dma_semaphore, #tpu.memory_space<semaphore_mem>>) src(%arg7 : memref<128x128xf32, #tpu.memory_space<vmem>>) dst(%dma_wait3A_163 : memref<10240x128xf32, #tpu.memory_space<vmem_shared>>)
        tpu.yield
      }) : () -> ()
      %add3A_121 = arith.constant 2 : i32
      %add3A_122 = arith.addi %mul3A_112, %add3A_121 : i32
      %dma_start3A_123 = arith.constant 0 : i32
      %dma_start3A_124 = arith.constant 0 : i32
      %dma_start3A_125 = tpu.memref_slice %arg6[%dma_start3A_123, %add3A_122, %dma_start3A_124] : memref<2x56x128xi32, #tpu.memory_space<vmem>> -> memref<1x1x128xi32, #tpu.memory_space<vmem>>
      %dma_start3A_126 = tpu.memref_squeeze %dma_start3A_125 : memref<1x1x128xi32, #tpu.memory_space<vmem>> -> memref<128xi32, #tpu.memory_space<vmem>>
      %dma_start3A_127 = arith.constant 0 : i32
      %dma_start3A_128 = arith.constant 0 : i32
      %dma_start3A_129 = tpu.memref_slice %arg2[%dma_start3A_127, %dma_start3A_128] : memref<10240x128xf32, #tpu.memory_space<hbm>> -> memref<10240x128xf32, #tpu.memory_space<hbm>>
      tpu.enqueue_indirect_dma source(%dma_start3A_129 : memref<10240x128xf32, #tpu.memory_space<hbm>>) target(%arg7 : memref<128x128xf32, #tpu.memory_space<vmem>>) offsets(%dma_start3A_126 : memref<128xi32, #tpu.memory_space<vmem>>) semaphore(%arg10 : memref<!tpu.dma_semaphore, #tpu.memory_space<semaphore_mem>>)
      %add3A_130 = arith.constant 1 : i32
      %add3A_131 = arith.addi %mul3A_112, %add3A_130 : i32
      %dma_wait3A_132 = arith.constant 0 : i32
      %dma_wait3A_133 = arith.constant 0 : i32
      %dma_wait3A_134 = tpu.memref_slice %arg6[%dma_wait3A_132, %add3A_131, %dma_wait3A_133] : memref<2x56x128xi32, #tpu.memory_space<vmem>> -> memref<1x1x128xi32, #tpu.memory_space<vmem>>
      %dma_wait3A_135 = tpu.memref_squeeze %dma_wait3A_134 : memref<1x1x128xi32, #tpu.memory_space<vmem>> -> memref<128xi32, #tpu.memory_space<vmem>>
      %dma_wait3A_136 = arith.constant 0 : i32
      %dma_wait3A_137 = arith.constant 0 : i32
      %dma_wait3A_138 = tpu.memref_slice %arg2[%dma_wait3A_136, %dma_wait3A_137] : memref<10240x128xf32, #tpu.memory_space<hbm>> -> memref<10240x128xf32, #tpu.memory_space<hbm>>
      tpu.wait_indirect_dma semaphore(%arg11 : memref<!tpu.dma_semaphore, #tpu.memory_space<semaphore_mem>>) src(%dma_wait3A_138 : memref<10240x128xf32, #tpu.memory_space<hbm>>) dst(%arg8 : memref<128x128xf32, #tpu.memory_space<vmem>>)
      %add3A_139 = arith.constant 1 : i32
      %add3A_140 = arith.addi %mul3A_112, %add3A_139 : i32
      %run_scoped3A_141 = arith.constant 1 : i32
      "tpu.region"() ({
        %run_scoped3A_151 = tpu.sem_alloc : memref<!tpu.dma_semaphore, #tpu.memory_space<semaphore_mem>>
        %dma_start3A_152 = arith.constant 0 : i32
        %dma_start3A_153 = tpu.memref_slice %arg6[%run_scoped3A_141, %add3A_140, %dma_start3A_152] : memref<2x56x128xi32, #tpu.memory_space<vmem>> -> memref<1x1x128xi32, #tpu.memory_space<vmem>>
        %dma_start3A_154 = tpu.memref_squeeze %dma_start3A_153 : memref<1x1x128xi32, #tpu.memory_space<vmem>> -> memref<128xi32, #tpu.memory_space<vmem>>
        %dma_start3A_155 = arith.constant 0 : i32
        %dma_start3A_156 = arith.constant 0 : i32
        %dma_start3A_157 = tpu.memref_slice %arg9[%dma_start3A_155, %dma_start3A_156] : memref<10240x128xf32, #tpu.memory_space<vmem_shared>> -> memref<10240x128xf32, #tpu.memory_space<vmem_shared>>
        tpu.enqueue_indirect_dma source(%arg8 : memref<128x128xf32, #tpu.memory_space<vmem>>) target(%dma_start3A_157 : memref<10240x128xf32, #tpu.memory_space<vmem_shared>>) offsets(%dma_start3A_154 : memref<128xi32, #tpu.memory_space<vmem>>) semaphore(%run_scoped3A_151 : memref<!tpu.dma_semaphore, #tpu.memory_space<semaphore_mem>>) {add = true}
        %dma_wait3A_158 = arith.constant 0 : i32
        %dma_wait3A_159 = tpu.memref_slice %arg6[%run_scoped3A_141, %add3A_140, %dma_wait3A_158] : memref<2x56x128xi32, #tpu.memory_space<vmem>> -> memref<1x1x128xi32, #tpu.memory_space<vmem>>
        %dma_wait3A_160 = tpu.memref_squeeze %dma_wait3A_159 : memref<1x1x128xi32, #tpu.memory_space<vmem>> -> memref<128xi32, #tpu.memory_space<vmem>>
        %dma_wait3A_161 = arith.constant 0 : i32
        %dma_wait3A_162 = arith.constant 0 : i32
        %dma_wait3A_163 = tpu.memref_slice %arg9[%dma_wait3A_161, %dma_wait3A_162] : memref<10240x128xf32, #tpu.memory_space<vmem_shared>> -> memref<10240x128xf32, #tpu.memory_space<vmem_shared>>
        tpu.wait_indirect_dma semaphore(%run_scoped3A_151 : memref<!tpu.dma_semaphore, #tpu.memory_space<semaphore_mem>>) src(%arg8 : memref<128x128xf32, #tpu.memory_space<vmem>>) dst(%dma_wait3A_163 : memref<10240x128xf32, #tpu.memory_space<vmem_shared>>)
        tpu.yield
      }) : () -> ()
      %add3A_142 = arith.constant 3 : i32
      %add3A_143 = arith.addi %mul3A_112, %add3A_142 : i32
      %dma_start3A_144 = arith.constant 0 : i32
      %dma_start3A_145 = arith.constant 0 : i32
      %dma_start3A_146 = tpu.memref_slice %arg6[%dma_start3A_144, %add3A_143, %dma_start3A_145] : memref<2x56x128xi32, #tpu.memory_space<vmem>> -> memref<1x1x128xi32, #tpu.memory_space<vmem>>
      %dma_start3A_147 = tpu.memref_squeeze %dma_start3A_146 : memref<1x1x128xi32, #tpu.memory_space<vmem>> -> memref<128xi32, #tpu.memory_space<vmem>>
      %dma_start3A_148 = arith.constant 0 : i32
      %dma_start3A_149 = arith.constant 0 : i32
      %dma_start3A_150 = tpu.memref_slice %arg2[%dma_start3A_148, %dma_start3A_149] : memref<10240x128xf32, #tpu.memory_space<hbm>> -> memref<10240x128xf32, #tpu.memory_space<hbm>>
      tpu.enqueue_indirect_dma source(%dma_start3A_150 : memref<10240x128xf32, #tpu.memory_space<hbm>>) target(%arg8 : memref<128x128xf32, #tpu.memory_space<vmem>>) offsets(%dma_start3A_147 : memref<128xi32, #tpu.memory_space<vmem>>) semaphore(%arg11 : memref<!tpu.dma_semaphore, #tpu.memory_space<semaphore_mem>>)
    }
    %sub3A_30 = arith.constant 1 : i32
    %sub3A_31 = arith.subi %select_n3A, %sub3A_30 : i32
    %mul3A_32 = arith.constant 2 : i32
    %mul3A_33 = arith.muli %mul3A_32, %sub3A_31 : i32
    %dma_wait3A = arith.constant 0 : i32
    %dma_wait3A_34 = arith.constant 0 : i32
    %dma_wait3A_35 = tpu.memref_slice %arg6[%dma_wait3A, %mul3A_33, %dma_wait3A_34] : memref<2x56x128xi32, #tpu.memory_space<vmem>> -> memref<1x1x128xi32, #tpu.memory_space<vmem>>
    %dma_wait3A_36 = tpu.memref_squeeze %dma_wait3A_35 : memref<1x1x128xi32, #tpu.memory_space<vmem>> -> memref<128xi32, #tpu.memory_space<vmem>>
    %dma_wait3A_37 = arith.constant 0 : i32
    %dma_wait3A_38 = arith.constant 0 : i32
    %dma_wait3A_39 = tpu.memref_slice %arg2[%dma_wait3A_37, %dma_wait3A_38] : memref<10240x128xf32, #tpu.memory_space<hbm>> -> memref<10240x128xf32, #tpu.memory_space<hbm>>
    tpu.wait_indirect_dma semaphore(%arg10 : memref<!tpu.dma_semaphore, #tpu.memory_space<semaphore_mem>>) src(%dma_wait3A_39 : memref<10240x128xf32, #tpu.memory_space<hbm>>) dst(%arg7 : memref<128x128xf32, #tpu.memory_space<vmem>>)
    %run_scoped3A = arith.constant 1 : i32
    "tpu.region"() ({
      %run_scoped3A_110 = tpu.sem_alloc : memref<!tpu.dma_semaphore, #tpu.memory_space<semaphore_mem>>
      %dma_start3A_111 = arith.constant 0 : i32
      %dma_start3A_112 = tpu.memref_slice %arg6[%run_scoped3A, %mul3A_33, %dma_start3A_111] : memref<2x56x128xi32, #tpu.memory_space<vmem>> -> memref<1x1x128xi32, #tpu.memory_space<vmem>>
      %dma_start3A_113 = tpu.memref_squeeze %dma_start3A_112 : memref<1x1x128xi32, #tpu.memory_space<vmem>> -> memref<128xi32, #tpu.memory_space<vmem>>
      %dma_start3A_114 = arith.constant 0 : i32
      %dma_start3A_115 = arith.constant 0 : i32
      %dma_start3A_116 = tpu.memref_slice %arg9[%dma_start3A_114, %dma_start3A_115] : memref<10240x128xf32, #tpu.memory_space<vmem_shared>> -> memref<10240x128xf32, #tpu.memory_space<vmem_shared>>
      tpu.enqueue_indirect_dma source(%arg7 : memref<128x128xf32, #tpu.memory_space<vmem>>) target(%dma_start3A_116 : memref<10240x128xf32, #tpu.memory_space<vmem_shared>>) offsets(%dma_start3A_113 : memref<128xi32, #tpu.memory_space<vmem>>) semaphore(%run_scoped3A_110 : memref<!tpu.dma_semaphore, #tpu.memory_space<semaphore_mem>>) {add = true}
      %dma_wait3A_117 = arith.constant 0 : i32
      %dma_wait3A_118 = tpu.memref_slice %arg6[%run_scoped3A, %mul3A_33, %dma_wait3A_117] : memref<2x56x128xi32, #tpu.memory_space<vmem>> -> memref<1x1x128xi32, #tpu.memory_space<vmem>>
      %dma_wait3A_119 = tpu.memref_squeeze %dma_wait3A_118 : memref<1x1x128xi32, #tpu.memory_space<vmem>> -> memref<128xi32, #tpu.memory_space<vmem>>
      %dma_wait3A_120 = arith.constant 0 : i32
      %dma_wait3A_121 = arith.constant 0 : i32
      %dma_wait3A_122 = tpu.memref_slice %arg9[%dma_wait3A_120, %dma_wait3A_121] : memref<10240x128xf32, #tpu.memory_space<vmem_shared>> -> memref<10240x128xf32, #tpu.memory_space<vmem_shared>>
      tpu.wait_indirect_dma semaphore(%run_scoped3A_110 : memref<!tpu.dma_semaphore, #tpu.memory_space<semaphore_mem>>) src(%arg7 : memref<128x128xf32, #tpu.memory_space<vmem>>) dst(%dma_wait3A_122 : memref<10240x128xf32, #tpu.memory_space<vmem_shared>>)
      tpu.yield
    }) : () -> ()
    %add3A_40 = arith.constant 1 : i32
    %add3A_41 = arith.addi %mul3A_33, %add3A_40 : i32
    %dma_wait3A_42 = arith.constant 0 : i32
    %dma_wait3A_43 = arith.constant 0 : i32
    %dma_wait3A_44 = tpu.memref_slice %arg6[%dma_wait3A_42, %add3A_41, %dma_wait3A_43] : memref<2x56x128xi32, #tpu.memory_space<vmem>> -> memref<1x1x128xi32, #tpu.memory_space<vmem>>
    %dma_wait3A_45 = tpu.memref_squeeze %dma_wait3A_44 : memref<1x1x128xi32, #tpu.memory_space<vmem>> -> memref<128xi32, #tpu.memory_space<vmem>>
    %dma_wait3A_46 = arith.constant 0 : i32
    %dma_wait3A_47 = arith.constant 0 : i32
    %dma_wait3A_48 = tpu.memref_slice %arg2[%dma_wait3A_46, %dma_wait3A_47] : memref<10240x128xf32, #tpu.memory_space<hbm>> -> memref<10240x128xf32, #tpu.memory_space<hbm>>
    tpu.wait_indirect_dma semaphore(%arg11 : memref<!tpu.dma_semaphore, #tpu.memory_space<semaphore_mem>>) src(%dma_wait3A_48 : memref<10240x128xf32, #tpu.memory_space<hbm>>) dst(%arg8 : memref<128x128xf32, #tpu.memory_space<vmem>>)
    %add3A_49 = arith.constant 1 : i32
    %add3A_50 = arith.addi %mul3A_33, %add3A_49 : i32
    %run_scoped3A_51 = arith.constant 1 : i32
    "tpu.region"() ({
      %run_scoped3A_110 = tpu.sem_alloc : memref<!tpu.dma_semaphore, #tpu.memory_space<semaphore_mem>>
      %dma_start3A_111 = arith.constant 0 : i32
      %dma_start3A_112 = tpu.memref_slice %arg6[%run_scoped3A_51, %add3A_50, %dma_start3A_111] : memref<2x56x128xi32, #tpu.memory_space<vmem>> -> memref<1x1x128xi32, #tpu.memory_space<vmem>>
      %dma_start3A_113 = tpu.memref_squeeze %dma_start3A_112 : memref<1x1x128xi32, #tpu.memory_space<vmem>> -> memref<128xi32, #tpu.memory_space<vmem>>
      %dma_start3A_114 = arith.constant 0 : i32
      %dma_start3A_115 = arith.constant 0 : i32
      %dma_start3A_116 = tpu.memref_slice %arg9[%dma_start3A_114, %dma_start3A_115] : memref<10240x128xf32, #tpu.memory_space<vmem_shared>> -> memref<10240x128xf32, #tpu.memory_space<vmem_shared>>
      tpu.enqueue_indirect_dma source(%arg8 : memref<128x128xf32, #tpu.memory_space<vmem>>) target(%dma_start3A_116 : memref<10240x128xf32, #tpu.memory_space<vmem_shared>>) offsets(%dma_start3A_113 : memref<128xi32, #tpu.memory_space<vmem>>) semaphore(%run_scoped3A_110 : memref<!tpu.dma_semaphore, #tpu.memory_space<semaphore_mem>>) {add = true}
      %dma_wait3A_117 = arith.constant 0 : i32
      %dma_wait3A_118 = tpu.memref_slice %arg6[%run_scoped3A_51, %add3A_50, %dma_wait3A_117] : memref<2x56x128xi32, #tpu.memory_space<vmem>> -> memref<1x1x128xi32, #tpu.memory_space<vmem>>
      %dma_wait3A_119 = tpu.memref_squeeze %dma_wait3A_118 : memref<1x1x128xi32, #tpu.memory_space<vmem>> -> memref<128xi32, #tpu.memory_space<vmem>>
      %dma_wait3A_120 = arith.constant 0 : i32
      %dma_wait3A_121 = arith.constant 0 : i32
      %dma_wait3A_122 = tpu.memref_slice %arg9[%dma_wait3A_120, %dma_wait3A_121] : memref<10240x128xf32, #tpu.memory_space<vmem_shared>> -> memref<10240x128xf32, #tpu.memory_space<vmem_shared>>
      tpu.wait_indirect_dma semaphore(%run_scoped3A_110 : memref<!tpu.dma_semaphore, #tpu.memory_space<semaphore_mem>>) src(%arg8 : memref<128x128xf32, #tpu.memory_space<vmem>>) dst(%dma_wait3A_122 : memref<10240x128xf32, #tpu.memory_space<vmem_shared>>)
      tpu.yield
    }) : () -> ()
    %eq3A_52 = arith.constant 0 : i32
    %eq3A_53 = arith.cmpi eq, %arg0, %eq3A_52 : i32
    %jit3A_54 = arith.constant 28 : i32
    %jit3A_55 = arith.constant 11 : i32
    %select_n3A_56 = arith.select %eq3A_53, %jit3A_54, %jit3A_55 : i32
    "tpu.region"() ({
      %run_scoped3A_110 = tpu.sem_alloc : memref<!tpu.dma_semaphore, #tpu.memory_space<semaphore_mem>>
      %dma_start3A_111 = arith.constant 0 : i32
      %dma_start3A_112 = arith.constant 56 : i32
      %dma_start3A_113 = arith.constant 0 : i32
      %dma_start3A_114 = tpu.memref_slice %arg3[%dma_start3A_111, %add3A, %dma_start3A_112, %dma_start3A_113] : memref<2x32x112x128xi32, #tpu.memory_space<hbm>> -> memref<2x1x56x128xi32, #tpu.memory_space<hbm>>
      %dma_start3A_115 = tpu.memref_squeeze %dma_start3A_114 : memref<2x1x56x128xi32, #tpu.memory_space<hbm>> -> memref<2x56x128xi32, #tpu.memory_space<hbm>>
      %dma_start3A_116 = arith.constant 0 : i32
      %dma_start3A_117 = arith.constant 56 : i32
      %dma_start3A_118 = arith.constant 0 : i32
      %dma_start3A_119 = tpu.memref_slice %arg3[%dma_start3A_116, %add3A, %dma_start3A_117, %dma_start3A_118] : memref<2x32x112x128xi32, #tpu.memory_space<hbm>> -> memref<2x1x56x128xi32, #tpu.memory_space<hbm>>
      %dma_start3A_120 = tpu.memref_squeeze %dma_start3A_119 : memref<2x1x56x128xi32, #tpu.memory_space<hbm>> -> memref<2x56x128xi32, #tpu.memory_space<hbm>>
      tpu.enqueue_dma source(%dma_start3A_120 : memref<2x56x128xi32, #tpu.memory_space<hbm>>) target(%arg6 : memref<2x56x128xi32, #tpu.memory_space<vmem>>) target_semaphore(%run_scoped3A_110 : memref<!tpu.dma_semaphore, #tpu.memory_space<semaphore_mem>>)
      %dma_wait3A_121 = arith.constant 0 : i32
      %dma_wait3A_122 = arith.constant 56 : i32
      %dma_wait3A_123 = arith.constant 0 : i32
      %dma_wait3A_124 = tpu.memref_slice %arg3[%dma_wait3A_121, %add3A, %dma_wait3A_122, %dma_wait3A_123] : memref<2x32x112x128xi32, #tpu.memory_space<hbm>> -> memref<2x1x56x128xi32, #tpu.memory_space<hbm>>
      %dma_wait3A_125 = tpu.memref_squeeze %dma_wait3A_124 : memref<2x1x56x128xi32, #tpu.memory_space<hbm>> -> memref<2x56x128xi32, #tpu.memory_space<hbm>>
      %dma_wait3A_126 = arith.constant 0 : i32
      %dma_wait3A_127 = arith.constant 56 : i32
      %dma_wait3A_128 = arith.constant 0 : i32
      %dma_wait3A_129 = tpu.memref_slice %arg3[%dma_wait3A_126, %add3A, %dma_wait3A_127, %dma_wait3A_128] : memref<2x32x112x128xi32, #tpu.memory_space<hbm>> -> memref<2x1x56x128xi32, #tpu.memory_space<hbm>>
      %dma_wait3A_130 = tpu.memref_squeeze %dma_wait3A_129 : memref<2x1x56x128xi32, #tpu.memory_space<hbm>> -> memref<2x56x128xi32, #tpu.memory_space<hbm>>
      tpu.wait_dma2 semaphore(%run_scoped3A_110 : memref<!tpu.dma_semaphore, #tpu.memory_space<semaphore_mem>>) src(%dma_wait3A_130 : memref<2x56x128xi32, #tpu.memory_space<hbm>>) dst(%arg6 : memref<2x56x128xi32, #tpu.memory_space<vmem>>)
      tpu.yield
    }) : () -> ()
    %dma_start3A_57 = arith.constant 0 : i32
    %dma_start3A_58 = arith.constant 0 : i32
    %dma_start3A_59 = arith.constant 0 : i32
    %dma_start3A_60 = tpu.memref_slice %arg6[%dma_start3A_57, %dma_start3A_58, %dma_start3A_59] : memref<2x56x128xi32, #tpu.memory_space<vmem>> -> memref<1x1x128xi32, #tpu.memory_space<vmem>>
    %dma_start3A_61 = tpu.memref_squeeze %dma_start3A_60 : memref<1x1x128xi32, #tpu.memory_space<vmem>> -> memref<128xi32, #tpu.memory_space<vmem>>
    %dma_start3A_62 = arith.constant 0 : i32
    %dma_start3A_63 = arith.constant 0 : i32
    %dma_start3A_64 = tpu.memref_slice %arg2[%dma_start3A_62, %dma_start3A_63] : memref<10240x128xf32, #tpu.memory_space<hbm>> -> memref<10240x128xf32, #tpu.memory_space<hbm>>
    tpu.enqueue_indirect_dma source(%dma_start3A_64 : memref<10240x128xf32, #tpu.memory_space<hbm>>) target(%arg7 : memref<128x128xf32, #tpu.memory_space<vmem>>) offsets(%dma_start3A_61 : memref<128xi32, #tpu.memory_space<vmem>>) semaphore(%arg10 : memref<!tpu.dma_semaphore, #tpu.memory_space<semaphore_mem>>)
    %dma_start3A_65 = arith.constant 0 : i32
    %dma_start3A_66 = arith.constant 1 : i32
    %dma_start3A_67 = arith.constant 0 : i32
    %dma_start3A_68 = tpu.memref_slice %arg6[%dma_start3A_65, %dma_start3A_66, %dma_start3A_67] : memref<2x56x128xi32, #tpu.memory_space<vmem>> -> memref<1x1x128xi32, #tpu.memory_space<vmem>>
    %dma_start3A_69 = tpu.memref_squeeze %dma_start3A_68 : memref<1x1x128xi32, #tpu.memory_space<vmem>> -> memref<128xi32, #tpu.memory_space<vmem>>
    %dma_start3A_70 = arith.constant 0 : i32
    %dma_start3A_71 = arith.constant 0 : i32
    %dma_start3A_72 = tpu.memref_slice %arg2[%dma_start3A_70, %dma_start3A_71] : memref<10240x128xf32, #tpu.memory_space<hbm>> -> memref<10240x128xf32, #tpu.memory_space<hbm>>
    tpu.enqueue_indirect_dma source(%dma_start3A_72 : memref<10240x128xf32, #tpu.memory_space<hbm>>) target(%arg8 : memref<128x128xf32, #tpu.memory_space<vmem>>) offsets(%dma_start3A_69 : memref<128xi32, #tpu.memory_space<vmem>>) semaphore(%arg11 : memref<!tpu.dma_semaphore, #tpu.memory_space<semaphore_mem>>)
    %sub3A_73 = arith.constant 1 : i32
    %sub3A_74 = arith.subi %select_n3A_56, %sub3A_73 : i32
    %while3A_75 = arith.constant 0 : i32
    %while3A_76 = arith.constant 0 : i32
    %while3A_77 = arith.subi %sub3A_74, %while3A_76 : i32
    %while3A_78 = arith.addi %while3A_76, %while3A_77 : i32
    %while3A_79 = arith.constant 1 : i32
    %while3A_80 = arith.divsi %while3A_77, %while3A_79 : i32
    %while3A_81 = arith.muli %while3A_80, %while3A_79 : i32
    %while3A_82 = arith.addi %while3A_76, %while3A_81 : i32
    %while3A_83 = arith.constant 1 : i32
    scf.for %while3A_110 = %while3A_76 to %while3A_82 step %while3A_83  : i32 {
      %mul3A_111 = arith.constant 2 : i32
      %mul3A_112 = arith.muli %mul3A_111, %while3A_110 : i32
      %dma_wait3A_113 = arith.constant 0 : i32
      %dma_wait3A_114 = arith.constant 0 : i32
      %dma_wait3A_115 = tpu.memref_slice %arg6[%dma_wait3A_113, %mul3A_112, %dma_wait3A_114] : memref<2x56x128xi32, #tpu.memory_space<vmem>> -> memref<1x1x128xi32, #tpu.memory_space<vmem>>
      %dma_wait3A_116 = tpu.memref_squeeze %dma_wait3A_115 : memref<1x1x128xi32, #tpu.memory_space<vmem>> -> memref<128xi32, #tpu.memory_space<vmem>>
      %dma_wait3A_117 = arith.constant 0 : i32
      %dma_wait3A_118 = arith.constant 0 : i32
      %dma_wait3A_119 = tpu.memref_slice %arg2[%dma_wait3A_117, %dma_wait3A_118] : memref<10240x128xf32, #tpu.memory_space<hbm>> -> memref<10240x128xf32, #tpu.memory_space<hbm>>
      tpu.wait_indirect_dma semaphore(%arg10 : memref<!tpu.dma_semaphore, #tpu.memory_space<semaphore_mem>>) src(%dma_wait3A_119 : memref<10240x128xf32, #tpu.memory_space<hbm>>) dst(%arg7 : memref<128x128xf32, #tpu.memory_space<vmem>>)
      %run_scoped3A_120 = arith.constant 1 : i32
      "tpu.region"() ({
        %run_scoped3A_151 = tpu.sem_alloc : memref<!tpu.dma_semaphore, #tpu.memory_space<semaphore_mem>>
        %dma_start3A_152 = arith.constant 0 : i32
        %dma_start3A_153 = tpu.memref_slice %arg6[%run_scoped3A_120, %mul3A_112, %dma_start3A_152] : memref<2x56x128xi32, #tpu.memory_space<vmem>> -> memref<1x1x128xi32, #tpu.memory_space<vmem>>
        %dma_start3A_154 = tpu.memref_squeeze %dma_start3A_153 : memref<1x1x128xi32, #tpu.memory_space<vmem>> -> memref<128xi32, #tpu.memory_space<vmem>>
        %dma_start3A_155 = arith.constant 0 : i32
        %dma_start3A_156 = arith.constant 0 : i32
        %dma_start3A_157 = tpu.memref_slice %arg9[%dma_start3A_155, %dma_start3A_156] : memref<10240x128xf32, #tpu.memory_space<vmem_shared>> -> memref<10240x128xf32, #tpu.memory_space<vmem_shared>>
        tpu.enqueue_indirect_dma source(%arg7 : memref<128x128xf32, #tpu.memory_space<vmem>>) target(%dma_start3A_157 : memref<10240x128xf32, #tpu.memory_space<vmem_shared>>) offsets(%dma_start3A_154 : memref<128xi32, #tpu.memory_space<vmem>>) semaphore(%run_scoped3A_151 : memref<!tpu.dma_semaphore, #tpu.memory_space<semaphore_mem>>) {add = true}
        %dma_wait3A_158 = arith.constant 0 : i32
        %dma_wait3A_159 = tpu.memref_slice %arg6[%run_scoped3A_120, %mul3A_112, %dma_wait3A_158] : memref<2x56x128xi32, #tpu.memory_space<vmem>> -> memref<1x1x128xi32, #tpu.memory_space<vmem>>
        %dma_wait3A_160 = tpu.memref_squeeze %dma_wait3A_159 : memref<1x1x128xi32, #tpu.memory_space<vmem>> -> memref<128xi32, #tpu.memory_space<vmem>>
        %dma_wait3A_161 = arith.constant 0 : i32
        %dma_wait3A_162 = arith.constant 0 : i32
        %dma_wait3A_163 = tpu.memref_slice %arg9[%dma_wait3A_161, %dma_wait3A_162] : memref<10240x128xf32, #tpu.memory_space<vmem_shared>> -> memref<10240x128xf32, #tpu.memory_space<vmem_shared>>
        tpu.wait_indirect_dma semaphore(%run_scoped3A_151 : memref<!tpu.dma_semaphore, #tpu.memory_space<semaphore_mem>>) src(%arg7 : memref<128x128xf32, #tpu.memory_space<vmem>>) dst(%dma_wait3A_163 : memref<10240x128xf32, #tpu.memory_space<vmem_shared>>)
        tpu.yield
      }) : () -> ()
      %add3A_121 = arith.constant 2 : i32
      %add3A_122 = arith.addi %mul3A_112, %add3A_121 : i32
      %dma_start3A_123 = arith.constant 0 : i32
      %dma_start3A_124 = arith.constant 0 : i32
      %dma_start3A_125 = tpu.memref_slice %arg6[%dma_start3A_123, %add3A_122, %dma_start3A_124] : memref<2x56x128xi32, #tpu.memory_space<vmem>> -> memref<1x1x128xi32, #tpu.memory_space<vmem>>
      %dma_start3A_126 = tpu.memref_squeeze %dma_start3A_125 : memref<1x1x128xi32, #tpu.memory_space<vmem>> -> memref<128xi32, #tpu.memory_space<vmem>>
      %dma_start3A_127 = arith.constant 0 : i32
      %dma_start3A_128 = arith.constant 0 : i32
      %dma_start3A_129 = tpu.memref_slice %arg2[%dma_start3A_127, %dma_start3A_128] : memref<10240x128xf32, #tpu.memory_space<hbm>> -> memref<10240x128xf32, #tpu.memory_space<hbm>>
      tpu.enqueue_indirect_dma source(%dma_start3A_129 : memref<10240x128xf32, #tpu.memory_space<hbm>>) target(%arg7 : memref<128x128xf32, #tpu.memory_space<vmem>>) offsets(%dma_start3A_126 : memref<128xi32, #tpu.memory_space<vmem>>) semaphore(%arg10 : memref<!tpu.dma_semaphore, #tpu.memory_space<semaphore_mem>>)
      %add3A_130 = arith.constant 1 : i32
      %add3A_131 = arith.addi %mul3A_112, %add3A_130 : i32
      %dma_wait3A_132 = arith.constant 0 : i32
      %dma_wait3A_133 = arith.constant 0 : i32
      %dma_wait3A_134 = tpu.memref_slice %arg6[%dma_wait3A_132, %add3A_131, %dma_wait3A_133] : memref<2x56x128xi32, #tpu.memory_space<vmem>> -> memref<1x1x128xi32, #tpu.memory_space<vmem>>
      %dma_wait3A_135 = tpu.memref_squeeze %dma_wait3A_134 : memref<1x1x128xi32, #tpu.memory_space<vmem>> -> memref<128xi32, #tpu.memory_space<vmem>>
      %dma_wait3A_136 = arith.constant 0 : i32
      %dma_wait3A_137 = arith.constant 0 : i32
      %dma_wait3A_138 = tpu.memref_slice %arg2[%dma_wait3A_136, %dma_wait3A_137] : memref<10240x128xf32, #tpu.memory_space<hbm>> -> memref<10240x128xf32, #tpu.memory_space<hbm>>
      tpu.wait_indirect_dma semaphore(%arg11 : memref<!tpu.dma_semaphore, #tpu.memory_space<semaphore_mem>>) src(%dma_wait3A_138 : memref<10240x128xf32, #tpu.memory_space<hbm>>) dst(%arg8 : memref<128x128xf32, #tpu.memory_space<vmem>>)
      %add3A_139 = arith.constant 1 : i32
      %add3A_140 = arith.addi %mul3A_112, %add3A_139 : i32
      %run_scoped3A_141 = arith.constant 1 : i32
      "tpu.region"() ({
        %run_scoped3A_151 = tpu.sem_alloc : memref<!tpu.dma_semaphore, #tpu.memory_space<semaphore_mem>>
        %dma_start3A_152 = arith.constant 0 : i32
        %dma_start3A_153 = tpu.memref_slice %arg6[%run_scoped3A_141, %add3A_140, %dma_start3A_152] : memref<2x56x128xi32, #tpu.memory_space<vmem>> -> memref<1x1x128xi32, #tpu.memory_space<vmem>>
        %dma_start3A_154 = tpu.memref_squeeze %dma_start3A_153 : memref<1x1x128xi32, #tpu.memory_space<vmem>> -> memref<128xi32, #tpu.memory_space<vmem>>
        %dma_start3A_155 = arith.constant 0 : i32
        %dma_start3A_156 = arith.constant 0 : i32
        %dma_start3A_157 = tpu.memref_slice %arg9[%dma_start3A_155, %dma_start3A_156] : memref<10240x128xf32, #tpu.memory_space<vmem_shared>> -> memref<10240x128xf32, #tpu.memory_space<vmem_shared>>
        tpu.enqueue_indirect_dma source(%arg8 : memref<128x128xf32, #tpu.memory_space<vmem>>) target(%dma_start3A_157 : memref<10240x128xf32, #tpu.memory_space<vmem_shared>>) offsets(%dma_start3A_154 : memref<128xi32, #tpu.memory_space<vmem>>) semaphore(%run_scoped3A_151 : memref<!tpu.dma_semaphore, #tpu.memory_space<semaphore_mem>>) {add = true}
        %dma_wait3A_158 = arith.constant 0 : i32
        %dma_wait3A_159 = tpu.memref_slice %arg6[%run_scoped3A_141, %add3A_140, %dma_wait3A_158] : memref<2x56x128xi32, #tpu.memory_space<vmem>> -> memref<1x1x128xi32, #tpu.memory_space<vmem>>
        %dma_wait3A_160 = tpu.memref_squeeze %dma_wait3A_159 : memref<1x1x128xi32, #tpu.memory_space<vmem>> -> memref<128xi32, #tpu.memory_space<vmem>>
        %dma_wait3A_161 = arith.constant 0 : i32
        %dma_wait3A_162 = arith.constant 0 : i32
        %dma_wait3A_163 = tpu.memref_slice %arg9[%dma_wait3A_161, %dma_wait3A_162] : memref<10240x128xf32, #tpu.memory_space<vmem_shared>> -> memref<10240x128xf32, #tpu.memory_space<vmem_shared>>
        tpu.wait_indirect_dma semaphore(%run_scoped3A_151 : memref<!tpu.dma_semaphore, #tpu.memory_space<semaphore_mem>>) src(%arg8 : memref<128x128xf32, #tpu.memory_space<vmem>>) dst(%dma_wait3A_163 : memref<10240x128xf32, #tpu.memory_space<vmem_shared>>)
        tpu.yield
      }) : () -> ()
      %add3A_142 = arith.constant 3 : i32
      %add3A_143 = arith.addi %mul3A_112, %add3A_142 : i32
      %dma_start3A_144 = arith.constant 0 : i32
      %dma_start3A_145 = arith.constant 0 : i32
      %dma_start3A_146 = tpu.memref_slice %arg6[%dma_start3A_144, %add3A_143, %dma_start3A_145] : memref<2x56x128xi32, #tpu.memory_space<vmem>> -> memref<1x1x128xi32, #tpu.memory_space<vmem>>
      %dma_start3A_147 = tpu.memref_squeeze %dma_start3A_146 : memref<1x1x128xi32, #tpu.memory_space<vmem>> -> memref<128xi32, #tpu.memory_space<vmem>>
      %dma_start3A_148 = arith.constant 0 : i32
      %dma_start3A_149 = arith.constant 0 : i32
      %dma_start3A_150 = tpu.memref_slice %arg2[%dma_start3A_148, %dma_start3A_149] : memref<10240x128xf32, #tpu.memory_space<hbm>> -> memref<10240x128xf32, #tpu.memory_space<hbm>>
      tpu.enqueue_indirect_dma source(%dma_start3A_150 : memref<10240x128xf32, #tpu.memory_space<hbm>>) target(%arg8 : memref<128x128xf32, #tpu.memory_space<vmem>>) offsets(%dma_start3A_147 : memref<128xi32, #tpu.memory_space<vmem>>) semaphore(%arg11 : memref<!tpu.dma_semaphore, #tpu.memory_space<semaphore_mem>>)
    }
    %while3A_84 = arith.constant 1 : i32
    scf.for %while3A_110 = %while3A_82 to %while3A_78 step %while3A_84  : i32 {
      %mul3A_111 = arith.constant 2 : i32
      %mul3A_112 = arith.muli %mul3A_111, %while3A_110 : i32
      %dma_wait3A_113 = arith.constant 0 : i32
      %dma_wait3A_114 = arith.constant 0 : i32
      %dma_wait3A_115 = tpu.memref_slice %arg6[%dma_wait3A_113, %mul3A_112, %dma_wait3A_114] : memref<2x56x128xi32, #tpu.memory_space<vmem>> -> memref<1x1x128xi32, #tpu.memory_space<vmem>>
      %dma_wait3A_116 = tpu.memref_squeeze %dma_wait3A_115 : memref<1x1x128xi32, #tpu.memory_space<vmem>> -> memref<128xi32, #tpu.memory_space<vmem>>
      %dma_wait3A_117 = arith.constant 0 : i32
      %dma_wait3A_118 = arith.constant 0 : i32
      %dma_wait3A_119 = tpu.memref_slice %arg2[%dma_wait3A_117, %dma_wait3A_118] : memref<10240x128xf32, #tpu.memory_space<hbm>> -> memref<10240x128xf32, #tpu.memory_space<hbm>>
      tpu.wait_indirect_dma semaphore(%arg10 : memref<!tpu.dma_semaphore, #tpu.memory_space<semaphore_mem>>) src(%dma_wait3A_119 : memref<10240x128xf32, #tpu.memory_space<hbm>>) dst(%arg7 : memref<128x128xf32, #tpu.memory_space<vmem>>)
      %run_scoped3A_120 = arith.constant 1 : i32
      "tpu.region"() ({
        %run_scoped3A_151 = tpu.sem_alloc : memref<!tpu.dma_semaphore, #tpu.memory_space<semaphore_mem>>
        %dma_start3A_152 = arith.constant 0 : i32
        %dma_start3A_153 = tpu.memref_slice %arg6[%run_scoped3A_120, %mul3A_112, %dma_start3A_152] : memref<2x56x128xi32, #tpu.memory_space<vmem>> -> memref<1x1x128xi32, #tpu.memory_space<vmem>>
        %dma_start3A_154 = tpu.memref_squeeze %dma_start3A_153 : memref<1x1x128xi32, #tpu.memory_space<vmem>> -> memref<128xi32, #tpu.memory_space<vmem>>
        %dma_start3A_155 = arith.constant 0 : i32
        %dma_start3A_156 = arith.constant 0 : i32
        %dma_start3A_157 = tpu.memref_slice %arg9[%dma_start3A_155, %dma_start3A_156] : memref<10240x128xf32, #tpu.memory_space<vmem_shared>> -> memref<10240x128xf32, #tpu.memory_space<vmem_shared>>
        tpu.enqueue_indirect_dma source(%arg7 : memref<128x128xf32, #tpu.memory_space<vmem>>) target(%dma_start3A_157 : memref<10240x128xf32, #tpu.memory_space<vmem_shared>>) offsets(%dma_start3A_154 : memref<128xi32, #tpu.memory_space<vmem>>) semaphore(%run_scoped3A_151 : memref<!tpu.dma_semaphore, #tpu.memory_space<semaphore_mem>>) {add = true}
        %dma_wait3A_158 = arith.constant 0 : i32
        %dma_wait3A_159 = tpu.memref_slice %arg6[%run_scoped3A_120, %mul3A_112, %dma_wait3A_158] : memref<2x56x128xi32, #tpu.memory_space<vmem>> -> memref<1x1x128xi32, #tpu.memory_space<vmem>>
        %dma_wait3A_160 = tpu.memref_squeeze %dma_wait3A_159 : memref<1x1x128xi32, #tpu.memory_space<vmem>> -> memref<128xi32, #tpu.memory_space<vmem>>
        %dma_wait3A_161 = arith.constant 0 : i32
        %dma_wait3A_162 = arith.constant 0 : i32
        %dma_wait3A_163 = tpu.memref_slice %arg9[%dma_wait3A_161, %dma_wait3A_162] : memref<10240x128xf32, #tpu.memory_space<vmem_shared>> -> memref<10240x128xf32, #tpu.memory_space<vmem_shared>>
        tpu.wait_indirect_dma semaphore(%run_scoped3A_151 : memref<!tpu.dma_semaphore, #tpu.memory_space<semaphore_mem>>) src(%arg7 : memref<128x128xf32, #tpu.memory_space<vmem>>) dst(%dma_wait3A_163 : memref<10240x128xf32, #tpu.memory_space<vmem_shared>>)
        tpu.yield
      }) : () -> ()
      %add3A_121 = arith.constant 2 : i32
      %add3A_122 = arith.addi %mul3A_112, %add3A_121 : i32
      %dma_start3A_123 = arith.constant 0 : i32
      %dma_start3A_124 = arith.constant 0 : i32
      %dma_start3A_125 = tpu.memref_slice %arg6[%dma_start3A_123, %add3A_122, %dma_start3A_124] : memref<2x56x128xi32, #tpu.memory_space<vmem>> -> memref<1x1x128xi32, #tpu.memory_space<vmem>>
      %dma_start3A_126 = tpu.memref_squeeze %dma_start3A_125 : memref<1x1x128xi32, #tpu.memory_space<vmem>> -> memref<128xi32, #tpu.memory_space<vmem>>
      %dma_start3A_127 = arith.constant 0 : i32
      %dma_start3A_128 = arith.constant 0 : i32
      %dma_start3A_129 = tpu.memref_slice %arg2[%dma_start3A_127, %dma_start3A_128] : memref<10240x128xf32, #tpu.memory_space<hbm>> -> memref<10240x128xf32, #tpu.memory_space<hbm>>
      tpu.enqueue_indirect_dma source(%dma_start3A_129 : memref<10240x128xf32, #tpu.memory_space<hbm>>) target(%arg7 : memref<128x128xf32, #tpu.memory_space<vmem>>) offsets(%dma_start3A_126 : memref<128xi32, #tpu.memory_space<vmem>>) semaphore(%arg10 : memref<!tpu.dma_semaphore, #tpu.memory_space<semaphore_mem>>)
      %add3A_130 = arith.constant 1 : i32
      %add3A_131 = arith.addi %mul3A_112, %add3A_130 : i32
      %dma_wait3A_132 = arith.constant 0 : i32
      %dma_wait3A_133 = arith.constant 0 : i32
      %dma_wait3A_134 = tpu.memref_slice %arg6[%dma_wait3A_132, %add3A_131, %dma_wait3A_133] : memref<2x56x128xi32, #tpu.memory_space<vmem>> -> memref<1x1x128xi32, #tpu.memory_space<vmem>>
      %dma_wait3A_135 = tpu.memref_squeeze %dma_wait3A_134 : memref<1x1x128xi32, #tpu.memory_space<vmem>> -> memref<128xi32, #tpu.memory_space<vmem>>
      %dma_wait3A_136 = arith.constant 0 : i32
      %dma_wait3A_137 = arith.constant 0 : i32
      %dma_wait3A_138 = tpu.memref_slice %arg2[%dma_wait3A_136, %dma_wait3A_137] : memref<10240x128xf32, #tpu.memory_space<hbm>> -> memref<10240x128xf32, #tpu.memory_space<hbm>>
      tpu.wait_indirect_dma semaphore(%arg11 : memref<!tpu.dma_semaphore, #tpu.memory_space<semaphore_mem>>) src(%dma_wait3A_138 : memref<10240x128xf32, #tpu.memory_space<hbm>>) dst(%arg8 : memref<128x128xf32, #tpu.memory_space<vmem>>)
      %add3A_139 = arith.constant 1 : i32
      %add3A_140 = arith.addi %mul3A_112, %add3A_139 : i32
      %run_scoped3A_141 = arith.constant 1 : i32
      "tpu.region"() ({
        %run_scoped3A_151 = tpu.sem_alloc : memref<!tpu.dma_semaphore, #tpu.memory_space<semaphore_mem>>
        %dma_start3A_152 = arith.constant 0 : i32
        %dma_start3A_153 = tpu.memref_slice %arg6[%run_scoped3A_141, %add3A_140, %dma_start3A_152] : memref<2x56x128xi32, #tpu.memory_space<vmem>> -> memref<1x1x128xi32, #tpu.memory_space<vmem>>
        %dma_start3A_154 = tpu.memref_squeeze %dma_start3A_153 : memref<1x1x128xi32, #tpu.memory_space<vmem>> -> memref<128xi32, #tpu.memory_space<vmem>>
        %dma_start3A_155 = arith.constant 0 : i32
        %dma_start3A_156 = arith.constant 0 : i32
        %dma_start3A_157 = tpu.memref_slice %arg9[%dma_start3A_155, %dma_start3A_156] : memref<10240x128xf32, #tpu.memory_space<vmem_shared>> -> memref<10240x128xf32, #tpu.memory_space<vmem_shared>>
        tpu.enqueue_indirect_dma source(%arg8 : memref<128x128xf32, #tpu.memory_space<vmem>>) target(%dma_start3A_157 : memref<10240x128xf32, #tpu.memory_space<vmem_shared>>) offsets(%dma_start3A_154 : memref<128xi32, #tpu.memory_space<vmem>>) semaphore(%run_scoped3A_151 : memref<!tpu.dma_semaphore, #tpu.memory_space<semaphore_mem>>) {add = true}
        %dma_wait3A_158 = arith.constant 0 : i32
        %dma_wait3A_159 = tpu.memref_slice %arg6[%run_scoped3A_141, %add3A_140, %dma_wait3A_158] : memref<2x56x128xi32, #tpu.memory_space<vmem>> -> memref<1x1x128xi32, #tpu.memory_space<vmem>>
        %dma_wait3A_160 = tpu.memref_squeeze %dma_wait3A_159 : memref<1x1x128xi32, #tpu.memory_space<vmem>> -> memref<128xi32, #tpu.memory_space<vmem>>
        %dma_wait3A_161 = arith.constant 0 : i32
        %dma_wait3A_162 = arith.constant 0 : i32
        %dma_wait3A_163 = tpu.memref_slice %arg9[%dma_wait3A_161, %dma_wait3A_162] : memref<10240x128xf32, #tpu.memory_space<vmem_shared>> -> memref<10240x128xf32, #tpu.memory_space<vmem_shared>>
        tpu.wait_indirect_dma semaphore(%run_scoped3A_151 : memref<!tpu.dma_semaphore, #tpu.memory_space<semaphore_mem>>) src(%arg8 : memref<128x128xf32, #tpu.memory_space<vmem>>) dst(%dma_wait3A_163 : memref<10240x128xf32, #tpu.memory_space<vmem_shared>>)
        tpu.yield
      }) : () -> ()
      %add3A_142 = arith.constant 3 : i32
      %add3A_143 = arith.addi %mul3A_112, %add3A_142 : i32
      %dma_start3A_144 = arith.constant 0 : i32
      %dma_start3A_145 = arith.constant 0 : i32
      %dma_start3A_146 = tpu.memref_slice %arg6[%dma_start3A_144, %add3A_143, %dma_start3A_145] : memref<2x56x128xi32, #tpu.memory_space<vmem>> -> memref<1x1x128xi32, #tpu.memory_space<vmem>>
      %dma_start3A_147 = tpu.memref_squeeze %dma_start3A_146 : memref<1x1x128xi32, #tpu.memory_space<vmem>> -> memref<128xi32, #tpu.memory_space<vmem>>
      %dma_start3A_148 = arith.constant 0 : i32
      %dma_start3A_149 = arith.constant 0 : i32
      %dma_start3A_150 = tpu.memref_slice %arg2[%dma_start3A_148, %dma_start3A_149] : memref<10240x128xf32, #tpu.memory_space<hbm>> -> memref<10240x128xf32, #tpu.memory_space<hbm>>
      tpu.enqueue_indirect_dma source(%dma_start3A_150 : memref<10240x128xf32, #tpu.memory_space<hbm>>) target(%arg8 : memref<128x128xf32, #tpu.memory_space<vmem>>) offsets(%dma_start3A_147 : memref<128xi32, #tpu.memory_space<vmem>>) semaphore(%arg11 : memref<!tpu.dma_semaphore, #tpu.memory_space<semaphore_mem>>)
    }
    %sub3A_85 = arith.constant 1 : i32
    %sub3A_86 = arith.subi %select_n3A_56, %sub3A_85 : i32
    %mul3A_87 = arith.constant 2 : i32
    %mul3A_88 = arith.muli %mul3A_87, %sub3A_86 : i32
    %dma_wait3A_89 = arith.constant 0 : i32
    %dma_wait3A_90 = arith.constant 0 : i32
    %dma_wait3A_91 = tpu.memref_slice %arg6[%dma_wait3A_89, %mul3A_88, %dma_wait3A_90] : memref<2x56x128xi32, #tpu.memory_space<vmem>> -> memref<1x1x128xi32, #tpu.memory_space<vmem>>
    %dma_wait3A_92 = tpu.memref_squeeze %dma_wait3A_91 : memref<1x1x128xi32, #tpu.memory_space<vmem>> -> memref<128xi32, #tpu.memory_space<vmem>>
    %dma_wait3A_93 = arith.constant 0 : i32
    %dma_wait3A_94 = arith.constant 0 : i32
    %dma_wait3A_95 = tpu.memref_slice %arg2[%dma_wait3A_93, %dma_wait3A_94] : memref<10240x128xf32, #tpu.memory_space<hbm>> -> memref<10240x128xf32, #tpu.memory_space<hbm>>
    tpu.wait_indirect_dma semaphore(%arg10 : memref<!tpu.dma_semaphore, #tpu.memory_space<semaphore_mem>>) src(%dma_wait3A_95 : memref<10240x128xf32, #tpu.memory_space<hbm>>) dst(%arg7 : memref<128x128xf32, #tpu.memory_space<vmem>>)
    %run_scoped3A_96 = arith.constant 1 : i32
    "tpu.region"() ({
      %run_scoped3A_110 = tpu.sem_alloc : memref<!tpu.dma_semaphore, #tpu.memory_space<semaphore_mem>>
      %dma_start3A_111 = arith.constant 0 : i32
      %dma_start3A_112 = tpu.memref_slice %arg6[%run_scoped3A_96, %mul3A_88, %dma_start3A_111] : memref<2x56x128xi32, #tpu.memory_space<vmem>> -> memref<1x1x128xi32, #tpu.memory_space<vmem>>
      %dma_start3A_113 = tpu.memref_squeeze %dma_start3A_112 : memref<1x1x128xi32, #tpu.memory_space<vmem>> -> memref<128xi32, #tpu.memory_space<vmem>>
      %dma_start3A_114 = arith.constant 0 : i32
      %dma_start3A_115 = arith.constant 0 : i32
      %dma_start3A_116 = tpu.memref_slice %arg9[%dma_start3A_114, %dma_start3A_115] : memref<10240x128xf32, #tpu.memory_space<vmem_shared>> -> memref<10240x128xf32, #tpu.memory_space<vmem_shared>>
      tpu.enqueue_indirect_dma source(%arg7 : memref<128x128xf32, #tpu.memory_space<vmem>>) target(%dma_start3A_116 : memref<10240x128xf32, #tpu.memory_space<vmem_shared>>) offsets(%dma_start3A_113 : memref<128xi32, #tpu.memory_space<vmem>>) semaphore(%run_scoped3A_110 : memref<!tpu.dma_semaphore, #tpu.memory_space<semaphore_mem>>) {add = true}
      %dma_wait3A_117 = arith.constant 0 : i32
      %dma_wait3A_118 = tpu.memref_slice %arg6[%run_scoped3A_96, %mul3A_88, %dma_wait3A_117] : memref<2x56x128xi32, #tpu.memory_space<vmem>> -> memref<1x1x128xi32, #tpu.memory_space<vmem>>
      %dma_wait3A_119 = tpu.memref_squeeze %dma_wait3A_118 : memref<1x1x128xi32, #tpu.memory_space<vmem>> -> memref<128xi32, #tpu.memory_space<vmem>>
      %dma_wait3A_120 = arith.constant 0 : i32
      %dma_wait3A_121 = arith.constant 0 : i32
      %dma_wait3A_122 = tpu.memref_slice %arg9[%dma_wait3A_120, %dma_wait3A_121] : memref<10240x128xf32, #tpu.memory_space<vmem_shared>> -> memref<10240x128xf32, #tpu.memory_space<vmem_shared>>
      tpu.wait_indirect_dma semaphore(%run_scoped3A_110 : memref<!tpu.dma_semaphore, #tpu.memory_space<semaphore_mem>>) src(%arg7 : memref<128x128xf32, #tpu.memory_space<vmem>>) dst(%dma_wait3A_122 : memref<10240x128xf32, #tpu.memory_space<vmem_shared>>)
      tpu.yield
    }) : () -> ()
    %add3A_97 = arith.constant 1 : i32
    %add3A_98 = arith.addi %mul3A_88, %add3A_97 : i32
    %dma_wait3A_99 = arith.constant 0 : i32
    %dma_wait3A_100 = arith.constant 0 : i32
    %dma_wait3A_101 = tpu.memref_slice %arg6[%dma_wait3A_99, %add3A_98, %dma_wait3A_100] : memref<2x56x128xi32, #tpu.memory_space<vmem>> -> memref<1x1x128xi32, #tpu.memory_space<vmem>>
    %dma_wait3A_102 = tpu.memref_squeeze %dma_wait3A_101 : memref<1x1x128xi32, #tpu.memory_space<vmem>> -> memref<128xi32, #tpu.memory_space<vmem>>
    %dma_wait3A_103 = arith.constant 0 : i32
    %dma_wait3A_104 = arith.constant 0 : i32
    %dma_wait3A_105 = tpu.memref_slice %arg2[%dma_wait3A_103, %dma_wait3A_104] : memref<10240x128xf32, #tpu.memory_space<hbm>> -> memref<10240x128xf32, #tpu.memory_space<hbm>>
    tpu.wait_indirect_dma semaphore(%arg11 : memref<!tpu.dma_semaphore, #tpu.memory_space<semaphore_mem>>) src(%dma_wait3A_105 : memref<10240x128xf32, #tpu.memory_space<hbm>>) dst(%arg8 : memref<128x128xf32, #tpu.memory_space<vmem>>)
    %add3A_106 = arith.constant 1 : i32
    %add3A_107 = arith.addi %mul3A_88, %add3A_106 : i32
    %run_scoped3A_108 = arith.constant 1 : i32
    "tpu.region"() ({
      %run_scoped3A_110 = tpu.sem_alloc : memref<!tpu.dma_semaphore, #tpu.memory_space<semaphore_mem>>
      %dma_start3A_111 = arith.constant 0 : i32
      %dma_start3A_112 = tpu.memref_slice %arg6[%run_scoped3A_108, %add3A_107, %dma_start3A_111] : memref<2x56x128xi32, #tpu.memory_space<vmem>> -> memref<1x1x128xi32, #tpu.memory_space<vmem>>
      %dma_start3A_113 = tpu.memref_squeeze %dma_start3A_112 : memref<1x1x128xi32, #tpu.memory_space<vmem>> -> memref<128xi32, #tpu.memory_space<vmem>>
      %dma_start3A_114 = arith.constant 0 : i32
      %dma_start3A_115 = arith.constant 0 : i32
      %dma_start3A_116 = tpu.memref_slice %arg9[%dma_start3A_114, %dma_start3A_115] : memref<10240x128xf32, #tpu.memory_space<vmem_shared>> -> memref<10240x128xf32, #tpu.memory_space<vmem_shared>>
      tpu.enqueue_indirect_dma source(%arg8 : memref<128x128xf32, #tpu.memory_space<vmem>>) target(%dma_start3A_116 : memref<10240x128xf32, #tpu.memory_space<vmem_shared>>) offsets(%dma_start3A_113 : memref<128xi32, #tpu.memory_space<vmem>>) semaphore(%run_scoped3A_110 : memref<!tpu.dma_semaphore, #tpu.memory_space<semaphore_mem>>) {add = true}
      %dma_wait3A_117 = arith.constant 0 : i32
      %dma_wait3A_118 = tpu.memref_slice %arg6[%run_scoped3A_108, %add3A_107, %dma_wait3A_117] : memref<2x56x128xi32, #tpu.memory_space<vmem>> -> memref<1x1x128xi32, #tpu.memory_space<vmem>>
      %dma_wait3A_119 = tpu.memref_squeeze %dma_wait3A_118 : memref<1x1x128xi32, #tpu.memory_space<vmem>> -> memref<128xi32, #tpu.memory_space<vmem>>
      %dma_wait3A_120 = arith.constant 0 : i32
      %dma_wait3A_121 = arith.constant 0 : i32
      %dma_wait3A_122 = tpu.memref_slice %arg9[%dma_wait3A_120, %dma_wait3A_121] : memref<10240x128xf32, #tpu.memory_space<vmem_shared>> -> memref<10240x128xf32, #tpu.memory_space<vmem_shared>>
      tpu.wait_indirect_dma semaphore(%run_scoped3A_110 : memref<!tpu.dma_semaphore, #tpu.memory_space<semaphore_mem>>) src(%arg8 : memref<128x128xf32, #tpu.memory_space<vmem>>) dst(%dma_wait3A_122 : memref<10240x128xf32, #tpu.memory_space<vmem_shared>>)
      tpu.yield
    }) : () -> ()
    %barrier3A_109 = arith.constant 0 : index
    tpu.barrier barrier_id(%barrier3A_109)
    "tpu.region"() ({
      %run_scoped3A_110 = tpu.sem_alloc : memref<!tpu.dma_semaphore, #tpu.memory_space<semaphore_mem>>
      %dma_start3A_111 = arith.constant 0 : i32
      %dma_start3A_112 = tpu.memref_slice %arg5[%arg0, %mul3A_0, %dma_start3A_111] : memref<2x10240x128xf32, #tpu.memory_space<hbm>> -> memref<1x640x128xf32, #tpu.memory_space<hbm>>
      %dma_start3A_113 = tpu.memref_squeeze %dma_start3A_112 : memref<1x640x128xf32, #tpu.memory_space<hbm>> -> memref<640x128xf32, #tpu.memory_space<hbm>>
      %dma_start3A_114 = arith.constant 0 : i32
      %dma_start3A_115 = tpu.memref_slice %arg9[%mul3A_0, %dma_start3A_114] : memref<10240x128xf32, #tpu.memory_space<vmem_shared>> -> memref<640x128xf32, #tpu.memory_space<vmem_shared>>
      tpu.enqueue_dma source(%dma_start3A_115 : memref<640x128xf32, #tpu.memory_space<vmem_shared>>) target(%dma_start3A_113 : memref<640x128xf32, #tpu.memory_space<hbm>>) target_semaphore(%run_scoped3A_110 : memref<!tpu.dma_semaphore, #tpu.memory_space<semaphore_mem>>)
      %dma_wait3A_116 = arith.constant 0 : i32
      %dma_wait3A_117 = tpu.memref_slice %arg5[%arg0, %mul3A_0, %dma_wait3A_116] : memref<2x10240x128xf32, #tpu.memory_space<hbm>> -> memref<1x640x128xf32, #tpu.memory_space<hbm>>
      %dma_wait3A_118 = tpu.memref_squeeze %dma_wait3A_117 : memref<1x640x128xf32, #tpu.memory_space<hbm>> -> memref<640x128xf32, #tpu.memory_space<hbm>>
      %dma_wait3A_119 = arith.constant 0 : i32
      %dma_wait3A_120 = tpu.memref_slice %arg9[%mul3A_0, %dma_wait3A_119] : memref<10240x128xf32, #tpu.memory_space<vmem_shared>> -> memref<640x128xf32, #tpu.memory_space<vmem_shared>>
      tpu.wait_dma2 semaphore(%run_scoped3A_110 : memref<!tpu.dma_semaphore, #tpu.memory_space<semaphore_mem>>) src(%dma_wait3A_120 : memref<640x128xf32, #tpu.memory_space<vmem_shared>>) dst(%dma_wait3A_118 : memref<640x128xf32, #tpu.memory_space<hbm>>)
      tpu.yield
    }) : () -> ()
    return
  }
}

#map = affine_map<(d0, d1) -> (0, 0)>
#map1 = affine_map<(d0, d1) -> (0, 0, 0, 0)>
#map2 = affine_map<(d0, d1) -> (0, 0, 0)>
module attributes {stable_mosaic.version = 14 : i64} {
  func.func @spmm(%arg0: i32, %arg1: i32, %arg2: memref<10240x128xf32, #tpu.memory_space<hbm>>, %arg3: memref<2x32x112x128xi32, #tpu.memory_space<hbm>>, %arg4: memref<640x128xf32, #tpu.memory_space<hbm>>, %arg5: memref<2x10240x128xf32, #tpu.memory_space<hbm>>, %arg6: memref<2x56x128xi32, #tpu.memory_space<vmem>>, %arg7: memref<128x128xf32, #tpu.memory_space<vmem>>, %arg8: memref<128x128xf32, #tpu.memory_space<vmem>>, %arg9: memref<10240x128xf32, #tpu.memory_space<vmem_shared>>, %arg10: memref<!tpu.dma_semaphore, #tpu.memory_space<semaphore_mem>>, %arg11: memref<!tpu.dma_semaphore, #tpu.memory_space<semaphore_mem>>) attributes {dimension_semantics = [#tpu.dimension_semantics<core_parallel>, #tpu.dimension_semantics<subcore_parallel>], iteration_bounds = array<i64: 2, 16>, scalar_prefetch = 0 : i64, scratch_operands = 6 : i64, tpu.core_type = #tpu.core_type<sc_vector_subcore>, window_params = [{transform_indices = #map}, {transform_indices = #map1}, {transform_indices = #map}, {transform_indices = #map2}]} {
    %mul3A = arith.constant 640 : i32
    %mul3A_0 = arith.muli %arg1, %mul3A : i32
    %mul3A_1 = arith.constant 16 : i32
    %mul3A_2 = arith.muli %arg0, %mul3A_1 : i32
    %add3A = arith.addi %mul3A_2, %arg1 : i32
    "tpu.region"() ({
      %run_scoped3A_110 = tpu.sem_alloc : memref<!tpu.dma_semaphore, #tpu.memory_space<semaphore_mem>>
      %dma_start3A_111 = arith.constant 0 : i32
      %dma_start3A_112 = tpu.memref_slice %arg9[%mul3A_0, %dma_start3A_111] : memref<10240x128xf32, #tpu.memory_space<vmem_shared>> -> memref<640x128xf32, #tpu.memory_space<vmem_shared>>
      tpu.enqueue_dma source(%arg4 : memref<640x128xf32, #tpu.memory_space<hbm>>) target(%dma_start3A_112 : memref<640x128xf32, #tpu.memory_space<vmem_shared>>) target_semaphore(%run_scoped3A_110 : memref<!tpu.dma_semaphore, #tpu.memory_space<semaphore_mem>>)
      %dma_wait3A_113 = arith.constant 0 : i32
      %dma_wait3A_114 = tpu.memref_slice %arg9[%mul3A_0, %dma_wait3A_113] : memref<10240x128xf32, #tpu.memory_space<vmem_shared>> -> memref<640x128xf32, #tpu.memory_space<vmem_shared>>
      tpu.wait_dma2 semaphore(%run_scoped3A_110 : memref<!tpu.dma_semaphore, #tpu.memory_space<semaphore_mem>>) src(%arg4 : memref<640x128xf32, #tpu.memory_space<hbm>>) dst(%dma_wait3A_114 : memref<640x128xf32, #tpu.memory_space<vmem_shared>>)
      tpu.yield
    }) : () -> ()
    %barrier3A = arith.constant 0 : index
    tpu.barrier barrier_id(%barrier3A)
    %eq3A = arith.constant 0 : i32
    %eq3A_3 = arith.cmpi eq, %arg0, %eq3A : i32
    %jit3A = arith.constant 28 : i32
    %jit3A_4 = arith.constant 12 : i32
    %select_n3A = arith.select %eq3A_3, %jit3A, %jit3A_4 : i32
    "tpu.region"() ({
      %run_scoped3A_110 = tpu.sem_alloc : memref<!tpu.dma_semaphore, #tpu.memory_space<semaphore_mem>>
      %dma_start3A_111 = arith.constant 0 : i32
      %dma_start3A_112 = arith.constant 0 : i32
      %dma_start3A_113 = arith.constant 0 : i32
      %dma_start3A_114 = tpu.memref_slice %arg3[%dma_start3A_111, %add3A, %dma_start3A_112, %dma_start3A_113] : memref<2x32x112x128xi32, #tpu.memory_space<hbm>> -> memref<2x1x56x128xi32, #tpu.memory_space<hbm>>
      %dma_start3A_115 = tpu.memref_squeeze %dma_start3A_114 : memref<2x1x56x128xi32, #tpu.memory_space<hbm>> -> memref<2x56x128xi32, #tpu.memory_space<hbm>>
      %dma_start3A_116 = arith.constant 0 : i32
      %dma_start3A_117 = arith.constant 0 : i32
      %dma_start3A_118 = arith.constant 0 : i32
      %dma_start3A_119 = tpu.memref_slice %arg3[%dma_start3A_116, %add3A, %dma_start3A_117, %dma_start3A_118] : memref<2x32x112x128xi32, #tpu.memory_space<hbm>> -> memref<2x1x56x128xi32, #tpu.memory_space<hbm>>
      %dma_start3A_120 = tpu.memref_squeeze %dma_start3A_119 : memref<2x1x56x128xi32, #tpu.memory_space<hbm>> -> memref<2x56x128xi32, #tpu.memory_space<hbm>>
      tpu.enqueue_dma source(%dma_start3A_120 : memref<2x56x128xi32, #tpu.memory_space<hbm>>) target(%arg6 : memref<2x56x128xi32, #tpu.memory_space<vmem>>) target_semaphore(%run_scoped3A_110 : memref<!tpu.dma_semaphore, #tpu.memory_space<semaphore_mem>>)
      %dma_wait3A_121 = arith.constant 0 : i32
      %dma_wait3A_122 = arith.constant 0 : i32
      %dma_wait3A_123 = arith.constant 0 : i32
      %dma_wait3A_124 = tpu.memref_slice %arg3[%dma_wait3A_121, %add3A, %dma_wait3A_122, %dma_wait3A_123] : memref<2x32x112x128xi32, #tpu.memory_space<hbm>> -> memref<2x1x56x128xi32, #tpu.memory_space<hbm>>
      %dma_wait3A_125 = tpu.memref_squeeze %dma_wait3A_124 : memref<2x1x56x128xi32, #tpu.memory_space<hbm>> -> memref<2x56x128xi32, #tpu.memory_space<hbm>>
      %dma_wait3A_126 = arith.constant 0 : i32
      %dma_wait3A_127 = arith.constant 0 : i32
      %dma_wait3A_128 = arith.constant 0 : i32
      %dma_wait3A_129 = tpu.memref_slice %arg3[%dma_wait3A_126, %add3A, %dma_wait3A_127, %dma_wait3A_128] : memref<2x32x112x128xi32, #tpu.memory_space<hbm>> -> memref<2x1x56x128xi32, #tpu.memory_space<hbm>>
      %dma_wait3A_130 = tpu.memref_squeeze %dma_wait3A_129 : memref<2x1x56x128xi32, #tpu.memory_space<hbm>> -> memref<2x56x128xi32, #tpu.memory_space<hbm>>
      tpu.wait_dma2 semaphore(%run_scoped3A_110 : memref<!tpu.dma_semaphore, #tpu.memory_space<semaphore_mem>>) src(%dma_wait3A_130 : memref<2x56x128xi32, #tpu.memory_space<hbm>>) dst(%arg6 : memref<2x56x128xi32, #tpu.memory_space<vmem>>)
      tpu.yield
    }) : () -> ()
    %dma_start3A = arith.constant 0 : i32
    %dma_start3A_5 = arith.constant 0 : i32
    %dma_start3A_6 = arith.constant 0 : i32
    %dma_start3A_7 = tpu.memref_slice %arg6[%dma_start3A, %dma_start3A_5, %dma_start3A_6] : memref<2x56x128xi32, #tpu.memory_space<vmem>> -> memref<1x1x128xi32, #tpu.memory_space<vmem>>
    %dma_start3A_8 = tpu.memref_squeeze %dma_start3A_7 : memref<1x1x128xi32, #tpu.memory_space<vmem>> -> memref<128xi32, #tpu.memory_space<vmem>>
    %dma_start3A_9 = arith.constant 0 : i32
    %dma_start3A_10 = arith.constant 0 : i32
    %dma_start3A_11 = tpu.memref_slice %arg2[%dma_start3A_9, %dma_start3A_10] : memref<10240x128xf32, #tpu.memory_space<hbm>> -> memref<10240x128xf32, #tpu.memory_space<hbm>>
    tpu.enqueue_indirect_dma source(%dma_start3A_11 : memref<10240x128xf32, #tpu.memory_space<hbm>>) target(%arg7 : memref<128x128xf32, #tpu.memory_space<vmem>>) offsets(%dma_start3A_8 : memref<128xi32, #tpu.memory_space<vmem>>) semaphore(%arg10 : memref<!tpu.dma_semaphore, #tpu.memory_space<semaphore_mem>>)
    %dma_start3A_12 = arith.constant 0 : i32
    %dma_start3A_13 = arith.constant 1 : i32
    %dma_start3A_14 = arith.constant 0 : i32
    %dma_start3A_15 = tpu.memref_slice %arg6[%dma_start3A_12, %dma_start3A_13, %dma_start3A_14] : memref<2x56x128xi32, #tpu.memory_space<vmem>> -> memref<1x1x128xi32, #tpu.memory_space<vmem>>
    %dma_start3A_16 = tpu.memref_squeeze %dma_start3A_15 : memref<1x1x128xi32, #tpu.memory_space<vmem>> -> memref<128xi32, #tpu.memory_space<vmem>>
    %dma_start3A_17 = arith.constant 0 : i32
    %dma_start3A_18 = arith.constant 0 : i32
    %dma_start3A_19 = tpu.memref_slice %arg2[%dma_start3A_17, %dma_start3A_18] : memref<10240x128xf32, #tpu.memory_space<hbm>> -> memref<10240x128xf32, #tpu.memory_space<hbm>>
    tpu.enqueue_indirect_dma source(%dma_start3A_19 : memref<10240x128xf32, #tpu.memory_space<hbm>>) target(%arg8 : memref<128x128xf32, #tpu.memory_space<vmem>>) offsets(%dma_start3A_16 : memref<128xi32, #tpu.memory_space<vmem>>) semaphore(%arg11 : memref<!tpu.dma_semaphore, #tpu.memory_space<semaphore_mem>>)
    %sub3A = arith.constant 1 : i32
    %sub3A_20 = arith.subi %select_n3A, %sub3A : i32
    %while3A = arith.constant 0 : i32
    %while3A_21 = arith.constant 0 : i32
    %while3A_22 = arith.subi %sub3A_20, %while3A_21 : i32
    %while3A_23 = arith.addi %while3A_21, %while3A_22 : i32
    %while3A_24 = arith.constant 1 : i32
    %while3A_25 = arith.divsi %while3A_22, %while3A_24 : i32
    %while3A_26 = arith.muli %while3A_25, %while3A_24 : i32
    %while3A_27 = arith.addi %while3A_21, %while3A_26 : i32
    %while3A_28 = arith.constant 1 : i32
    scf.for %while3A_110 = %while3A_21 to %while3A_27 step %while3A_28  : i32 {
      %mul3A_111 = arith.constant 2 : i32
      %mul3A_112 = arith.muli %mul3A_111, %while3A_110 : i32
      %dma_wait3A_113 = arith.constant 0 : i32
      %dma_wait3A_114 = arith.constant 0 : i32
      %dma_wait3A_115 = tpu.memref_slice %arg6[%dma_wait3A_113, %mul3A_112, %dma_wait3A_114] : memref<2x56x128xi32, #tpu.memory_space<vmem>> -> memref<1x1x128xi32, #tpu.memory_space<vmem>>
      %dma_wait3A_116 = tpu.memref_squeeze %dma_wait3A_115 : memref<1x1x128xi32, #tpu.memory_space<vmem>> -> memref<128xi32, #tpu.memory_space<vmem>>
      %dma_wait3A_117 = arith.constant 0 : i32
      %dma_wait3A_118 = arith.constant 0 : i32
      %dma_wait3A_119 = tpu.memref_slice %arg2[%dma_wait3A_117, %dma_wait3A_118] : memref<10240x128xf32, #tpu.memory_space<hbm>> -> memref<10240x128xf32, #tpu.memory_space<hbm>>
      tpu.wait_indirect_dma semaphore(%arg10 : memref<!tpu.dma_semaphore, #tpu.memory_space<semaphore_mem>>) src(%dma_wait3A_119 : memref<10240x128xf32, #tpu.memory_space<hbm>>) dst(%arg7 : memref<128x128xf32, #tpu.memory_space<vmem>>)
      %run_scoped3A_120 = arith.constant 1 : i32
      "tpu.region"() ({
        %run_scoped3A_151 = tpu.sem_alloc : memref<!tpu.dma_semaphore, #tpu.memory_space<semaphore_mem>>
        %dma_start3A_152 = arith.constant 0 : i32
        %dma_start3A_153 = tpu.memref_slice %arg6[%run_scoped3A_120, %mul3A_112, %dma_start3A_152] : memref<2x56x128xi32, #tpu.memory_space<vmem>> -> memref<1x1x128xi32, #tpu.memory_space<vmem>>
        %dma_start3A_154 = tpu.memref_squeeze %dma_start3A_153 : memref<1x1x128xi32, #tpu.memory_space<vmem>> -> memref<128xi32, #tpu.memory_space<vmem>>
        %dma_start3A_155 = arith.constant 0 : i32
        %dma_start3A_156 = arith.constant 0 : i32
        %dma_start3A_157 = tpu.memref_slice %arg9[%dma_start3A_155, %dma_start3A_156] : memref<10240x128xf32, #tpu.memory_space<vmem_shared>> -> memref<10240x128xf32, #tpu.memory_space<vmem_shared>>
        tpu.enqueue_indirect_dma source(%arg7 : memref<128x128xf32, #tpu.memory_space<vmem>>) target(%dma_start3A_157 : memref<10240x128xf32, #tpu.memory_space<vmem_shared>>) offsets(%dma_start3A_154 : memref<128xi32, #tpu.memory_space<vmem>>) semaphore(%run_scoped3A_151 : memref<!tpu.dma_semaphore, #tpu.memory_space<semaphore_mem>>) {add = true}
        %dma_wait3A_158 = arith.constant 0 : i32
        %dma_wait3A_159 = tpu.memref_slice %arg6[%run_scoped3A_120, %mul3A_112, %dma_wait3A_158] : memref<2x56x128xi32, #tpu.memory_space<vmem>> -> memref<1x1x128xi32, #tpu.memory_space<vmem>>
        %dma_wait3A_160 = tpu.memref_squeeze %dma_wait3A_159 : memref<1x1x128xi32, #tpu.memory_space<vmem>> -> memref<128xi32, #tpu.memory_space<vmem>>
        %dma_wait3A_161 = arith.constant 0 : i32
        %dma_wait3A_162 = arith.constant 0 : i32
        %dma_wait3A_163 = tpu.memref_slice %arg9[%dma_wait3A_161, %dma_wait3A_162] : memref<10240x128xf32, #tpu.memory_space<vmem_shared>> -> memref<10240x128xf32, #tpu.memory_space<vmem_shared>>
        tpu.wait_indirect_dma semaphore(%run_scoped3A_151 : memref<!tpu.dma_semaphore, #tpu.memory_space<semaphore_mem>>) src(%arg7 : memref<128x128xf32, #tpu.memory_space<vmem>>) dst(%dma_wait3A_163 : memref<10240x128xf32, #tpu.memory_space<vmem_shared>>)
        tpu.yield
      }) : () -> ()
      %add3A_121 = arith.constant 2 : i32
      %add3A_122 = arith.addi %mul3A_112, %add3A_121 : i32
      %dma_start3A_123 = arith.constant 0 : i32
      %dma_start3A_124 = arith.constant 0 : i32
      %dma_start3A_125 = tpu.memref_slice %arg6[%dma_start3A_123, %add3A_122, %dma_start3A_124] : memref<2x56x128xi32, #tpu.memory_space<vmem>> -> memref<1x1x128xi32, #tpu.memory_space<vmem>>
      %dma_start3A_126 = tpu.memref_squeeze %dma_start3A_125 : memref<1x1x128xi32, #tpu.memory_space<vmem>> -> memref<128xi32, #tpu.memory_space<vmem>>
      %dma_start3A_127 = arith.constant 0 : i32
      %dma_start3A_128 = arith.constant 0 : i32
      %dma_start3A_129 = tpu.memref_slice %arg2[%dma_start3A_127, %dma_start3A_128] : memref<10240x128xf32, #tpu.memory_space<hbm>> -> memref<10240x128xf32, #tpu.memory_space<hbm>>
      tpu.enqueue_indirect_dma source(%dma_start3A_129 : memref<10240x128xf32, #tpu.memory_space<hbm>>) target(%arg7 : memref<128x128xf32, #tpu.memory_space<vmem>>) offsets(%dma_start3A_126 : memref<128xi32, #tpu.memory_space<vmem>>) semaphore(%arg10 : memref<!tpu.dma_semaphore, #tpu.memory_space<semaphore_mem>>)
      %add3A_130 = arith.constant 1 : i32
      %add3A_131 = arith.addi %mul3A_112, %add3A_130 : i32
      %dma_wait3A_132 = arith.constant 0 : i32
      %dma_wait3A_133 = arith.constant 0 : i32
      %dma_wait3A_134 = tpu.memref_slice %arg6[%dma_wait3A_132, %add3A_131, %dma_wait3A_133] : memref<2x56x128xi32, #tpu.memory_space<vmem>> -> memref<1x1x128xi32, #tpu.memory_space<vmem>>
      %dma_wait3A_135 = tpu.memref_squeeze %dma_wait3A_134 : memref<1x1x128xi32, #tpu.memory_space<vmem>> -> memref<128xi32, #tpu.memory_space<vmem>>
      %dma_wait3A_136 = arith.constant 0 : i32
      %dma_wait3A_137 = arith.constant 0 : i32
      %dma_wait3A_138 = tpu.memref_slice %arg2[%dma_wait3A_136, %dma_wait3A_137] : memref<10240x128xf32, #tpu.memory_space<hbm>> -> memref<10240x128xf32, #tpu.memory_space<hbm>>
      tpu.wait_indirect_dma semaphore(%arg11 : memref<!tpu.dma_semaphore, #tpu.memory_space<semaphore_mem>>) src(%dma_wait3A_138 : memref<10240x128xf32, #tpu.memory_space<hbm>>) dst(%arg8 : memref<128x128xf32, #tpu.memory_space<vmem>>)
      %add3A_139 = arith.constant 1 : i32
      %add3A_140 = arith.addi %mul3A_112, %add3A_139 : i32
      %run_scoped3A_141 = arith.constant 1 : i32
      "tpu.region"() ({
        %run_scoped3A_151 = tpu.sem_alloc : memref<!tpu.dma_semaphore, #tpu.memory_space<semaphore_mem>>
        %dma_start3A_152 = arith.constant 0 : i32
        %dma_start3A_153 = tpu.memref_slice %arg6[%run_scoped3A_141, %add3A_140, %dma_start3A_152] : memref<2x56x128xi32, #tpu.memory_space<vmem>> -> memref<1x1x128xi32, #tpu.memory_space<vmem>>
        %dma_start3A_154 = tpu.memref_squeeze %dma_start3A_153 : memref<1x1x128xi32, #tpu.memory_space<vmem>> -> memref<128xi32, #tpu.memory_space<vmem>>
        %dma_start3A_155 = arith.constant 0 : i32
        %dma_start3A_156 = arith.constant 0 : i32
        %dma_start3A_157 = tpu.memref_slice %arg9[%dma_start3A_155, %dma_start3A_156] : memref<10240x128xf32, #tpu.memory_space<vmem_shared>> -> memref<10240x128xf32, #tpu.memory_space<vmem_shared>>
        tpu.enqueue_indirect_dma source(%arg8 : memref<128x128xf32, #tpu.memory_space<vmem>>) target(%dma_start3A_157 : memref<10240x128xf32, #tpu.memory_space<vmem_shared>>) offsets(%dma_start3A_154 : memref<128xi32, #tpu.memory_space<vmem>>) semaphore(%run_scoped3A_151 : memref<!tpu.dma_semaphore, #tpu.memory_space<semaphore_mem>>) {add = true}
        %dma_wait3A_158 = arith.constant 0 : i32
        %dma_wait3A_159 = tpu.memref_slice %arg6[%run_scoped3A_141, %add3A_140, %dma_wait3A_158] : memref<2x56x128xi32, #tpu.memory_space<vmem>> -> memref<1x1x128xi32, #tpu.memory_space<vmem>>
        %dma_wait3A_160 = tpu.memref_squeeze %dma_wait3A_159 : memref<1x1x128xi32, #tpu.memory_space<vmem>> -> memref<128xi32, #tpu.memory_space<vmem>>
        %dma_wait3A_161 = arith.constant 0 : i32
        %dma_wait3A_162 = arith.constant 0 : i32
        %dma_wait3A_163 = tpu.memref_slice %arg9[%dma_wait3A_161, %dma_wait3A_162] : memref<10240x128xf32, #tpu.memory_space<vmem_shared>> -> memref<10240x128xf32, #tpu.memory_space<vmem_shared>>
        tpu.wait_indirect_dma semaphore(%run_scoped3A_151 : memref<!tpu.dma_semaphore, #tpu.memory_space<semaphore_mem>>) src(%arg8 : memref<128x128xf32, #tpu.memory_space<vmem>>) dst(%dma_wait3A_163 : memref<10240x128xf32, #tpu.memory_space<vmem_shared>>)
        tpu.yield
      }) : () -> ()
      %add3A_142 = arith.constant 3 : i32
      %add3A_143 = arith.addi %mul3A_112, %add3A_142 : i32
      %dma_start3A_144 = arith.constant 0 : i32
      %dma_start3A_145 = arith.constant 0 : i32
      %dma_start3A_146 = tpu.memref_slice %arg6[%dma_start3A_144, %add3A_143, %dma_start3A_145] : memref<2x56x128xi32, #tpu.memory_space<vmem>> -> memref<1x1x128xi32, #tpu.memory_space<vmem>>
      %dma_start3A_147 = tpu.memref_squeeze %dma_start3A_146 : memref<1x1x128xi32, #tpu.memory_space<vmem>> -> memref<128xi32, #tpu.memory_space<vmem>>
      %dma_start3A_148 = arith.constant 0 : i32
      %dma_start3A_149 = arith.constant 0 : i32
      %dma_start3A_150 = tpu.memref_slice %arg2[%dma_start3A_148, %dma_start3A_149] : memref<10240x128xf32, #tpu.memory_space<hbm>> -> memref<10240x128xf32, #tpu.memory_space<hbm>>
      tpu.enqueue_indirect_dma source(%dma_start3A_150 : memref<10240x128xf32, #tpu.memory_space<hbm>>) target(%arg8 : memref<128x128xf32, #tpu.memory_space<vmem>>) offsets(%dma_start3A_147 : memref<128xi32, #tpu.memory_space<vmem>>) semaphore(%arg11 : memref<!tpu.dma_semaphore, #tpu.memory_space<semaphore_mem>>)
    }
    %while3A_29 = arith.constant 1 : i32
    scf.for %while3A_110 = %while3A_27 to %while3A_23 step %while3A_29  : i32 {
      %mul3A_111 = arith.constant 2 : i32
      %mul3A_112 = arith.muli %mul3A_111, %while3A_110 : i32
      %dma_wait3A_113 = arith.constant 0 : i32
      %dma_wait3A_114 = arith.constant 0 : i32
      %dma_wait3A_115 = tpu.memref_slice %arg6[%dma_wait3A_113, %mul3A_112, %dma_wait3A_114] : memref<2x56x128xi32, #tpu.memory_space<vmem>> -> memref<1x1x128xi32, #tpu.memory_space<vmem>>
      %dma_wait3A_116 = tpu.memref_squeeze %dma_wait3A_115 : memref<1x1x128xi32, #tpu.memory_space<vmem>> -> memref<128xi32, #tpu.memory_space<vmem>>
      %dma_wait3A_117 = arith.constant 0 : i32
      %dma_wait3A_118 = arith.constant 0 : i32
      %dma_wait3A_119 = tpu.memref_slice %arg2[%dma_wait3A_117, %dma_wait3A_118] : memref<10240x128xf32, #tpu.memory_space<hbm>> -> memref<10240x128xf32, #tpu.memory_space<hbm>>
      tpu.wait_indirect_dma semaphore(%arg10 : memref<!tpu.dma_semaphore, #tpu.memory_space<semaphore_mem>>) src(%dma_wait3A_119 : memref<10240x128xf32, #tpu.memory_space<hbm>>) dst(%arg7 : memref<128x128xf32, #tpu.memory_space<vmem>>)
      %run_scoped3A_120 = arith.constant 1 : i32
      "tpu.region"() ({
        %run_scoped3A_151 = tpu.sem_alloc : memref<!tpu.dma_semaphore, #tpu.memory_space<semaphore_mem>>
        %dma_start3A_152 = arith.constant 0 : i32
        %dma_start3A_153 = tpu.memref_slice %arg6[%run_scoped3A_120, %mul3A_112, %dma_start3A_152] : memref<2x56x128xi32, #tpu.memory_space<vmem>> -> memref<1x1x128xi32, #tpu.memory_space<vmem>>
        %dma_start3A_154 = tpu.memref_squeeze %dma_start3A_153 : memref<1x1x128xi32, #tpu.memory_space<vmem>> -> memref<128xi32, #tpu.memory_space<vmem>>
        %dma_start3A_155 = arith.constant 0 : i32
        %dma_start3A_156 = arith.constant 0 : i32
        %dma_start3A_157 = tpu.memref_slice %arg9[%dma_start3A_155, %dma_start3A_156] : memref<10240x128xf32, #tpu.memory_space<vmem_shared>> -> memref<10240x128xf32, #tpu.memory_space<vmem_shared>>
        tpu.enqueue_indirect_dma source(%arg7 : memref<128x128xf32, #tpu.memory_space<vmem>>) target(%dma_start3A_157 : memref<10240x128xf32, #tpu.memory_space<vmem_shared>>) offsets(%dma_start3A_154 : memref<128xi32, #tpu.memory_space<vmem>>) semaphore(%run_scoped3A_151 : memref<!tpu.dma_semaphore, #tpu.memory_space<semaphore_mem>>) {add = true}
        %dma_wait3A_158 = arith.constant 0 : i32
        %dma_wait3A_159 = tpu.memref_slice %arg6[%run_scoped3A_120, %mul3A_112, %dma_wait3A_158] : memref<2x56x128xi32, #tpu.memory_space<vmem>> -> memref<1x1x128xi32, #tpu.memory_space<vmem>>
        %dma_wait3A_160 = tpu.memref_squeeze %dma_wait3A_159 : memref<1x1x128xi32, #tpu.memory_space<vmem>> -> memref<128xi32, #tpu.memory_space<vmem>>
        %dma_wait3A_161 = arith.constant 0 : i32
        %dma_wait3A_162 = arith.constant 0 : i32
        %dma_wait3A_163 = tpu.memref_slice %arg9[%dma_wait3A_161, %dma_wait3A_162] : memref<10240x128xf32, #tpu.memory_space<vmem_shared>> -> memref<10240x128xf32, #tpu.memory_space<vmem_shared>>
        tpu.wait_indirect_dma semaphore(%run_scoped3A_151 : memref<!tpu.dma_semaphore, #tpu.memory_space<semaphore_mem>>) src(%arg7 : memref<128x128xf32, #tpu.memory_space<vmem>>) dst(%dma_wait3A_163 : memref<10240x128xf32, #tpu.memory_space<vmem_shared>>)
        tpu.yield
      }) : () -> ()
      %add3A_121 = arith.constant 2 : i32
      %add3A_122 = arith.addi %mul3A_112, %add3A_121 : i32
      %dma_start3A_123 = arith.constant 0 : i32
      %dma_start3A_124 = arith.constant 0 : i32
      %dma_start3A_125 = tpu.memref_slice %arg6[%dma_start3A_123, %add3A_122, %dma_start3A_124] : memref<2x56x128xi32, #tpu.memory_space<vmem>> -> memref<1x1x128xi32, #tpu.memory_space<vmem>>
      %dma_start3A_126 = tpu.memref_squeeze %dma_start3A_125 : memref<1x1x128xi32, #tpu.memory_space<vmem>> -> memref<128xi32, #tpu.memory_space<vmem>>
      %dma_start3A_127 = arith.constant 0 : i32
      %dma_start3A_128 = arith.constant 0 : i32
      %dma_start3A_129 = tpu.memref_slice %arg2[%dma_start3A_127, %dma_start3A_128] : memref<10240x128xf32, #tpu.memory_space<hbm>> -> memref<10240x128xf32, #tpu.memory_space<hbm>>
      tpu.enqueue_indirect_dma source(%dma_start3A_129 : memref<10240x128xf32, #tpu.memory_space<hbm>>) target(%arg7 : memref<128x128xf32, #tpu.memory_space<vmem>>) offsets(%dma_start3A_126 : memref<128xi32, #tpu.memory_space<vmem>>) semaphore(%arg10 : memref<!tpu.dma_semaphore, #tpu.memory_space<semaphore_mem>>)
      %add3A_130 = arith.constant 1 : i32
      %add3A_131 = arith.addi %mul3A_112, %add3A_130 : i32
      %dma_wait3A_132 = arith.constant 0 : i32
      %dma_wait3A_133 = arith.constant 0 : i32
      %dma_wait3A_134 = tpu.memref_slice %arg6[%dma_wait3A_132, %add3A_131, %dma_wait3A_133] : memref<2x56x128xi32, #tpu.memory_space<vmem>> -> memref<1x1x128xi32, #tpu.memory_space<vmem>>
      %dma_wait3A_135 = tpu.memref_squeeze %dma_wait3A_134 : memref<1x1x128xi32, #tpu.memory_space<vmem>> -> memref<128xi32, #tpu.memory_space<vmem>>
      %dma_wait3A_136 = arith.constant 0 : i32
      %dma_wait3A_137 = arith.constant 0 : i32
      %dma_wait3A_138 = tpu.memref_slice %arg2[%dma_wait3A_136, %dma_wait3A_137] : memref<10240x128xf32, #tpu.memory_space<hbm>> -> memref<10240x128xf32, #tpu.memory_space<hbm>>
      tpu.wait_indirect_dma semaphore(%arg11 : memref<!tpu.dma_semaphore, #tpu.memory_space<semaphore_mem>>) src(%dma_wait3A_138 : memref<10240x128xf32, #tpu.memory_space<hbm>>) dst(%arg8 : memref<128x128xf32, #tpu.memory_space<vmem>>)
      %add3A_139 = arith.constant 1 : i32
      %add3A_140 = arith.addi %mul3A_112, %add3A_139 : i32
      %run_scoped3A_141 = arith.constant 1 : i32
      "tpu.region"() ({
        %run_scoped3A_151 = tpu.sem_alloc : memref<!tpu.dma_semaphore, #tpu.memory_space<semaphore_mem>>
        %dma_start3A_152 = arith.constant 0 : i32
        %dma_start3A_153 = tpu.memref_slice %arg6[%run_scoped3A_141, %add3A_140, %dma_start3A_152] : memref<2x56x128xi32, #tpu.memory_space<vmem>> -> memref<1x1x128xi32, #tpu.memory_space<vmem>>
        %dma_start3A_154 = tpu.memref_squeeze %dma_start3A_153 : memref<1x1x128xi32, #tpu.memory_space<vmem>> -> memref<128xi32, #tpu.memory_space<vmem>>
        %dma_start3A_155 = arith.constant 0 : i32
        %dma_start3A_156 = arith.constant 0 : i32
        %dma_start3A_157 = tpu.memref_slice %arg9[%dma_start3A_155, %dma_start3A_156] : memref<10240x128xf32, #tpu.memory_space<vmem_shared>> -> memref<10240x128xf32, #tpu.memory_space<vmem_shared>>
        tpu.enqueue_indirect_dma source(%arg8 : memref<128x128xf32, #tpu.memory_space<vmem>>) target(%dma_start3A_157 : memref<10240x128xf32, #tpu.memory_space<vmem_shared>>) offsets(%dma_start3A_154 : memref<128xi32, #tpu.memory_space<vmem>>) semaphore(%run_scoped3A_151 : memref<!tpu.dma_semaphore, #tpu.memory_space<semaphore_mem>>) {add = true}
        %dma_wait3A_158 = arith.constant 0 : i32
        %dma_wait3A_159 = tpu.memref_slice %arg6[%run_scoped3A_141, %add3A_140, %dma_wait3A_158] : memref<2x56x128xi32, #tpu.memory_space<vmem>> -> memref<1x1x128xi32, #tpu.memory_space<vmem>>
        %dma_wait3A_160 = tpu.memref_squeeze %dma_wait3A_159 : memref<1x1x128xi32, #tpu.memory_space<vmem>> -> memref<128xi32, #tpu.memory_space<vmem>>
        %dma_wait3A_161 = arith.constant 0 : i32
        %dma_wait3A_162 = arith.constant 0 : i32
        %dma_wait3A_163 = tpu.memref_slice %arg9[%dma_wait3A_161, %dma_wait3A_162] : memref<10240x128xf32, #tpu.memory_space<vmem_shared>> -> memref<10240x128xf32, #tpu.memory_space<vmem_shared>>
        tpu.wait_indirect_dma semaphore(%run_scoped3A_151 : memref<!tpu.dma_semaphore, #tpu.memory_space<semaphore_mem>>) src(%arg8 : memref<128x128xf32, #tpu.memory_space<vmem>>) dst(%dma_wait3A_163 : memref<10240x128xf32, #tpu.memory_space<vmem_shared>>)
        tpu.yield
      }) : () -> ()
      %add3A_142 = arith.constant 3 : i32
      %add3A_143 = arith.addi %mul3A_112, %add3A_142 : i32
      %dma_start3A_144 = arith.constant 0 : i32
      %dma_start3A_145 = arith.constant 0 : i32
      %dma_start3A_146 = tpu.memref_slice %arg6[%dma_start3A_144, %add3A_143, %dma_start3A_145] : memref<2x56x128xi32, #tpu.memory_space<vmem>> -> memref<1x1x128xi32, #tpu.memory_space<vmem>>
      %dma_start3A_147 = tpu.memref_squeeze %dma_start3A_146 : memref<1x1x128xi32, #tpu.memory_space<vmem>> -> memref<128xi32, #tpu.memory_space<vmem>>
      %dma_start3A_148 = arith.constant 0 : i32
      %dma_start3A_149 = arith.constant 0 : i32
      %dma_start3A_150 = tpu.memref_slice %arg2[%dma_start3A_148, %dma_start3A_149] : memref<10240x128xf32, #tpu.memory_space<hbm>> -> memref<10240x128xf32, #tpu.memory_space<hbm>>
      tpu.enqueue_indirect_dma source(%dma_start3A_150 : memref<10240x128xf32, #tpu.memory_space<hbm>>) target(%arg8 : memref<128x128xf32, #tpu.memory_space<vmem>>) offsets(%dma_start3A_147 : memref<128xi32, #tpu.memory_space<vmem>>) semaphore(%arg11 : memref<!tpu.dma_semaphore, #tpu.memory_space<semaphore_mem>>)
    }
    %sub3A_30 = arith.constant 1 : i32
    %sub3A_31 = arith.subi %select_n3A, %sub3A_30 : i32
    %mul3A_32 = arith.constant 2 : i32
    %mul3A_33 = arith.muli %mul3A_32, %sub3A_31 : i32
    %dma_wait3A = arith.constant 0 : i32
    %dma_wait3A_34 = arith.constant 0 : i32
    %dma_wait3A_35 = tpu.memref_slice %arg6[%dma_wait3A, %mul3A_33, %dma_wait3A_34] : memref<2x56x128xi32, #tpu.memory_space<vmem>> -> memref<1x1x128xi32, #tpu.memory_space<vmem>>
    %dma_wait3A_36 = tpu.memref_squeeze %dma_wait3A_35 : memref<1x1x128xi32, #tpu.memory_space<vmem>> -> memref<128xi32, #tpu.memory_space<vmem>>
    %dma_wait3A_37 = arith.constant 0 : i32
    %dma_wait3A_38 = arith.constant 0 : i32
    %dma_wait3A_39 = tpu.memref_slice %arg2[%dma_wait3A_37, %dma_wait3A_38] : memref<10240x128xf32, #tpu.memory_space<hbm>> -> memref<10240x128xf32, #tpu.memory_space<hbm>>
    tpu.wait_indirect_dma semaphore(%arg10 : memref<!tpu.dma_semaphore, #tpu.memory_space<semaphore_mem>>) src(%dma_wait3A_39 : memref<10240x128xf32, #tpu.memory_space<hbm>>) dst(%arg7 : memref<128x128xf32, #tpu.memory_space<vmem>>)
    %run_scoped3A = arith.constant 1 : i32
    "tpu.region"() ({
      %run_scoped3A_110 = tpu.sem_alloc : memref<!tpu.dma_semaphore, #tpu.memory_space<semaphore_mem>>
      %dma_start3A_111 = arith.constant 0 : i32
      %dma_start3A_112 = tpu.memref_slice %arg6[%run_scoped3A, %mul3A_33, %dma_start3A_111] : memref<2x56x128xi32, #tpu.memory_space<vmem>> -> memref<1x1x128xi32, #tpu.memory_space<vmem>>
      %dma_start3A_113 = tpu.memref_squeeze %dma_start3A_112 : memref<1x1x128xi32, #tpu.memory_space<vmem>> -> memref<128xi32, #tpu.memory_space<vmem>>
      %dma_start3A_114 = arith.constant 0 : i32
      %dma_start3A_115 = arith.constant 0 : i32
      %dma_start3A_116 = tpu.memref_slice %arg9[%dma_start3A_114, %dma_start3A_115] : memref<10240x128xf32, #tpu.memory_space<vmem_shared>> -> memref<10240x128xf32, #tpu.memory_space<vmem_shared>>
      tpu.enqueue_indirect_dma source(%arg7 : memref<128x128xf32, #tpu.memory_space<vmem>>) target(%dma_start3A_116 : memref<10240x128xf32, #tpu.memory_space<vmem_shared>>) offsets(%dma_start3A_113 : memref<128xi32, #tpu.memory_space<vmem>>) semaphore(%run_scoped3A_110 : memref<!tpu.dma_semaphore, #tpu.memory_space<semaphore_mem>>) {add = true}
      %dma_wait3A_117 = arith.constant 0 : i32
      %dma_wait3A_118 = tpu.memref_slice %arg6[%run_scoped3A, %mul3A_33, %dma_wait3A_117] : memref<2x56x128xi32, #tpu.memory_space<vmem>> -> memref<1x1x128xi32, #tpu.memory_space<vmem>>
      %dma_wait3A_119 = tpu.memref_squeeze %dma_wait3A_118 : memref<1x1x128xi32, #tpu.memory_space<vmem>> -> memref<128xi32, #tpu.memory_space<vmem>>
      %dma_wait3A_120 = arith.constant 0 : i32
      %dma_wait3A_121 = arith.constant 0 : i32
      %dma_wait3A_122 = tpu.memref_slice %arg9[%dma_wait3A_120, %dma_wait3A_121] : memref<10240x128xf32, #tpu.memory_space<vmem_shared>> -> memref<10240x128xf32, #tpu.memory_space<vmem_shared>>
      tpu.wait_indirect_dma semaphore(%run_scoped3A_110 : memref<!tpu.dma_semaphore, #tpu.memory_space<semaphore_mem>>) src(%arg7 : memref<128x128xf32, #tpu.memory_space<vmem>>) dst(%dma_wait3A_122 : memref<10240x128xf32, #tpu.memory_space<vmem_shared>>)
      tpu.yield
    }) : () -> ()
    %add3A_40 = arith.constant 1 : i32
    %add3A_41 = arith.addi %mul3A_33, %add3A_40 : i32
    %dma_wait3A_42 = arith.constant 0 : i32
    %dma_wait3A_43 = arith.constant 0 : i32
    %dma_wait3A_44 = tpu.memref_slice %arg6[%dma_wait3A_42, %add3A_41, %dma_wait3A_43] : memref<2x56x128xi32, #tpu.memory_space<vmem>> -> memref<1x1x128xi32, #tpu.memory_space<vmem>>
    %dma_wait3A_45 = tpu.memref_squeeze %dma_wait3A_44 : memref<1x1x128xi32, #tpu.memory_space<vmem>> -> memref<128xi32, #tpu.memory_space<vmem>>
    %dma_wait3A_46 = arith.constant 0 : i32
    %dma_wait3A_47 = arith.constant 0 : i32
    %dma_wait3A_48 = tpu.memref_slice %arg2[%dma_wait3A_46, %dma_wait3A_47] : memref<10240x128xf32, #tpu.memory_space<hbm>> -> memref<10240x128xf32, #tpu.memory_space<hbm>>
    tpu.wait_indirect_dma semaphore(%arg11 : memref<!tpu.dma_semaphore, #tpu.memory_space<semaphore_mem>>) src(%dma_wait3A_48 : memref<10240x128xf32, #tpu.memory_space<hbm>>) dst(%arg8 : memref<128x128xf32, #tpu.memory_space<vmem>>)
    %add3A_49 = arith.constant 1 : i32
    %add3A_50 = arith.addi %mul3A_33, %add3A_49 : i32
    %run_scoped3A_51 = arith.constant 1 : i32
    "tpu.region"() ({
      %run_scoped3A_110 = tpu.sem_alloc : memref<!tpu.dma_semaphore, #tpu.memory_space<semaphore_mem>>
      %dma_start3A_111 = arith.constant 0 : i32
      %dma_start3A_112 = tpu.memref_slice %arg6[%run_scoped3A_51, %add3A_50, %dma_start3A_111] : memref<2x56x128xi32, #tpu.memory_space<vmem>> -> memref<1x1x128xi32, #tpu.memory_space<vmem>>
      %dma_start3A_113 = tpu.memref_squeeze %dma_start3A_112 : memref<1x1x128xi32, #tpu.memory_space<vmem>> -> memref<128xi32, #tpu.memory_space<vmem>>
      %dma_start3A_114 = arith.constant 0 : i32
      %dma_start3A_115 = arith.constant 0 : i32
      %dma_start3A_116 = tpu.memref_slice %arg9[%dma_start3A_114, %dma_start3A_115] : memref<10240x128xf32, #tpu.memory_space<vmem_shared>> -> memref<10240x128xf32, #tpu.memory_space<vmem_shared>>
      tpu.enqueue_indirect_dma source(%arg8 : memref<128x128xf32, #tpu.memory_space<vmem>>) target(%dma_start3A_116 : memref<10240x128xf32, #tpu.memory_space<vmem_shared>>) offsets(%dma_start3A_113 : memref<128xi32, #tpu.memory_space<vmem>>) semaphore(%run_scoped3A_110 : memref<!tpu.dma_semaphore, #tpu.memory_space<semaphore_mem>>) {add = true}
      %dma_wait3A_117 = arith.constant 0 : i32
      %dma_wait3A_118 = tpu.memref_slice %arg6[%run_scoped3A_51, %add3A_50, %dma_wait3A_117] : memref<2x56x128xi32, #tpu.memory_space<vmem>> -> memref<1x1x128xi32, #tpu.memory_space<vmem>>
      %dma_wait3A_119 = tpu.memref_squeeze %dma_wait3A_118 : memref<1x1x128xi32, #tpu.memory_space<vmem>> -> memref<128xi32, #tpu.memory_space<vmem>>
      %dma_wait3A_120 = arith.constant 0 : i32
      %dma_wait3A_121 = arith.constant 0 : i32
      %dma_wait3A_122 = tpu.memref_slice %arg9[%dma_wait3A_120, %dma_wait3A_121] : memref<10240x128xf32, #tpu.memory_space<vmem_shared>> -> memref<10240x128xf32, #tpu.memory_space<vmem_shared>>
      tpu.wait_indirect_dma semaphore(%run_scoped3A_110 : memref<!tpu.dma_semaphore, #tpu.memory_space<semaphore_mem>>) src(%arg8 : memref<128x128xf32, #tpu.memory_space<vmem>>) dst(%dma_wait3A_122 : memref<10240x128xf32, #tpu.memory_space<vmem_shared>>)
      tpu.yield
    }) : () -> ()
    %eq3A_52 = arith.constant 0 : i32
    %eq3A_53 = arith.cmpi eq, %arg0, %eq3A_52 : i32
    %jit3A_54 = arith.constant 28 : i32
    %jit3A_55 = arith.constant 11 : i32
    %select_n3A_56 = arith.select %eq3A_53, %jit3A_54, %jit3A_55 : i32
    "tpu.region"() ({
      %run_scoped3A_110 = tpu.sem_alloc : memref<!tpu.dma_semaphore, #tpu.memory_space<semaphore_mem>>
      %dma_start3A_111 = arith.constant 0 : i32
      %dma_start3A_112 = arith.constant 56 : i32
      %dma_start3A_113 = arith.constant 0 : i32
      %dma_start3A_114 = tpu.memref_slice %arg3[%dma_start3A_111, %add3A, %dma_start3A_112, %dma_start3A_113] : memref<2x32x112x128xi32, #tpu.memory_space<hbm>> -> memref<2x1x56x128xi32, #tpu.memory_space<hbm>>
      %dma_start3A_115 = tpu.memref_squeeze %dma_start3A_114 : memref<2x1x56x128xi32, #tpu.memory_space<hbm>> -> memref<2x56x128xi32, #tpu.memory_space<hbm>>
      %dma_start3A_116 = arith.constant 0 : i32
      %dma_start3A_117 = arith.constant 56 : i32
      %dma_start3A_118 = arith.constant 0 : i32
      %dma_start3A_119 = tpu.memref_slice %arg3[%dma_start3A_116, %add3A, %dma_start3A_117, %dma_start3A_118] : memref<2x32x112x128xi32, #tpu.memory_space<hbm>> -> memref<2x1x56x128xi32, #tpu.memory_space<hbm>>
      %dma_start3A_120 = tpu.memref_squeeze %dma_start3A_119 : memref<2x1x56x128xi32, #tpu.memory_space<hbm>> -> memref<2x56x128xi32, #tpu.memory_space<hbm>>
      tpu.enqueue_dma source(%dma_start3A_120 : memref<2x56x128xi32, #tpu.memory_space<hbm>>) target(%arg6 : memref<2x56x128xi32, #tpu.memory_space<vmem>>) target_semaphore(%run_scoped3A_110 : memref<!tpu.dma_semaphore, #tpu.memory_space<semaphore_mem>>)
      %dma_wait3A_121 = arith.constant 0 : i32
      %dma_wait3A_122 = arith.constant 56 : i32
      %dma_wait3A_123 = arith.constant 0 : i32
      %dma_wait3A_124 = tpu.memref_slice %arg3[%dma_wait3A_121, %add3A, %dma_wait3A_122, %dma_wait3A_123] : memref<2x32x112x128xi32, #tpu.memory_space<hbm>> -> memref<2x1x56x128xi32, #tpu.memory_space<hbm>>
      %dma_wait3A_125 = tpu.memref_squeeze %dma_wait3A_124 : memref<2x1x56x128xi32, #tpu.memory_space<hbm>> -> memref<2x56x128xi32, #tpu.memory_space<hbm>>
      %dma_wait3A_126 = arith.constant 0 : i32
      %dma_wait3A_127 = arith.constant 56 : i32
      %dma_wait3A_128 = arith.constant 0 : i32
      %dma_wait3A_129 = tpu.memref_slice %arg3[%dma_wait3A_126, %add3A, %dma_wait3A_127, %dma_wait3A_128] : memref<2x32x112x128xi32, #tpu.memory_space<hbm>> -> memref<2x1x56x128xi32, #tpu.memory_space<hbm>>
      %dma_wait3A_130 = tpu.memref_squeeze %dma_wait3A_129 : memref<2x1x56x128xi32, #tpu.memory_space<hbm>> -> memref<2x56x128xi32, #tpu.memory_space<hbm>>
      tpu.wait_dma2 semaphore(%run_scoped3A_110 : memref<!tpu.dma_semaphore, #tpu.memory_space<semaphore_mem>>) src(%dma_wait3A_130 : memref<2x56x128xi32, #tpu.memory_space<hbm>>) dst(%arg6 : memref<2x56x128xi32, #tpu.memory_space<vmem>>)
      tpu.yield
    }) : () -> ()
    %dma_start3A_57 = arith.constant 0 : i32
    %dma_start3A_58 = arith.constant 0 : i32
    %dma_start3A_59 = arith.constant 0 : i32
    %dma_start3A_60 = tpu.memref_slice %arg6[%dma_start3A_57, %dma_start3A_58, %dma_start3A_59] : memref<2x56x128xi32, #tpu.memory_space<vmem>> -> memref<1x1x128xi32, #tpu.memory_space<vmem>>
    %dma_start3A_61 = tpu.memref_squeeze %dma_start3A_60 : memref<1x1x128xi32, #tpu.memory_space<vmem>> -> memref<128xi32, #tpu.memory_space<vmem>>
    %dma_start3A_62 = arith.constant 0 : i32
    %dma_start3A_63 = arith.constant 0 : i32
    %dma_start3A_64 = tpu.memref_slice %arg2[%dma_start3A_62, %dma_start3A_63] : memref<10240x128xf32, #tpu.memory_space<hbm>> -> memref<10240x128xf32, #tpu.memory_space<hbm>>
    tpu.enqueue_indirect_dma source(%dma_start3A_64 : memref<10240x128xf32, #tpu.memory_space<hbm>>) target(%arg7 : memref<128x128xf32, #tpu.memory_space<vmem>>) offsets(%dma_start3A_61 : memref<128xi32, #tpu.memory_space<vmem>>) semaphore(%arg10 : memref<!tpu.dma_semaphore, #tpu.memory_space<semaphore_mem>>)
    %dma_start3A_65 = arith.constant 0 : i32
    %dma_start3A_66 = arith.constant 1 : i32
    %dma_start3A_67 = arith.constant 0 : i32
    %dma_start3A_68 = tpu.memref_slice %arg6[%dma_start3A_65, %dma_start3A_66, %dma_start3A_67] : memref<2x56x128xi32, #tpu.memory_space<vmem>> -> memref<1x1x128xi32, #tpu.memory_space<vmem>>
    %dma_start3A_69 = tpu.memref_squeeze %dma_start3A_68 : memref<1x1x128xi32, #tpu.memory_space<vmem>> -> memref<128xi32, #tpu.memory_space<vmem>>
    %dma_start3A_70 = arith.constant 0 : i32
    %dma_start3A_71 = arith.constant 0 : i32
    %dma_start3A_72 = tpu.memref_slice %arg2[%dma_start3A_70, %dma_start3A_71] : memref<10240x128xf32, #tpu.memory_space<hbm>> -> memref<10240x128xf32, #tpu.memory_space<hbm>>
    tpu.enqueue_indirect_dma source(%dma_start3A_72 : memref<10240x128xf32, #tpu.memory_space<hbm>>) target(%arg8 : memref<128x128xf32, #tpu.memory_space<vmem>>) offsets(%dma_start3A_69 : memref<128xi32, #tpu.memory_space<vmem>>) semaphore(%arg11 : memref<!tpu.dma_semaphore, #tpu.memory_space<semaphore_mem>>)
    %sub3A_73 = arith.constant 1 : i32
    %sub3A_74 = arith.subi %select_n3A_56, %sub3A_73 : i32
    %while3A_75 = arith.constant 0 : i32
    %while3A_76 = arith.constant 0 : i32
    %while3A_77 = arith.subi %sub3A_74, %while3A_76 : i32
    %while3A_78 = arith.addi %while3A_76, %while3A_77 : i32
    %while3A_79 = arith.constant 1 : i32
    %while3A_80 = arith.divsi %while3A_77, %while3A_79 : i32
    %while3A_81 = arith.muli %while3A_80, %while3A_79 : i32
    %while3A_82 = arith.addi %while3A_76, %while3A_81 : i32
    %while3A_83 = arith.constant 1 : i32
    scf.for %while3A_110 = %while3A_76 to %while3A_82 step %while3A_83  : i32 {
      %mul3A_111 = arith.constant 2 : i32
      %mul3A_112 = arith.muli %mul3A_111, %while3A_110 : i32
      %dma_wait3A_113 = arith.constant 0 : i32
      %dma_wait3A_114 = arith.constant 0 : i32
      %dma_wait3A_115 = tpu.memref_slice %arg6[%dma_wait3A_113, %mul3A_112, %dma_wait3A_114] : memref<2x56x128xi32, #tpu.memory_space<vmem>> -> memref<1x1x128xi32, #tpu.memory_space<vmem>>
      %dma_wait3A_116 = tpu.memref_squeeze %dma_wait3A_115 : memref<1x1x128xi32, #tpu.memory_space<vmem>> -> memref<128xi32, #tpu.memory_space<vmem>>
      %dma_wait3A_117 = arith.constant 0 : i32
      %dma_wait3A_118 = arith.constant 0 : i32
      %dma_wait3A_119 = tpu.memref_slice %arg2[%dma_wait3A_117, %dma_wait3A_118] : memref<10240x128xf32, #tpu.memory_space<hbm>> -> memref<10240x128xf32, #tpu.memory_space<hbm>>
      tpu.wait_indirect_dma semaphore(%arg10 : memref<!tpu.dma_semaphore, #tpu.memory_space<semaphore_mem>>) src(%dma_wait3A_119 : memref<10240x128xf32, #tpu.memory_space<hbm>>) dst(%arg7 : memref<128x128xf32, #tpu.memory_space<vmem>>)
      %run_scoped3A_120 = arith.constant 1 : i32
      "tpu.region"() ({
        %run_scoped3A_151 = tpu.sem_alloc : memref<!tpu.dma_semaphore, #tpu.memory_space<semaphore_mem>>
        %dma_start3A_152 = arith.constant 0 : i32
        %dma_start3A_153 = tpu.memref_slice %arg6[%run_scoped3A_120, %mul3A_112, %dma_start3A_152] : memref<2x56x128xi32, #tpu.memory_space<vmem>> -> memref<1x1x128xi32, #tpu.memory_space<vmem>>
        %dma_start3A_154 = tpu.memref_squeeze %dma_start3A_153 : memref<1x1x128xi32, #tpu.memory_space<vmem>> -> memref<128xi32, #tpu.memory_space<vmem>>
        %dma_start3A_155 = arith.constant 0 : i32
        %dma_start3A_156 = arith.constant 0 : i32
        %dma_start3A_157 = tpu.memref_slice %arg9[%dma_start3A_155, %dma_start3A_156] : memref<10240x128xf32, #tpu.memory_space<vmem_shared>> -> memref<10240x128xf32, #tpu.memory_space<vmem_shared>>
        tpu.enqueue_indirect_dma source(%arg7 : memref<128x128xf32, #tpu.memory_space<vmem>>) target(%dma_start3A_157 : memref<10240x128xf32, #tpu.memory_space<vmem_shared>>) offsets(%dma_start3A_154 : memref<128xi32, #tpu.memory_space<vmem>>) semaphore(%run_scoped3A_151 : memref<!tpu.dma_semaphore, #tpu.memory_space<semaphore_mem>>) {add = true}
        %dma_wait3A_158 = arith.constant 0 : i32
        %dma_wait3A_159 = tpu.memref_slice %arg6[%run_scoped3A_120, %mul3A_112, %dma_wait3A_158] : memref<2x56x128xi32, #tpu.memory_space<vmem>> -> memref<1x1x128xi32, #tpu.memory_space<vmem>>
        %dma_wait3A_160 = tpu.memref_squeeze %dma_wait3A_159 : memref<1x1x128xi32, #tpu.memory_space<vmem>> -> memref<128xi32, #tpu.memory_space<vmem>>
        %dma_wait3A_161 = arith.constant 0 : i32
        %dma_wait3A_162 = arith.constant 0 : i32
        %dma_wait3A_163 = tpu.memref_slice %arg9[%dma_wait3A_161, %dma_wait3A_162] : memref<10240x128xf32, #tpu.memory_space<vmem_shared>> -> memref<10240x128xf32, #tpu.memory_space<vmem_shared>>
        tpu.wait_indirect_dma semaphore(%run_scoped3A_151 : memref<!tpu.dma_semaphore, #tpu.memory_space<semaphore_mem>>) src(%arg7 : memref<128x128xf32, #tpu.memory_space<vmem>>) dst(%dma_wait3A_163 : memref<10240x128xf32, #tpu.memory_space<vmem_shared>>)
        tpu.yield
      }) : () -> ()
      %add3A_121 = arith.constant 2 : i32
      %add3A_122 = arith.addi %mul3A_112, %add3A_121 : i32
      %dma_start3A_123 = arith.constant 0 : i32
      %dma_start3A_124 = arith.constant 0 : i32
      %dma_start3A_125 = tpu.memref_slice %arg6[%dma_start3A_123, %add3A_122, %dma_start3A_124] : memref<2x56x128xi32, #tpu.memory_space<vmem>> -> memref<1x1x128xi32, #tpu.memory_space<vmem>>
      %dma_start3A_126 = tpu.memref_squeeze %dma_start3A_125 : memref<1x1x128xi32, #tpu.memory_space<vmem>> -> memref<128xi32, #tpu.memory_space<vmem>>
      %dma_start3A_127 = arith.constant 0 : i32
      %dma_start3A_128 = arith.constant 0 : i32
      %dma_start3A_129 = tpu.memref_slice %arg2[%dma_start3A_127, %dma_start3A_128] : memref<10240x128xf32, #tpu.memory_space<hbm>> -> memref<10240x128xf32, #tpu.memory_space<hbm>>
      tpu.enqueue_indirect_dma source(%dma_start3A_129 : memref<10240x128xf32, #tpu.memory_space<hbm>>) target(%arg7 : memref<128x128xf32, #tpu.memory_space<vmem>>) offsets(%dma_start3A_126 : memref<128xi32, #tpu.memory_space<vmem>>) semaphore(%arg10 : memref<!tpu.dma_semaphore, #tpu.memory_space<semaphore_mem>>)
      %add3A_130 = arith.constant 1 : i32
      %add3A_131 = arith.addi %mul3A_112, %add3A_130 : i32
      %dma_wait3A_132 = arith.constant 0 : i32
      %dma_wait3A_133 = arith.constant 0 : i32
      %dma_wait3A_134 = tpu.memref_slice %arg6[%dma_wait3A_132, %add3A_131, %dma_wait3A_133] : memref<2x56x128xi32, #tpu.memory_space<vmem>> -> memref<1x1x128xi32, #tpu.memory_space<vmem>>
      %dma_wait3A_135 = tpu.memref_squeeze %dma_wait3A_134 : memref<1x1x128xi32, #tpu.memory_space<vmem>> -> memref<128xi32, #tpu.memory_space<vmem>>
      %dma_wait3A_136 = arith.constant 0 : i32
      %dma_wait3A_137 = arith.constant 0 : i32
      %dma_wait3A_138 = tpu.memref_slice %arg2[%dma_wait3A_136, %dma_wait3A_137] : memref<10240x128xf32, #tpu.memory_space<hbm>> -> memref<10240x128xf32, #tpu.memory_space<hbm>>
      tpu.wait_indirect_dma semaphore(%arg11 : memref<!tpu.dma_semaphore, #tpu.memory_space<semaphore_mem>>) src(%dma_wait3A_138 : memref<10240x128xf32, #tpu.memory_space<hbm>>) dst(%arg8 : memref<128x128xf32, #tpu.memory_space<vmem>>)
      %add3A_139 = arith.constant 1 : i32
      %add3A_140 = arith.addi %mul3A_112, %add3A_139 : i32
      %run_scoped3A_141 = arith.constant 1 : i32
      "tpu.region"() ({
        %run_scoped3A_151 = tpu.sem_alloc : memref<!tpu.dma_semaphore, #tpu.memory_space<semaphore_mem>>
        %dma_start3A_152 = arith.constant 0 : i32
        %dma_start3A_153 = tpu.memref_slice %arg6[%run_scoped3A_141, %add3A_140, %dma_start3A_152] : memref<2x56x128xi32, #tpu.memory_space<vmem>> -> memref<1x1x128xi32, #tpu.memory_space<vmem>>
        %dma_start3A_154 = tpu.memref_squeeze %dma_start3A_153 : memref<1x1x128xi32, #tpu.memory_space<vmem>> -> memref<128xi32, #tpu.memory_space<vmem>>
        %dma_start3A_155 = arith.constant 0 : i32
        %dma_start3A_156 = arith.constant 0 : i32
        %dma_start3A_157 = tpu.memref_slice %arg9[%dma_start3A_155, %dma_start3A_156] : memref<10240x128xf32, #tpu.memory_space<vmem_shared>> -> memref<10240x128xf32, #tpu.memory_space<vmem_shared>>
        tpu.enqueue_indirect_dma source(%arg8 : memref<128x128xf32, #tpu.memory_space<vmem>>) target(%dma_start3A_157 : memref<10240x128xf32, #tpu.memory_space<vmem_shared>>) offsets(%dma_start3A_154 : memref<128xi32, #tpu.memory_space<vmem>>) semaphore(%run_scoped3A_151 : memref<!tpu.dma_semaphore, #tpu.memory_space<semaphore_mem>>) {add = true}
        %dma_wait3A_158 = arith.constant 0 : i32
        %dma_wait3A_159 = tpu.memref_slice %arg6[%run_scoped3A_141, %add3A_140, %dma_wait3A_158] : memref<2x56x128xi32, #tpu.memory_space<vmem>> -> memref<1x1x128xi32, #tpu.memory_space<vmem>>
        %dma_wait3A_160 = tpu.memref_squeeze %dma_wait3A_159 : memref<1x1x128xi32, #tpu.memory_space<vmem>> -> memref<128xi32, #tpu.memory_space<vmem>>
        %dma_wait3A_161 = arith.constant 0 : i32
        %dma_wait3A_162 = arith.constant 0 : i32
        %dma_wait3A_163 = tpu.memref_slice %arg9[%dma_wait3A_161, %dma_wait3A_162] : memref<10240x128xf32, #tpu.memory_space<vmem_shared>> -> memref<10240x128xf32, #tpu.memory_space<vmem_shared>>
        tpu.wait_indirect_dma semaphore(%run_scoped3A_151 : memref<!tpu.dma_semaphore, #tpu.memory_space<semaphore_mem>>) src(%arg8 : memref<128x128xf32, #tpu.memory_space<vmem>>) dst(%dma_wait3A_163 : memref<10240x128xf32, #tpu.memory_space<vmem_shared>>)
        tpu.yield
      }) : () -> ()
      %add3A_142 = arith.constant 3 : i32
      %add3A_143 = arith.addi %mul3A_112, %add3A_142 : i32
      %dma_start3A_144 = arith.constant 0 : i32
      %dma_start3A_145 = arith.constant 0 : i32
      %dma_start3A_146 = tpu.memref_slice %arg6[%dma_start3A_144, %add3A_143, %dma_start3A_145] : memref<2x56x128xi32, #tpu.memory_space<vmem>> -> memref<1x1x128xi32, #tpu.memory_space<vmem>>
      %dma_start3A_147 = tpu.memref_squeeze %dma_start3A_146 : memref<1x1x128xi32, #tpu.memory_space<vmem>> -> memref<128xi32, #tpu.memory_space<vmem>>
      %dma_start3A_148 = arith.constant 0 : i32
      %dma_start3A_149 = arith.constant 0 : i32
      %dma_start3A_150 = tpu.memref_slice %arg2[%dma_start3A_148, %dma_start3A_149] : memref<10240x128xf32, #tpu.memory_space<hbm>> -> memref<10240x128xf32, #tpu.memory_space<hbm>>
      tpu.enqueue_indirect_dma source(%dma_start3A_150 : memref<10240x128xf32, #tpu.memory_space<hbm>>) target(%arg8 : memref<128x128xf32, #tpu.memory_space<vmem>>) offsets(%dma_start3A_147 : memref<128xi32, #tpu.memory_space<vmem>>) semaphore(%arg11 : memref<!tpu.dma_semaphore, #tpu.memory_space<semaphore_mem>>)
    }
    %while3A_84 = arith.constant 1 : i32
    scf.for %while3A_110 = %while3A_82 to %while3A_78 step %while3A_84  : i32 {
      %mul3A_111 = arith.constant 2 : i32
      %mul3A_112 = arith.muli %mul3A_111, %while3A_110 : i32
      %dma_wait3A_113 = arith.constant 0 : i32
      %dma_wait3A_114 = arith.constant 0 : i32
      %dma_wait3A_115 = tpu.memref_slice %arg6[%dma_wait3A_113, %mul3A_112, %dma_wait3A_114] : memref<2x56x128xi32, #tpu.memory_space<vmem>> -> memref<1x1x128xi32, #tpu.memory_space<vmem>>
      %dma_wait3A_116 = tpu.memref_squeeze %dma_wait3A_115 : memref<1x1x128xi32, #tpu.memory_space<vmem>> -> memref<128xi32, #tpu.memory_space<vmem>>
      %dma_wait3A_117 = arith.constant 0 : i32
      %dma_wait3A_118 = arith.constant 0 : i32
      %dma_wait3A_119 = tpu.memref_slice %arg2[%dma_wait3A_117, %dma_wait3A_118] : memref<10240x128xf32, #tpu.memory_space<hbm>> -> memref<10240x128xf32, #tpu.memory_space<hbm>>
      tpu.wait_indirect_dma semaphore(%arg10 : memref<!tpu.dma_semaphore, #tpu.memory_space<semaphore_mem>>) src(%dma_wait3A_119 : memref<10240x128xf32, #tpu.memory_space<hbm>>) dst(%arg7 : memref<128x128xf32, #tpu.memory_space<vmem>>)
      %run_scoped3A_120 = arith.constant 1 : i32
      "tpu.region"() ({
        %run_scoped3A_151 = tpu.sem_alloc : memref<!tpu.dma_semaphore, #tpu.memory_space<semaphore_mem>>
        %dma_start3A_152 = arith.constant 0 : i32
        %dma_start3A_153 = tpu.memref_slice %arg6[%run_scoped3A_120, %mul3A_112, %dma_start3A_152] : memref<2x56x128xi32, #tpu.memory_space<vmem>> -> memref<1x1x128xi32, #tpu.memory_space<vmem>>
        %dma_start3A_154 = tpu.memref_squeeze %dma_start3A_153 : memref<1x1x128xi32, #tpu.memory_space<vmem>> -> memref<128xi32, #tpu.memory_space<vmem>>
        %dma_start3A_155 = arith.constant 0 : i32
        %dma_start3A_156 = arith.constant 0 : i32
        %dma_start3A_157 = tpu.memref_slice %arg9[%dma_start3A_155, %dma_start3A_156] : memref<10240x128xf32, #tpu.memory_space<vmem_shared>> -> memref<10240x128xf32, #tpu.memory_space<vmem_shared>>
        tpu.enqueue_indirect_dma source(%arg7 : memref<128x128xf32, #tpu.memory_space<vmem>>) target(%dma_start3A_157 : memref<10240x128xf32, #tpu.memory_space<vmem_shared>>) offsets(%dma_start3A_154 : memref<128xi32, #tpu.memory_space<vmem>>) semaphore(%run_scoped3A_151 : memref<!tpu.dma_semaphore, #tpu.memory_space<semaphore_mem>>) {add = true}
        %dma_wait3A_158 = arith.constant 0 : i32
        %dma_wait3A_159 = tpu.memref_slice %arg6[%run_scoped3A_120, %mul3A_112, %dma_wait3A_158] : memref<2x56x128xi32, #tpu.memory_space<vmem>> -> memref<1x1x128xi32, #tpu.memory_space<vmem>>
        %dma_wait3A_160 = tpu.memref_squeeze %dma_wait3A_159 : memref<1x1x128xi32, #tpu.memory_space<vmem>> -> memref<128xi32, #tpu.memory_space<vmem>>
        %dma_wait3A_161 = arith.constant 0 : i32
        %dma_wait3A_162 = arith.constant 0 : i32
        %dma_wait3A_163 = tpu.memref_slice %arg9[%dma_wait3A_161, %dma_wait3A_162] : memref<10240x128xf32, #tpu.memory_space<vmem_shared>> -> memref<10240x128xf32, #tpu.memory_space<vmem_shared>>
        tpu.wait_indirect_dma semaphore(%run_scoped3A_151 : memref<!tpu.dma_semaphore, #tpu.memory_space<semaphore_mem>>) src(%arg7 : memref<128x128xf32, #tpu.memory_space<vmem>>) dst(%dma_wait3A_163 : memref<10240x128xf32, #tpu.memory_space<vmem_shared>>)
        tpu.yield
      }) : () -> ()
      %add3A_121 = arith.constant 2 : i32
      %add3A_122 = arith.addi %mul3A_112, %add3A_121 : i32
      %dma_start3A_123 = arith.constant 0 : i32
      %dma_start3A_124 = arith.constant 0 : i32
      %dma_start3A_125 = tpu.memref_slice %arg6[%dma_start3A_123, %add3A_122, %dma_start3A_124] : memref<2x56x128xi32, #tpu.memory_space<vmem>> -> memref<1x1x128xi32, #tpu.memory_space<vmem>>
      %dma_start3A_126 = tpu.memref_squeeze %dma_start3A_125 : memref<1x1x128xi32, #tpu.memory_space<vmem>> -> memref<128xi32, #tpu.memory_space<vmem>>
      %dma_start3A_127 = arith.constant 0 : i32
      %dma_start3A_128 = arith.constant 0 : i32
      %dma_start3A_129 = tpu.memref_slice %arg2[%dma_start3A_127, %dma_start3A_128] : memref<10240x128xf32, #tpu.memory_space<hbm>> -> memref<10240x128xf32, #tpu.memory_space<hbm>>
      tpu.enqueue_indirect_dma source(%dma_start3A_129 : memref<10240x128xf32, #tpu.memory_space<hbm>>) target(%arg7 : memref<128x128xf32, #tpu.memory_space<vmem>>) offsets(%dma_start3A_126 : memref<128xi32, #tpu.memory_space<vmem>>) semaphore(%arg10 : memref<!tpu.dma_semaphore, #tpu.memory_space<semaphore_mem>>)
      %add3A_130 = arith.constant 1 : i32
      %add3A_131 = arith.addi %mul3A_112, %add3A_130 : i32
      %dma_wait3A_132 = arith.constant 0 : i32
      %dma_wait3A_133 = arith.constant 0 : i32
      %dma_wait3A_134 = tpu.memref_slice %arg6[%dma_wait3A_132, %add3A_131, %dma_wait3A_133] : memref<2x56x128xi32, #tpu.memory_space<vmem>> -> memref<1x1x128xi32, #tpu.memory_space<vmem>>
      %dma_wait3A_135 = tpu.memref_squeeze %dma_wait3A_134 : memref<1x1x128xi32, #tpu.memory_space<vmem>> -> memref<128xi32, #tpu.memory_space<vmem>>
      %dma_wait3A_136 = arith.constant 0 : i32
      %dma_wait3A_137 = arith.constant 0 : i32
      %dma_wait3A_138 = tpu.memref_slice %arg2[%dma_wait3A_136, %dma_wait3A_137] : memref<10240x128xf32, #tpu.memory_space<hbm>> -> memref<10240x128xf32, #tpu.memory_space<hbm>>
      tpu.wait_indirect_dma semaphore(%arg11 : memref<!tpu.dma_semaphore, #tpu.memory_space<semaphore_mem>>) src(%dma_wait3A_138 : memref<10240x128xf32, #tpu.memory_space<hbm>>) dst(%arg8 : memref<128x128xf32, #tpu.memory_space<vmem>>)
      %add3A_139 = arith.constant 1 : i32
      %add3A_140 = arith.addi %mul3A_112, %add3A_139 : i32
      %run_scoped3A_141 = arith.constant 1 : i32
      "tpu.region"() ({
        %run_scoped3A_151 = tpu.sem_alloc : memref<!tpu.dma_semaphore, #tpu.memory_space<semaphore_mem>>
        %dma_start3A_152 = arith.constant 0 : i32
        %dma_start3A_153 = tpu.memref_slice %arg6[%run_scoped3A_141, %add3A_140, %dma_start3A_152] : memref<2x56x128xi32, #tpu.memory_space<vmem>> -> memref<1x1x128xi32, #tpu.memory_space<vmem>>
        %dma_start3A_154 = tpu.memref_squeeze %dma_start3A_153 : memref<1x1x128xi32, #tpu.memory_space<vmem>> -> memref<128xi32, #tpu.memory_space<vmem>>
        %dma_start3A_155 = arith.constant 0 : i32
        %dma_start3A_156 = arith.constant 0 : i32
        %dma_start3A_157 = tpu.memref_slice %arg9[%dma_start3A_155, %dma_start3A_156] : memref<10240x128xf32, #tpu.memory_space<vmem_shared>> -> memref<10240x128xf32, #tpu.memory_space<vmem_shared>>
        tpu.enqueue_indirect_dma source(%arg8 : memref<128x128xf32, #tpu.memory_space<vmem>>) target(%dma_start3A_157 : memref<10240x128xf32, #tpu.memory_space<vmem_shared>>) offsets(%dma_start3A_154 : memref<128xi32, #tpu.memory_space<vmem>>) semaphore(%run_scoped3A_151 : memref<!tpu.dma_semaphore, #tpu.memory_space<semaphore_mem>>) {add = true}
        %dma_wait3A_158 = arith.constant 0 : i32
        %dma_wait3A_159 = tpu.memref_slice %arg6[%run_scoped3A_141, %add3A_140, %dma_wait3A_158] : memref<2x56x128xi32, #tpu.memory_space<vmem>> -> memref<1x1x128xi32, #tpu.memory_space<vmem>>
        %dma_wait3A_160 = tpu.memref_squeeze %dma_wait3A_159 : memref<1x1x128xi32, #tpu.memory_space<vmem>> -> memref<128xi32, #tpu.memory_space<vmem>>
        %dma_wait3A_161 = arith.constant 0 : i32
        %dma_wait3A_162 = arith.constant 0 : i32
        %dma_wait3A_163 = tpu.memref_slice %arg9[%dma_wait3A_161, %dma_wait3A_162] : memref<10240x128xf32, #tpu.memory_space<vmem_shared>> -> memref<10240x128xf32, #tpu.memory_space<vmem_shared>>
        tpu.wait_indirect_dma semaphore(%run_scoped3A_151 : memref<!tpu.dma_semaphore, #tpu.memory_space<semaphore_mem>>) src(%arg8 : memref<128x128xf32, #tpu.memory_space<vmem>>) dst(%dma_wait3A_163 : memref<10240x128xf32, #tpu.memory_space<vmem_shared>>)
        tpu.yield
      }) : () -> ()
      %add3A_142 = arith.constant 3 : i32
      %add3A_143 = arith.addi %mul3A_112, %add3A_142 : i32
      %dma_start3A_144 = arith.constant 0 : i32
      %dma_start3A_145 = arith.constant 0 : i32
      %dma_start3A_146 = tpu.memref_slice %arg6[%dma_start3A_144, %add3A_143, %dma_start3A_145] : memref<2x56x128xi32, #tpu.memory_space<vmem>> -> memref<1x1x128xi32, #tpu.memory_space<vmem>>
      %dma_start3A_147 = tpu.memref_squeeze %dma_start3A_146 : memref<1x1x128xi32, #tpu.memory_space<vmem>> -> memref<128xi32, #tpu.memory_space<vmem>>
      %dma_start3A_148 = arith.constant 0 : i32
      %dma_start3A_149 = arith.constant 0 : i32
      %dma_start3A_150 = tpu.memref_slice %arg2[%dma_start3A_148, %dma_start3A_149] : memref<10240x128xf32, #tpu.memory_space<hbm>> -> memref<10240x128xf32, #tpu.memory_space<hbm>>
      tpu.enqueue_indirect_dma source(%dma_start3A_150 : memref<10240x128xf32, #tpu.memory_space<hbm>>) target(%arg8 : memref<128x128xf32, #tpu.memory_space<vmem>>) offsets(%dma_start3A_147 : memref<128xi32, #tpu.memory_space<vmem>>) semaphore(%arg11 : memref<!tpu.dma_semaphore, #tpu.memory_space<semaphore_mem>>)
    }
    %sub3A_85 = arith.constant 1 : i32
    %sub3A_86 = arith.subi %select_n3A_56, %sub3A_85 : i32
    %mul3A_87 = arith.constant 2 : i32
    %mul3A_88 = arith.muli %mul3A_87, %sub3A_86 : i32
    %dma_wait3A_89 = arith.constant 0 : i32
    %dma_wait3A_90 = arith.constant 0 : i32
    %dma_wait3A_91 = tpu.memref_slice %arg6[%dma_wait3A_89, %mul3A_88, %dma_wait3A_90] : memref<2x56x128xi32, #tpu.memory_space<vmem>> -> memref<1x1x128xi32, #tpu.memory_space<vmem>>
    %dma_wait3A_92 = tpu.memref_squeeze %dma_wait3A_91 : memref<1x1x128xi32, #tpu.memory_space<vmem>> -> memref<128xi32, #tpu.memory_space<vmem>>
    %dma_wait3A_93 = arith.constant 0 : i32
    %dma_wait3A_94 = arith.constant 0 : i32
    %dma_wait3A_95 = tpu.memref_slice %arg2[%dma_wait3A_93, %dma_wait3A_94] : memref<10240x128xf32, #tpu.memory_space<hbm>> -> memref<10240x128xf32, #tpu.memory_space<hbm>>
    tpu.wait_indirect_dma semaphore(%arg10 : memref<!tpu.dma_semaphore, #tpu.memory_space<semaphore_mem>>) src(%dma_wait3A_95 : memref<10240x128xf32, #tpu.memory_space<hbm>>) dst(%arg7 : memref<128x128xf32, #tpu.memory_space<vmem>>)
    %run_scoped3A_96 = arith.constant 1 : i32
    "tpu.region"() ({
      %run_scoped3A_110 = tpu.sem_alloc : memref<!tpu.dma_semaphore, #tpu.memory_space<semaphore_mem>>
      %dma_start3A_111 = arith.constant 0 : i32
      %dma_start3A_112 = tpu.memref_slice %arg6[%run_scoped3A_96, %mul3A_88, %dma_start3A_111] : memref<2x56x128xi32, #tpu.memory_space<vmem>> -> memref<1x1x128xi32, #tpu.memory_space<vmem>>
      %dma_start3A_113 = tpu.memref_squeeze %dma_start3A_112 : memref<1x1x128xi32, #tpu.memory_space<vmem>> -> memref<128xi32, #tpu.memory_space<vmem>>
      %dma_start3A_114 = arith.constant 0 : i32
      %dma_start3A_115 = arith.constant 0 : i32
      %dma_start3A_116 = tpu.memref_slice %arg9[%dma_start3A_114, %dma_start3A_115] : memref<10240x128xf32, #tpu.memory_space<vmem_shared>> -> memref<10240x128xf32, #tpu.memory_space<vmem_shared>>
      tpu.enqueue_indirect_dma source(%arg7 : memref<128x128xf32, #tpu.memory_space<vmem>>) target(%dma_start3A_116 : memref<10240x128xf32, #tpu.memory_space<vmem_shared>>) offsets(%dma_start3A_113 : memref<128xi32, #tpu.memory_space<vmem>>) semaphore(%run_scoped3A_110 : memref<!tpu.dma_semaphore, #tpu.memory_space<semaphore_mem>>) {add = true}
      %dma_wait3A_117 = arith.constant 0 : i32
      %dma_wait3A_118 = tpu.memref_slice %arg6[%run_scoped3A_96, %mul3A_88, %dma_wait3A_117] : memref<2x56x128xi32, #tpu.memory_space<vmem>> -> memref<1x1x128xi32, #tpu.memory_space<vmem>>
      %dma_wait3A_119 = tpu.memref_squeeze %dma_wait3A_118 : memref<1x1x128xi32, #tpu.memory_space<vmem>> -> memref<128xi32, #tpu.memory_space<vmem>>
      %dma_wait3A_120 = arith.constant 0 : i32
      %dma_wait3A_121 = arith.constant 0 : i32
      %dma_wait3A_122 = tpu.memref_slice %arg9[%dma_wait3A_120, %dma_wait3A_121] : memref<10240x128xf32, #tpu.memory_space<vmem_shared>> -> memref<10240x128xf32, #tpu.memory_space<vmem_shared>>
      tpu.wait_indirect_dma semaphore(%run_scoped3A_110 : memref<!tpu.dma_semaphore, #tpu.memory_space<semaphore_mem>>) src(%arg7 : memref<128x128xf32, #tpu.memory_space<vmem>>) dst(%dma_wait3A_122 : memref<10240x128xf32, #tpu.memory_space<vmem_shared>>)
      tpu.yield
    }) : () -> ()
    %add3A_97 = arith.constant 1 : i32
    %add3A_98 = arith.addi %mul3A_88, %add3A_97 : i32
    %dma_wait3A_99 = arith.constant 0 : i32
    %dma_wait3A_100 = arith.constant 0 : i32
    %dma_wait3A_101 = tpu.memref_slice %arg6[%dma_wait3A_99, %add3A_98, %dma_wait3A_100] : memref<2x56x128xi32, #tpu.memory_space<vmem>> -> memref<1x1x128xi32, #tpu.memory_space<vmem>>
    %dma_wait3A_102 = tpu.memref_squeeze %dma_wait3A_101 : memref<1x1x128xi32, #tpu.memory_space<vmem>> -> memref<128xi32, #tpu.memory_space<vmem>>
    %dma_wait3A_103 = arith.constant 0 : i32
    %dma_wait3A_104 = arith.constant 0 : i32
    %dma_wait3A_105 = tpu.memref_slice %arg2[%dma_wait3A_103, %dma_wait3A_104] : memref<10240x128xf32, #tpu.memory_space<hbm>> -> memref<10240x128xf32, #tpu.memory_space<hbm>>
    tpu.wait_indirect_dma semaphore(%arg11 : memref<!tpu.dma_semaphore, #tpu.memory_space<semaphore_mem>>) src(%dma_wait3A_105 : memref<10240x128xf32, #tpu.memory_space<hbm>>) dst(%arg8 : memref<128x128xf32, #tpu.memory_space<vmem>>)
    %add3A_106 = arith.constant 1 : i32
    %add3A_107 = arith.addi %mul3A_88, %add3A_106 : i32
    %run_scoped3A_108 = arith.constant 1 : i32
    "tpu.region"() ({
      %run_scoped3A_110 = tpu.sem_alloc : memref<!tpu.dma_semaphore, #tpu.memory_space<semaphore_mem>>
      %dma_start3A_111 = arith.constant 0 : i32
      %dma_start3A_112 = tpu.memref_slice %arg6[%run_scoped3A_108, %add3A_107, %dma_start3A_111] : memref<2x56x128xi32, #tpu.memory_space<vmem>> -> memref<1x1x128xi32, #tpu.memory_space<vmem>>
      %dma_start3A_113 = tpu.memref_squeeze %dma_start3A_112 : memref<1x1x128xi32, #tpu.memory_space<vmem>> -> memref<128xi32, #tpu.memory_space<vmem>>
      %dma_start3A_114 = arith.constant 0 : i32
      %dma_start3A_115 = arith.constant 0 : i32
      %dma_start3A_116 = tpu.memref_slice %arg9[%dma_start3A_114, %dma_start3A_115] : memref<10240x128xf32, #tpu.memory_space<vmem_shared>> -> memref<10240x128xf32, #tpu.memory_space<vmem_shared>>
      tpu.enqueue_indirect_dma source(%arg8 : memref<128x128xf32, #tpu.memory_space<vmem>>) target(%dma_start3A_116 : memref<10240x128xf32, #tpu.memory_space<vmem_shared>>) offsets(%dma_start3A_113 : memref<128xi32, #tpu.memory_space<vmem>>) semaphore(%run_scoped3A_110 : memref<!tpu.dma_semaphore, #tpu.memory_space<semaphore_mem>>) {add = true}
      %dma_wait3A_117 = arith.constant 0 : i32
      %dma_wait3A_118 = tpu.memref_slice %arg6[%run_scoped3A_108, %add3A_107, %dma_wait3A_117] : memref<2x56x128xi32, #tpu.memory_space<vmem>> -> memref<1x1x128xi32, #tpu.memory_space<vmem>>
      %dma_wait3A_119 = tpu.memref_squeeze %dma_wait3A_118 : memref<1x1x128xi32, #tpu.memory_space<vmem>> -> memref<128xi32, #tpu.memory_space<vmem>>
      %dma_wait3A_120 = arith.constant 0 : i32
      %dma_wait3A_121 = arith.constant 0 : i32
      %dma_wait3A_122 = tpu.memref_slice %arg9[%dma_wait3A_120, %dma_wait3A_121] : memref<10240x128xf32, #tpu.memory_space<vmem_shared>> -> memref<10240x128xf32, #tpu.memory_space<vmem_shared>>
      tpu.wait_indirect_dma semaphore(%run_scoped3A_110 : memref<!tpu.dma_semaphore, #tpu.memory_space<semaphore_mem>>) src(%arg8 : memref<128x128xf32, #tpu.memory_space<vmem>>) dst(%dma_wait3A_122 : memref<10240x128xf32, #tpu.memory_space<vmem_shared>>)
      tpu.yield
    }) : () -> ()
    %barrier3A_109 = arith.constant 0 : index
    tpu.barrier barrier_id(%barrier3A_109)
    "tpu.region"() ({
      %run_scoped3A_110 = tpu.sem_alloc : memref<!tpu.dma_semaphore, #tpu.memory_space<semaphore_mem>>
      %dma_start3A_111 = arith.constant 0 : i32
      %dma_start3A_112 = tpu.memref_slice %arg5[%arg0, %mul3A_0, %dma_start3A_111] : memref<2x10240x128xf32, #tpu.memory_space<hbm>> -> memref<1x640x128xf32, #tpu.memory_space<hbm>>
      %dma_start3A_113 = tpu.memref_squeeze %dma_start3A_112 : memref<1x640x128xf32, #tpu.memory_space<hbm>> -> memref<640x128xf32, #tpu.memory_space<hbm>>
      %dma_start3A_114 = arith.constant 0 : i32
      %dma_start3A_115 = tpu.memref_slice %arg9[%mul3A_0, %dma_start3A_114] : memref<10240x128xf32, #tpu.memory_space<vmem_shared>> -> memref<640x128xf32, #tpu.memory_space<vmem_shared>>
      tpu.enqueue_dma source(%dma_start3A_115 : memref<640x128xf32, #tpu.memory_space<vmem_shared>>) target(%dma_start3A_113 : memref<640x128xf32, #tpu.memory_space<hbm>>) target_semaphore(%run_scoped3A_110 : memref<!tpu.dma_semaphore, #tpu.memory_space<semaphore_mem>>)
      %dma_wait3A_116 = arith.constant 0 : i32
      %dma_wait3A_117 = tpu.memref_slice %arg5[%arg0, %mul3A_0, %dma_wait3A_116] : memref<2x10240x128xf32, #tpu.memory_space<hbm>> -> memref<1x640x128xf32, #tpu.memory_space<hbm>>
      %dma_wait3A_118 = tpu.memref_squeeze %dma_wait3A_117 : memref<1x640x128xf32, #tpu.memory_space<hbm>> -> memref<640x128xf32, #tpu.memory_space<hbm>>
      %dma_wait3A_119 = arith.constant 0 : i32
      %dma_wait3A_120 = tpu.memref_slice %arg9[%mul3A_0, %dma_wait3A_119] : memref<10240x128xf32, #tpu.memory_space<vmem_shared>> -> memref<640x128xf32, #tpu.memory_space<vmem_shared>>
      tpu.wait_dma2 semaphore(%run_scoped3A_110 : memref<!tpu.dma_semaphore, #tpu.memory_space<semaphore_mem>>) src(%dma_wait3A_120 : memref<640x128xf32, #tpu.memory_space<vmem_shared>>) dst(%dma_wait3A_118 : memref<640x128xf32, #tpu.memory_space<hbm>>)
      tpu.yield
    }) : () -> ()
    return
  }
}

module attributes {stable_mosaic.version = 14 : i64} {
  func.func @_mm_body(%arg0: i32, %arg1: memref<2560x128xf32, #tpu.memory_space<vmem>>, %arg2: memref<128x128xf32, #tpu.memory_space<vmem>>, %arg3: memref<2560x128xf32, #tpu.memory_space<vmem>>) attributes {dimension_semantics = [#tpu.dimension_semantics<arbitrary>], iteration_bounds = array<i64: 4>, scalar_prefetch = 0 : i64, scratch_operands = 0 : i64, tpu.core_type = #tpu.core_type<tc>, window_params = [{transform_indices = @transform_0, window_bounds = array<i64: 2560, 128>}, {pipeline_mode = #tpu.pipeline_mode<synchronous>, transform_indices = @transform_1, window_bounds = array<i64: 128, 128>}, {transform_indices = @transform_2, window_bounds = array<i64: 2560, 128>}]} {
    %get3A = arith.constant 0 : index
    %get3A_0 = arith.constant 0 : index
    %get3A_1 = vector.load %arg1[%get3A, %get3A_0] : memref<2560x128xf32, #tpu.memory_space<vmem>>, vector<2560x128xf32>
    %get3A_2 = arith.constant 0 : index
    %get3A_3 = arith.constant 0 : index
    %get3A_4 = vector.load %arg2[%get3A_2, %get3A_3] : memref<128x128xf32, #tpu.memory_space<vmem>>, vector<128x128xf32>
    %dot_general3A = arith.constant dense<0.000000e+00> : vector<2560x128xf32>
    %dot_general3A_5 = tpu.matmul %get3A_1, %get3A_4, %dot_general3A {dimension_numbers = #tpu.dot_dimension_numbers<[1], [0], [0], [1], [0, 0, 1, 1], [], []>, transpose_lhs_hint = false} : vector<2560x128xf32>, vector<128x128xf32>, vector<2560x128xf32> -> vector<2560x128xf32>
    %swap3A = arith.constant 0 : index
    %swap3A_6 = arith.constant 0 : index
    %swap3A_7 = vector.load %arg3[%swap3A, %swap3A_6] : memref<2560x128xf32, #tpu.memory_space<vmem>>, vector<2560x128xf32>
    tpu.vector_store %arg3[%swap3A, %swap3A_6], %dot_general3A_5 {strides = array<i32>} : memref<2560x128xf32, #tpu.memory_space<vmem>>, vector<2560x128xf32>,
    return
  }
  func.func @transform_0(%arg0: i32) -> (i32, i32) {
    %c0_i32 = arith.constant 0 : i32
    %c0_i32_0 = arith.constant 0 : i32
    return %arg0, %c0_i32 : i32, i32
  }
  func.func @transform_1(%arg0: i32) -> (i32, i32) {
    %c0_i32 = arith.constant 0 : i32
    %c0_i32_0 = arith.constant 0 : i32
    %c0_i32_1 = arith.constant 0 : i32
    return %c0_i32, %c0_i32_0 : i32, i32
  }
  func.func @transform_2(%arg0: i32) -> (i32, i32) {
    %c0_i32 = arith.constant 0 : i32
    %c0_i32_0 = arith.constant 0 : i32
    return %arg0, %c0_i32 : i32, i32
  }
}

module attributes {stable_mosaic.version = 14 : i64} {
  func.func @_fuse_body(%arg0: i32, %arg1: memref<2560x128xf32, #tpu.memory_space<vmem>>, %arg2: memref<2560x128xf32, #tpu.memory_space<vmem>>, %arg3: memref<1x128xf32, #tpu.memory_space<vmem>>, %arg4: memref<128x128xf32, #tpu.memory_space<vmem>>, %arg5: memref<2560x128xf32, #tpu.memory_space<vmem>>) attributes {dimension_semantics = [#tpu.dimension_semantics<arbitrary>], iteration_bounds = array<i64: 4>, scalar_prefetch = 0 : i64, scratch_operands = 0 : i64, tpu.core_type = #tpu.core_type<tc>, window_params = [{transform_indices = @transform_0, window_bounds = array<i64: 2560, 128>}, {transform_indices = @transform_1, window_bounds = array<i64: 2560, 128>}, {pipeline_mode = #tpu.pipeline_mode<synchronous>, transform_indices = @transform_2, window_bounds = array<i64: 1, 128>}, {pipeline_mode = #tpu.pipeline_mode<synchronous>, transform_indices = @transform_3, window_bounds = array<i64: 128, 128>}, {transform_indices = @transform_4, window_bounds = array<i64: 2560, 128>}]} {
    %get3A = arith.constant 0 : index
    %get3A_0 = arith.constant 0 : index
    %get3A_1 = vector.load %arg1[%get3A, %get3A_0] : memref<2560x128xf32, #tpu.memory_space<vmem>>, vector<2560x128xf32>
    %get3A_2 = arith.constant 0 : index
    %get3A_3 = arith.constant 0 : index
    %get3A_4 = vector.load %arg2[%get3A_2, %get3A_3] : memref<2560x128xf32, #tpu.memory_space<vmem>>, vector<2560x128xf32>
    %add3A = arith.addf %get3A_1, %get3A_4 : vector<2560x128xf32>
    %get3A_5 = arith.constant 0 : index
    %get3A_6 = arith.constant 0 : index
    %get3A_7 = vector.load %arg3[%get3A_5, %get3A_6] : memref<1x128xf32, #tpu.memory_space<vmem>>, vector<1x128xf32>
    %add3A_8 = vector.broadcast %get3A_7 : vector<1x128xf32> to vector<2560x128xf32>
    %add3A_9 = arith.addf %add3A, %add3A_8 : vector<2560x128xf32>
    %max3A = arith.constant 0.000000e+00 : f32
    %max3A_10 = vector.broadcast %max3A : f32 to vector<2560x128xf32>
    %max3A_11 = arith.maximumf %add3A_9, %max3A_10 : vector<2560x128xf32>
    %get3A_12 = arith.constant 0 : index
    %get3A_13 = arith.constant 0 : index
    %get3A_14 = vector.load %arg4[%get3A_12, %get3A_13] : memref<128x128xf32, #tpu.memory_space<vmem>>, vector<128x128xf32>
    %dot_general3A = arith.constant dense<0.000000e+00> : vector<2560x128xf32>
    %dot_general3A_15 = tpu.matmul %max3A_11, %get3A_14, %dot_general3A {dimension_numbers = #tpu.dot_dimension_numbers<[1], [0], [0], [1], [0, 0, 1, 1], [], []>, transpose_lhs_hint = false} : vector<2560x128xf32>, vector<128x128xf32>, vector<2560x128xf32> -> vector<2560x128xf32>
    %swap3A = arith.constant 0 : index
    %swap3A_16 = arith.constant 0 : index
    %swap3A_17 = vector.load %arg5[%swap3A, %swap3A_16] : memref<2560x128xf32, #tpu.memory_space<vmem>>, vector<2560x128xf32>
    tpu.vector_store %arg5[%swap3A, %swap3A_16], %dot_general3A_15 {strides = array<i32>} : memref<2560x128xf32, #tpu.memory_space<vmem>>, vector<2560x128xf32>,
    return
  }
  func.func @transform_0(%arg0: i32) -> (i32, i32) {
    %c0_i32 = arith.constant 0 : i32
    %c0_i32_0 = arith.constant 0 : i32
    return %arg0, %c0_i32 : i32, i32
  }
  func.func @transform_1(%arg0: i32) -> (i32, i32) {
    %c0_i32 = arith.constant 0 : i32
    %c0_i32_0 = arith.constant 0 : i32
    return %arg0, %c0_i32 : i32, i32
  }
  func.func @transform_2(%arg0: i32) -> (i32, i32) {
    %c0_i32 = arith.constant 0 : i32
    %c0_i32_0 = arith.constant 0 : i32
    %c0_i32_1 = arith.constant 0 : i32
    return %c0_i32, %c0_i32_0 : i32, i32
  }
  func.func @transform_3(%arg0: i32) -> (i32, i32) {
    %c0_i32 = arith.constant 0 : i32
    %c0_i32_0 = arith.constant 0 : i32
    %c0_i32_1 = arith.constant 0 : i32
    return %c0_i32, %c0_i32_0 : i32, i32
  }
  func.func @transform_4(%arg0: i32) -> (i32, i32) {
    %c0_i32 = arith.constant 0 : i32
    %c0_i32_0 = arith.constant 0 : i32
    return %arg0, %c0_i32 : i32, i32
  }
}

module attributes {stable_mosaic.version = 14 : i64} {
  func.func @_fuse_body(%arg0: i32, %arg1: memref<2560x128xf32, #tpu.memory_space<vmem>>, %arg2: memref<2560x128xf32, #tpu.memory_space<vmem>>, %arg3: memref<1x128xf32, #tpu.memory_space<vmem>>, %arg4: memref<128x128xf32, #tpu.memory_space<vmem>>, %arg5: memref<2560x128xf32, #tpu.memory_space<vmem>>) attributes {dimension_semantics = [#tpu.dimension_semantics<arbitrary>], iteration_bounds = array<i64: 4>, scalar_prefetch = 0 : i64, scratch_operands = 0 : i64, tpu.core_type = #tpu.core_type<tc>, window_params = [{transform_indices = @transform_0, window_bounds = array<i64: 2560, 128>}, {transform_indices = @transform_1, window_bounds = array<i64: 2560, 128>}, {pipeline_mode = #tpu.pipeline_mode<synchronous>, transform_indices = @transform_2, window_bounds = array<i64: 1, 128>}, {pipeline_mode = #tpu.pipeline_mode<synchronous>, transform_indices = @transform_3, window_bounds = array<i64: 128, 128>}, {transform_indices = @transform_4, window_bounds = array<i64: 2560, 128>}]} {
    %get3A = arith.constant 0 : index
    %get3A_0 = arith.constant 0 : index
    %get3A_1 = vector.load %arg1[%get3A, %get3A_0] : memref<2560x128xf32, #tpu.memory_space<vmem>>, vector<2560x128xf32>
    %get3A_2 = arith.constant 0 : index
    %get3A_3 = arith.constant 0 : index
    %get3A_4 = vector.load %arg2[%get3A_2, %get3A_3] : memref<2560x128xf32, #tpu.memory_space<vmem>>, vector<2560x128xf32>
    %add3A = arith.addf %get3A_1, %get3A_4 : vector<2560x128xf32>
    %get3A_5 = arith.constant 0 : index
    %get3A_6 = arith.constant 0 : index
    %get3A_7 = vector.load %arg3[%get3A_5, %get3A_6] : memref<1x128xf32, #tpu.memory_space<vmem>>, vector<1x128xf32>
    %add3A_8 = vector.broadcast %get3A_7 : vector<1x128xf32> to vector<2560x128xf32>
    %add3A_9 = arith.addf %add3A, %add3A_8 : vector<2560x128xf32>
    %get3A_10 = arith.constant 0 : index
    %get3A_11 = arith.constant 0 : index
    %get3A_12 = vector.load %arg4[%get3A_10, %get3A_11] : memref<128x128xf32, #tpu.memory_space<vmem>>, vector<128x128xf32>
    %dot_general3A = arith.constant dense<0.000000e+00> : vector<2560x128xf32>
    %dot_general3A_13 = tpu.matmul %add3A_9, %get3A_12, %dot_general3A {dimension_numbers = #tpu.dot_dimension_numbers<[1], [0], [0], [1], [0, 0, 1, 1], [], []>, transpose_lhs_hint = false} : vector<2560x128xf32>, vector<128x128xf32>, vector<2560x128xf32> -> vector<2560x128xf32>
    %swap3A = arith.constant 0 : index
    %swap3A_14 = arith.constant 0 : index
    %swap3A_15 = vector.load %arg5[%swap3A, %swap3A_14] : memref<2560x128xf32, #tpu.memory_space<vmem>>, vector<2560x128xf32>
    tpu.vector_store %arg5[%swap3A, %swap3A_14], %dot_general3A_13 {strides = array<i32>} : memref<2560x128xf32, #tpu.memory_space<vmem>>, vector<2560x128xf32>,
    return
  }
  func.func @transform_0(%arg0: i32) -> (i32, i32) {
    %c0_i32 = arith.constant 0 : i32
    %c0_i32_0 = arith.constant 0 : i32
    return %arg0, %c0_i32 : i32, i32
  }
  func.func @transform_1(%arg0: i32) -> (i32, i32) {
    %c0_i32 = arith.constant 0 : i32
    %c0_i32_0 = arith.constant 0 : i32
    return %arg0, %c0_i32 : i32, i32
  }
  func.func @transform_2(%arg0: i32) -> (i32, i32) {
    %c0_i32 = arith.constant 0 : i32
    %c0_i32_0 = arith.constant 0 : i32
    %c0_i32_1 = arith.constant 0 : i32
    return %c0_i32, %c0_i32_0 : i32, i32
  }
  func.func @transform_3(%arg0: i32) -> (i32, i32) {
    %c0_i32 = arith.constant 0 : i32
    %c0_i32_0 = arith.constant 0 : i32
    %c0_i32_1 = arith.constant 0 : i32
    return %c0_i32, %c0_i32_0 : i32, i32
  }
  func.func @transform_4(%arg0: i32) -> (i32, i32) {
    %c0_i32 = arith.constant 0 : i32
    %c0_i32_0 = arith.constant 0 : i32
    return %arg0, %c0_i32 : i32, i32
  }
}

module attributes {stable_mosaic.version = 14 : i64} {
  func.func @_final_body(%arg0: i32, %arg1: memref<2560x64xf32, #tpu.memory_space<vmem>>, %arg2: memref<2560x64xf32, #tpu.memory_space<vmem>>, %arg3: memref<1x64xf32, #tpu.memory_space<vmem>>, %arg4: memref<2560x64xf32, #tpu.memory_space<vmem>>) attributes {dimension_semantics = [#tpu.dimension_semantics<arbitrary>], iteration_bounds = array<i64: 4>, scalar_prefetch = 0 : i64, scratch_operands = 0 : i64, tpu.core_type = #tpu.core_type<tc>, window_params = [{transform_indices = @transform_0, window_bounds = array<i64: 2560, 64>}, {transform_indices = @transform_1, window_bounds = array<i64: 2560, 64>}, {pipeline_mode = #tpu.pipeline_mode<synchronous>, transform_indices = @transform_2, window_bounds = array<i64: 1, 64>}, {transform_indices = @transform_3, window_bounds = array<i64: 2560, 64>}]} {
    %get3A = arith.constant 0 : index
    %get3A_0 = arith.constant 0 : index
    %get3A_1 = vector.load %arg1[%get3A, %get3A_0] : memref<2560x64xf32, #tpu.memory_space<vmem>>, vector<2560x64xf32>
    %get3A_2 = arith.constant 0 : index
    %get3A_3 = arith.constant 0 : index
    %get3A_4 = vector.load %arg2[%get3A_2, %get3A_3] : memref<2560x64xf32, #tpu.memory_space<vmem>>, vector<2560x64xf32>
    %add3A = arith.addf %get3A_1, %get3A_4 : vector<2560x64xf32>
    %get3A_5 = arith.constant 0 : index
    %get3A_6 = arith.constant 0 : index
    %get3A_7 = vector.load %arg3[%get3A_5, %get3A_6] : memref<1x64xf32, #tpu.memory_space<vmem>>, vector<1x64xf32>
    %add3A_8 = vector.broadcast %get3A_7 : vector<1x64xf32> to vector<2560x64xf32>
    %add3A_9 = arith.addf %add3A, %add3A_8 : vector<2560x64xf32>
    %reduce_max3A = arith.constant dense<0xFF800000> : vector<2560xf32>
    %reduce_max3A_10 = vector.multi_reduction <maximumf>, %add3A_9, %reduce_max3A [1] : vector<2560x64xf32> to vector<2560xf32>
    %broadcast_in_dim3A = vector.shape_cast %reduce_max3A_10 : vector<2560xf32> to vector<2560x1xf32>
    %sub3A = vector.broadcast %broadcast_in_dim3A : vector<2560x1xf32> to vector<2560x64xf32>
    %sub3A_11 = arith.subf %add3A_9, %sub3A : vector<2560x64xf32>
    %exp3A = math.exp %sub3A_11 : vector<2560x64xf32>
    %reduce_sum3A = arith.constant dense<0.000000e+00> : vector<2560xf32>
    %reduce_sum3A_12 = vector.multi_reduction <add>, %exp3A, %reduce_sum3A [1] : vector<2560x64xf32> to vector<2560xf32>
    %broadcast_in_dim3A_13 = vector.shape_cast %reduce_sum3A_12 : vector<2560xf32> to vector<2560x1xf32>
    %log3A = math.log %broadcast_in_dim3A_13 : vector<2560x1xf32>
    %add3A_14 = arith.addf %log3A, %broadcast_in_dim3A : vector<2560x1xf32>
    %sub3A_15 = vector.broadcast %add3A_14 : vector<2560x1xf32> to vector<2560x64xf32>
    %sub3A_16 = arith.subf %add3A_9, %sub3A_15 : vector<2560x64xf32>
    %swap3A = arith.constant 0 : index
    %swap3A_17 = arith.constant 0 : index
    %swap3A_18 = vector.load %arg4[%swap3A, %swap3A_17] : memref<2560x64xf32, #tpu.memory_space<vmem>>, vector<2560x64xf32>
    tpu.vector_store %arg4[%swap3A, %swap3A_17], %sub3A_16 {strides = array<i32>} : memref<2560x64xf32, #tpu.memory_space<vmem>>, vector<2560x64xf32>,
    return
  }
  func.func @transform_0(%arg0: i32) -> (i32, i32) {
    %c0_i32 = arith.constant 0 : i32
    %c0_i32_0 = arith.constant 0 : i32
    return %arg0, %c0_i32 : i32, i32
  }
  func.func @transform_1(%arg0: i32) -> (i32, i32) {
    %c0_i32 = arith.constant 0 : i32
    %c0_i32_0 = arith.constant 0 : i32
    return %arg0, %c0_i32 : i32, i32
  }
  func.func @transform_2(%arg0: i32) -> (i32, i32) {
    %c0_i32 = arith.constant 0 : i32
    %c0_i32_0 = arith.constant 0 : i32
    %c0_i32_1 = arith.constant 0 : i32
    return %c0_i32, %c0_i32_0 : i32, i32
  }
  func.func @transform_3(%arg0: i32) -> (i32, i32) {
    %c0_i32 = arith.constant 0 : i32
    %c0_i32_0 = arith.constant 0 : i32
    return %arg0, %c0_i32 : i32, i32
  }
}

</mosaic_0001>

<sc_bundles>
// kernel: kernel.12.cloned.1.call-start
scs
__scs_entry_jumppad:
0x0: {  	(pc) =	sbr.rel $0x88, $3  }
0x1: {  	(tag) =	ssettag $0x0;
	lr =	simm.s32 $0x1  }
0x2: {  	[smem:$0x3F99] =	sst lr;
	_ =	strace $0xD0000000  }
0x3: {  	_ = 	snop  }
0x4: {  	_ = 	snop  }
0x5: {  	_ = 	snop  }
0x6: {  	_ = 	snop  }
0x7: {  	_ = 	snop  }
__scs_overlays_trampoline_lowered:
0x8: {  	[smem:$0x3FA8] =	sst s0  }
0x9: {  	[smem:$0x3FA9] =	sst s1  }
0xa: {  	[smem:$0x3FAA] =	sst s2  }
0xb: {  	[smem:$0x3FAB] =	sst s3  }
0xc: {  	[smem:$0x3FAC] =	sst s4  }
0xd: {  	[smem:$0x3FAD] =	sst s5  }
0xe: {  	[smem:$0x3FAE] =	sst s6  }
0xf: {  	[smem:$0x3FAF] =	sst s7  }
0x10: {  	[smem:$0x3FB0] =	sst s8  }
0x11: {  	[smem:$0x3FB1] =	sst s9;
	s0 =	simm.s32 @!p0 $0x0  }
0x12: {  	s1 =	sld [smem:$0x3F97];
	s0 =	simm.s32 @p0 $0x1  }
0x13: {  	[smem:$0x3FB2] =	sst s0;
	s0 =	simm.s32 @!p1 $0x0  }
0x14: {  	s2 =	sld [smem:$0x3F96];
	s0 =	simm.s32 @p1 $0x1  }
0x15: {  	[smem:$0x3FB3] =	sst s0;
	s0 =	simm.s32 @!p2 $0x0  }
0x16: {  	s3 =	sld [smem:$0x3FDB];
	s0 =	simm.s32 @p2 $0x1  }
0x17: {  	s4 =	simm.s32 $0x1BF5;
	[smem:$0x3FB5] =	sst s0  }
0x18: {  	s0 =	sld [smem:$0x3F98];
	_ =	swait.ge [sflag:s4], $0x0  }
0x19: {  	s7 =	sld [smem:$0x3F99]  }
0x1a: {  	s8 =	sadd.s32 $0xFFFFE003, lr  }
0x1b: {  	s9 =	sadd.s32 $0xFFFFFEF7, lr;
	s5 =	simm.s32 $0xFFFFFFFF;
	p2 =	slt.u32 s8, $0xFFFFF086  }
0x1c: {  	p1 =	slt.u32 s9, $0xF7A;
	s5 =	simm.s32 @!p2 $0x0  }
0x1d: {  	s5 =	simm.s32 @p1 $0x1;
	p0 =	seq.s32 s7, s2  }
0x1e: {  	s7 =	smul.u32 @!p0 $0xF7A, s2;
	p2 =	seq.s32 @!p0 s5, $0x0  }
0x1f: {  	s9 =	smul.u32 $0xF7A, s1;
	s8 =	simm.s32 @!p0 $0x1BF5;
	p2 =	por !p2, p0  }
0x20: {  	[sflag:s8] =	ssyncset.s32 @!p0 $0xFFFFF086;
	s6 =	sadd.s32 @!p0 s3, s7;
	s7 =	simm.s32 @!p0 $0x108  }
0x21: {  	s3 =	sadd.s32 s3, s9;
	s6 =	sadd.s32 @!p0 $0x88, s6;
	s7 =	simm.s32 @p2 $0x1082  }
0x22: {  	[simem:s7], [sflag:s8] =	dma.local @!p0 [hbm:s6], $0xF7A  }
0x23: {  	s9 =	sor.u32 $0xD0000000, s2;
	s6 =	simm.s32 $0x108;
	_ =	swait.ge @!p0 [sflag:s8], $0x0  }
0x24: {  	s3 =	sadd.s32 $0x88, s3;
	s6 =	simm.s32 @!p1 $0x1082;
	[sflag:s4] =	ssyncset.s32 $0xFFFFF086  }
0x25: {  	[simem:s6], [sflag:s4] =	dma.local [hbm:s3], $0xF7A  }
0x26: {  	[smem:$0x3F99] =	sst s1;
	(tag) =	ssettag s2;
	_ =	strace s9  }
0x27: {  	s1 =	sld [smem:$0x3FA9]  }
0x28: {  	s2 =	sld [smem:$0x3FAA]  }
0x29: {  	s4 =	sld [smem:$0x3FAC]  }
0x2a: {  	p0 =	seq.s32 s5, $0x0;
	s5 =	sld [smem:$0x3FAD]  }
0x2b: {  	s6 =	sld [smem:$0x3FAE]  }
0x2c: {  	s7 =	sld [smem:$0x3FAF]  }
0x2d: {  	s3 =	simm.s32 $0x108;
	s8 =	sld [smem:$0x3FB0]  }
0x2e: {  	s3 =	simm.s32 @!p0 $0x1082;
	s9 =	sld [smem:$0x3FB1]  }
0x2f: {  	lr =	sadd.s32 s0, s3;
	s0 =	sld [smem:$0x3FA8]  }
0x30: {  	s3 =	sld [smem:$0x3FAB]  }
0x31: {  	[smem:$0x3FB4] =	sst s10  }
0x32: {  	s10 =	sld [smem:$0x3FB2];
	_ =	sdelay $0x3  }
0x33: {  	p0 =	seq.s32 s10, $0x1;
	s10 =	sld [smem:$0x3FB4];
	_ =	sdelay $0x3  }
0x34: {  	[smem:$0x3FB4] =	sst s10  }
0x35: {  	s10 =	sld [smem:$0x3FB3];
	_ =	sdelay $0x3  }
0x36: {  	p1 =	seq.s32 s10, $0x1;
	s10 =	sld [smem:$0x3FB4];
	_ =	sdelay $0x3  }
0x37: {  	[smem:$0x3FB4] =	sst s10  }
0x38: {  	s10 =	sld [smem:$0x3FB5]  }
0x39: {  	_ = 	snop;
	(pc) =	sbr.ind lr, $3  }
0x3a: {  	_ = 	snop  }
0x3b: {  	_ = 	snop  }
0x3c: {  	p2 =	seq.s32 s10, $0x1;
	s10 =	sld [smem:$0x3FB4]  }
0x3d: {  	_ =	shalt  }
0x3e: {  	_ =	shalt  }
0x3f: {  	_ =	shalt  }
0x40: {  	_ =	shalt  }
0x41: {  	_ =	shalt  }
0x42: {  	_ =	shalt  }
0x43: {  	_ =	shalt  }
0x44: {  	_ =	shalt  }
0x45: {  	_ =	shalt  }
0x46: {  	_ =	shalt  }
0x47: {  	_ =	shalt  }
0x48: {  	_ =	shalt  }
0x49: {  	_ =	shalt  }
0x4a: {  	_ =	shalt  }
0x4b: {  	_ =	shalt  }
0x4c: {  	_ =	shalt  }
0x4d: {  	_ =	shalt  }
0x4e: {  	_ =	shalt  }
0x4f: {  	_ =	shalt  }
0x50: {  	_ =	shalt  }
0x51: {  	_ =	shalt  }
0x52: {  	_ =	shalt  }
0x53: {  	_ =	shalt  }
0x54: {  	_ =	shalt  }
0x55: {  	_ =	shalt  }
0x56: {  	_ =	shalt  }
0x57: {  	_ =	shalt  }
0x58: {  	_ =	shalt  }
0x59: {  	_ =	shalt  }
0x5a: {  	_ =	shalt  }
0x5b: {  	_ =	shalt  }
0x5c: {  	_ =	shalt  }
0x5d: {  	_ =	shalt  }
0x5e: {  	_ =	shalt  }
0x5f: {  	_ =	shalt  }
0x60: {  	_ =	shalt  }
0x61: {  	_ =	shalt  }
0x62: {  	_ =	shalt  }
0x63: {  	_ =	shalt  }
0x64: {  	_ =	shalt  }
0x65: {  	_ =	shalt  }
0x66: {  	_ =	shalt  }
0x67: {  	_ =	shalt  }
0x68: {  	_ =	shalt  }
0x69: {  	_ =	shalt  }
0x6a: {  	_ =	shalt  }
0x6b: {  	_ =	shalt  }
0x6c: {  	_ =	shalt  }
0x6d: {  	_ =	shalt  }
0x6e: {  	_ =	shalt  }
0x6f: {  	_ =	shalt  }
0x70: {  	_ =	shalt  }
0x71: {  	_ =	shalt  }
0x72: {  	_ =	shalt  }
0x73: {  	_ =	shalt  }
0x74: {  	_ =	shalt  }
0x75: {  	_ =	shalt  }
0x76: {  	_ =	shalt  }
0x77: {  	_ =	shalt  }
0x78: {  	_ =	shalt  }
0x79: {  	_ =	shalt  }
0x7a: {  	_ =	shalt  }
0x7b: {  	_ =	shalt  }
0x7c: {  	_ =	shalt  }
0x7d: {  	_ =	shalt  }
0x7e: {  	_ =	shalt  }
0x7f: {  	_ =	shalt  }
0x80: {  	_ =	shalt  }
0x81: {  	_ =	shalt  }
0x82: {  	_ =	shalt  }
0x83: {  	_ =	shalt  }
0x84: {  	_ =	shalt  }
0x85: {  	_ =	shalt  }
0x86: {  	_ =	shalt  }
0x87: {  	_ =	shalt  }
.Lfunc_end0:
.L_simem_size_0:
called_computation.1_lowered:
.L_overlay_start_0:
0x88: {  	s2 =	sld [smem:$0x3FD9]  }
0x89: {  	s3 =	sld [smem:$0x3FFE];
	_ =	sdelay $0x1  }
0x8a: {  	s1 =	srdreg.scid  }
0x8b: {  	s0 =	sand.u32 $0x1, s1  }
0x8c: {  	s17 =	sshll.u32 s0, $0xA;
	s2 =	sadd.s32 s3, s2  }
0x8d: {  	s2 =	sadd.s32 s2, s17  }
0x8e: {  	[smem:$0x3FC0] =	sst s2  }
0x8f: {  	_ = 	snop  }
0x90: {  	s2 =	sld [smem:$0x3FD0];
	(tm) =	ssettm $0x1  }
0x91: {  	s18 =	sld [smem:$0x3FFB];
	_ =	sdelay $0x3  }
0x92: {  	_ =	strace s18  }
0x93: {  	s3 =	sld [smem:$0x3FFC];
	_ =	sdelay $0x3  }
0x94: {  	_ =	strace s3  }
0x95: {  	s3 =	sld [smem:$0x3FFD];
	_ =	sdelay $0x3  }
0x96: {  	_ =	strace s3  }
0x97: {  	_ =	strace $0x8FFFFFFF  }
0x98: {  	s19 =	sld [smem:$0x3FDB];
	_ =	sdelay $0x1  }
0x99: {  	s4 =	simm.s32 $_scs_section_size  }
0x9a: {  	s5 =	simm.s32 $_size__tile_overlayer_lowered;
	s6 =	simm.s32 $_tile_overlayer_lowered  }
0x9b: {  	s22 =	simm.s32 $0x1BFF;
	s21 =	sshll.u32 s6, $0x1;
	s3 =	sadd.s32 s4, s19  }
0x9c: {  	s7 =	simm.s32 $0x0;
	s20 =	sshll.u32 s5, $0x1;
	s5 =	sadd.s32 s21, s3  }
0x9d: {  	[timem:s7], [sflag:s22] =	dma.local [hbm:s5], s20  }
0x9e: {  	_ =	swait.ge [sflag:s22], s20  }
0x9f: {  	s4 =	ssub.s32 $0x0, s20;
	[sflag:s22] =	ssyncset.done $0x0  }
0xa0: {  	[sflag:s22] =	ssyncadd.s32 s4;
	_ =	sdelay $0x1  }
0xa1: {  	s23 =	simm.s32 $0x1B8B  }
0xa2: {  	_ =	swait.ge [sflag:s23], $0x1  }
0xa3: {  	[sflag:s23] =	ssyncset.done $0x0  }
0xa4: {  	s25 =	simm.s32 $0x1B8E;
	s24 =	sld [smem:$0x3FFE];
	[sflag:s23] =	ssyncadd.s32 $0xFFFFFFFF  }
0xa5: {  	s26 =	simm.s32 $execute0_lowered;
	[smem:$0x3FD2] =	sst s25  }
0xa6: {  	s5 =	sshll.u32 s26, $0x1;
	_ =	strace $0x80000049;
	[dreg:$0x1] =	wrdreg $0xFFFFFFFF  }
0xa7: {  	s28 =	simm.s32 $_size_execute0_lowered;
	s3 =	sadd.s32 s3, s5;
	[dreg:$0x0] =	wrdreg $0x0  }
0xa8: {  	s5 =	sshll.u32 s28, $0x1;
	[dreg:$0x2] =	wrdreg s3  }
0xa9: {  	[dreg:$0x3] =	wrdreg s5  }
0xaa: {  	[dreg:$0x4] =	wrdreg $0xC0  }
0xab: {  	_ =	task [dreg:s7], $0x5FFFF  }
0xac: {  	[dreg:$0x1] =	wrdreg $0xFFFFFFFF  }
0xad: {  	[dreg:$0x0] =	wrdreg $0x60  }
0xae: {  	[dreg:$0x2] =	wrdreg s24  }
0xaf: {  	[dreg:$0x3] =	wrdreg s2  }
0xb0: {  	[dreg:$0x4] =	wrdreg $0xB8000  }
0xb1: {  	[dreg:$0x5] =	wrdreg $0x9  }
0xb2: {  	_ =	task.clear_ibuf [dreg:s7], $0x6FFFF;
	_ =	strace $0x90000049  }
0xb3: {  	s29 =	simm.s32 $0x9;
	_ =	strace $0x8000004B  }
0xb4: {  	_ =	swait.ge [sflag:s29], $0x1  }
0xb5: {  	[sflag:s29] =	ssyncadd.s32 $0xFFFFFFFF  }
0xb6: {  	_ =	strace $0x9000004B  }
0xb7: {  	_ =	sfence  }
0xb8: {  	s30 =	sld [smem:$0x0];
	_ =	sdelay $0x2  }
0xb9: {  	s31 =	sshll.u32 s1, $0xD;
	s1 =	sshrl.u32 s1, $0x2  }
0xba: {  	s3 =	sand.u32 $0x4000, s31;
	s1 =	sadd.s32 s1, s30  }
0xbb: {  	s0 =	sor.u32 s3, s0;
	s1 =	sshll.u32 s1, $0x11  }
0xbc: {  	s0 =	sor.u32 s1, s0  }
0xbd: {  	s0 =	sadd.s32 $0x8F2B, s0  }
0xbe: {  	[sflag:s0] =	ssyncadd.remote.s32 $0x1  }
0xbf: {  	_ =	sfence.sel $0xFFFF  }
0xc0: {  	[dreg:$0x0] =	wrdreg $0xFFFFFFFF;
	(pc) =	sbr.abs _section_cstart, $3  }
0xc1: {  	[dreg:$0x1] =	wrdreg $0xFFFFFFFF  }
0xc2: {  	_ =	task.clear_ibuf [dreg:s7], $0x2FFFF;
	_ =	strace $0x9FFFFFFF  }
0xc3: {  	(tm) =	ssettm $0x7FFFFFFF  }
tec
execute0_lowered:
.L_overlay_start_1:
0x0: {  	(tag) =	ssettag $0x1  }
0x1: {  	s0 =	srdreg.scid;
	s1 =	rddreg [dreg:$0x0]  }
0x2: {  	s10 =	stileid.u32;
	s3 =	rddreg [dreg:$0x2]  }
0x3: {  	s4 =	simm.s32 $0x0;
	s18 =	simm.s32 $0x3;
	s19 =	simm.s32 $0x1C00  }
0x4: {  	s20 =	simm.s32 $0x70000;
	s21 =	simm.s32 $0x80;
	s22 =	simm.s32 $0x3800  }
0x5: {  	s23 =	simm.s32 $0x7800;
	s29 =	simm.s32 $0x1C00;
	s31 =	simm.s32 $0x100  }
0x6: {  	s30 =	simm.s32 $0x1C80;
	s0 =	sand.u32 $0x1, s0;
	s7 =	smul.u32 $0x14000, s10  }
0x7: {  	[smem:$0x7FF] =	sst s4;
	s5 =	sadd.s32 $0x1EC00, s1;
	s8 =	smul.u32 $0x50000, s10  }
0x8: {  	s25 =	sshll.u32 s10, $0x6;
	s2 =	sshll.u32 s0, $0x4;
	s6 =	smul.u32 $0x140000, s0  }
0x9: {  	_ =	strace $0x8000004A;
	s24 =	ssub.s32 $0x2, s0;
	p0 =	seq.s32 s0, $0x0  }
0xa: {  	s2 =	sor.u32 s10, s2;
	s9 =	sshrl.u32 s24, $0x1;
	s8 =	sshrl.u32 s8, $0x2  }
0xb: {  	s2 =	smul.u32 $0x3800, s2;
	s6 =	sadd.s32 s7, s6;
	s16 =	ssub.s32 s24, s9  }
0xc: {  	s17 =	sadd.s32 s8, s3;
	s7 =	sor.u32 $0x1C03, s25;
	s8 =	simm.s32 $0x1B  }
0xd: {  	s24 =	simm.s32 $0x1;
	s25 =	simm.s32 $0x2;
	s6 =	sshrl.u32 s6, $0x3  }
0xe: {  	s8 =	simm.s32 @!p0 $0xA;
	s16 =	smax.u32 s16, $0x1;
	s2 =	sshrl.u32 s2, $0x3  }
0xf: {  	s17 =	sshrl.u32 s17, $0x3;
	s28 =	sshll.u32 s8, $0x8;
	s2 =	sadd.s32 s2, s1  }
0x10: {  	s1 =	sadd.s32 s6, s1;
	s6 =	simm.s32 $0x1B;
	s13 =	sadd.s32 $0x1C00, s28  }
0x11: {  	s14 =	sadd.s32 $0x1C80, s28;
	s6 =	simm.s32 @!p0 $0xB;
	s9 =	sadd.s32 $0x2C00, s2  }
0x12: {  	s12 =	sadd.s32 $0x2F80, s2;
	s15 =	sadd.s32 $0x46C00, s1;
	s26 =	sshll.u32 s6, $0x8  }
0x13: {  	s10 =	sadd.s32 $0x1C00, s26;
	s11 =	sadd.s32 $0x1C80, s26;
	s26 =	simm.s32 $0x0  }
.LBB2_1:
0x14: {  	s0 =	rddreg [dreg:$0x1]  }
0x15: {  	[spmem:s17], [sflag:s7] =	dma.local [hbm:s0], $0x2800  }
0x16: {  	_ =	swait.ge [sflag:s18], $0x2800  }
0x17: {  	[sflag:s18] =	ssyncset.done $0x0  }
0x18: {  	[sflag:s18] =	ssyncadd.s32 $0xFFFFD800  }
0x19: {  	[bflag:$0x0] =	sbarrier.arrive $0xFFFF  }
0x1a: {  	[tilespmem:s4], [sflag:$0x3] =	stream.strided.gather [hbm4b:s9+s19], $0x3800, s20, s19, $0x38;
	[tilespmem:$0x1F800] =	vst v63  }
0x1b: {  	_ =	swait.ge [sflag:s18], $0x3800  }
0x1c: {  	[sflag:s18] =	ssyncset.done $0x0  }
0x1d: {  	[sflag:s18] =	ssyncadd.s32 $0xFFFFC800  }
0x1e: {  	[tilespmem:s22], [sflag:$0x1] =	stream.indirect.gather [hbm4b:s5+s21], $0x80, s4, s21, $0xb8;
	[tilespmem:$0x1F800] =	vst v63  }
0x1f: {  	_ = 	snop  }
0x20: {  	[tilespmem:s23], [sflag:$0x2] =	stream.indirect.gather [hbm4b:s5+s21], $0x80, s21, s21, $0xb8;
	[tilespmem:$0x1F800] =	vst v63  }
0x21: {  	_ =	swait.ge [sflag:s24], $0x4000  }
0x22: {  	[sflag:s24] =	ssyncset.done $0x0  }
0x23: {  	[sflag:s24] =	ssyncadd.s32 $0xFFFFC000  }
0x24: {  	[spmem:s3] =	stream.indirect.scatter.add.f32 [tilespmem:s22], [sflag:$0x3], $0x80, s29, s21, $0xb8;
	[tilespmem:$0x1F800] =	vst v63  }
0x25: {  	_ =	swait.ge [sflag:s18], $0x4000  }
0x26: {  	[sflag:s18] =	ssyncset.done $0x0  }
0x27: {  	[sflag:s18] =	ssyncadd.s32 $0xFFFFC000  }
0x28: {  	[tilespmem:s22], [sflag:$0x1] =	stream.indirect.gather [hbm4b:s5+s21], $0x80, s31, s21, $0xb8;
	[tilespmem:$0x1F800] =	vst v63  }
0x29: {  	_ =	swait.ge [sflag:s25], $0x4000  }
0x2a: {  	p0 =	sne.s32 s6, $0x1;
	[sflag:s25] =	ssyncset.done $0x0  }
.Ltmp0:
0x2b: {  	[sflag:s25] =	ssyncadd.s32 $0xFFFFC000;
	(pc) =	sbr.rel @!p0 .LBB2_3-.Ltmp0, $4  }
0x2c: {  	[spmem:s3] =	stream.indirect.scatter.add.f32 [tilespmem:s23], [sflag:$0x3], $0x80, s30, s21, $0xb8;
	[tilespmem:$0x1F800] =	vst v63  }
0x2d: {  	_ =	swait.ge [sflag:s18], $0x4000  }
0x2e: {  	s1 =	sadd.s32 $0xFFFFFFFF, s6;
	s28 =	simm.s32 $0x180;
	[sflag:s18] =	ssyncset.done $0x0  }
0x2f: {  	s2 =	simm.s32 $0x180;
	s0 =	simm.s32 $0x1D80;
	[sflag:s18] =	ssyncadd.s32 $0xFFFFC000  }
.LBB2_2:
0x30: {  	[tilespmem:s23], [sflag:$0x2] =	stream.indirect.gather [hbm4b:s5+s21], $0x80, s2, s21, $0xb8;
	[tilespmem:$0x1F800] =	vst v63  }
0x31: {  	p0 =	sne.s32 s1, $0x1;
	s1 =	sadd.s32 $0xFFFFFFFF, s1;
	_ =	swait.ge [sflag:s24], $0x4000  }
0x32: {  	[sflag:s24] =	ssyncset.done $0x0  }
0x33: {  	s2 =	sadd.s32 $0xFFFFFF80, s0;
	[sflag:s24] =	ssyncadd.s32 $0xFFFFC000  }
0x34: {  	[spmem:s3] =	stream.indirect.scatter.add.f32 [tilespmem:s22], [sflag:$0x3], $0x80, s2, s21, $0xb8;
	[tilespmem:$0x1F800] =	vst v63  }
0x35: {  	_ =	swait.ge [sflag:s18], $0x4000  }
0x36: {  	[sflag:s18] =	ssyncset.done $0x0  }
0x37: {  	s2 =	sadd.s32 $0xFFFFE480, s0;
	[sflag:s18] =	ssyncadd.s32 $0xFFFFC000  }
0x38: {  	[tilespmem:s22], [sflag:$0x1] =	stream.indirect.gather [hbm4b:s5+s21], $0x80, s2, s21, $0xb8;
	[tilespmem:$0x1F800] =	vst v63  }
0x39: {  	_ =	swait.ge [sflag:s25], $0x4000  }
0x3a: {  	[sflag:s25] =	ssyncset.done $0x0  }
.Ltmp1:
0x3b: {  	[sflag:s25] =	ssyncadd.s32 $0xFFFFC000;
	(pc) =	sbr.rel @p0 .LBB2_2-.Ltmp1, $4  }
0x3c: {  	[spmem:s3] =	stream.indirect.scatter.add.f32 [tilespmem:s23], [sflag:$0x3], $0x80, s0, s21, $0xb8;
	[tilespmem:$0x1F800] =	vst v63  }
0x3d: {  	_ =	swait.ge [sflag:s18], $0x4000  }
0x3e: {  	[sflag:s18] =	ssyncset.done $0x0  }
0x3f: {  	s2 =	sadd.s32 $0xFFFFE500, s0;
	s0 =	sadd.s32 $0x100, s0;
	[sflag:s18] =	ssyncadd.s32 $0xFFFFC000  }
.LBB2_3:
0x40: {  	[tilespmem:s23], [sflag:$0x2] =	stream.indirect.gather [hbm4b:s5+s21], $0x80, s2, s21, $0xb8;
	[tilespmem:$0x1F800] =	vst v63  }
0x41: {  	_ =	swait.ge [sflag:s24], $0x4000  }
0x42: {  	[sflag:s24] =	ssyncset.done $0x0  }
0x43: {  	[sflag:s24] =	ssyncadd.s32 $0xFFFFC000  }
0x44: {  	[spmem:s3] =	stream.indirect.scatter.add.f32 [tilespmem:s22], [sflag:$0x3], $0x80, s10, s21, $0xb8;
	[tilespmem:$0x1F800] =	vst v63  }
0x45: {  	_ =	swait.ge [sflag:s18], $0x4000  }
0x46: {  	[sflag:s18] =	ssyncset.done $0x0  }
0x47: {  	[sflag:s18] =	ssyncadd.s32 $0xFFFFC000  }
0x48: {  	_ =	swait.ge [sflag:s25], $0x4000  }
0x49: {  	[sflag:s25] =	ssyncset.done $0x0  }
0x4a: {  	[sflag:s25] =	ssyncadd.s32 $0xFFFFC000  }
0x4b: {  	[spmem:s3] =	stream.indirect.scatter.add.f32 [tilespmem:s23], [sflag:$0x3], $0x80, s11, s21, $0xb8;
	[tilespmem:$0x1F800] =	vst v63  }
0x4c: {  	_ =	swait.ge [sflag:s18], $0x4000  }
0x4d: {  	[sflag:s18] =	ssyncset.done $0x0  }
0x4e: {  	[sflag:s18] =	ssyncadd.s32 $0xFFFFC000  }
0x4f: {  	[tilespmem:s4], [sflag:$0x3] =	stream.strided.gather [hbm4b:s12+s19], $0x3800, s20, s19, $0x38;
	[tilespmem:$0x1F800] =	vst v63  }
0x50: {  	_ =	swait.ge [sflag:s18], $0x3800  }
0x51: {  	[sflag:s18] =	ssyncset.done $0x0  }
0x52: {  	[sflag:s18] =	ssyncadd.s32 $0xFFFFC800  }
0x53: {  	[tilespmem:s22], [sflag:$0x1] =	stream.indirect.gather [hbm4b:s5+s21], $0x80, s4, s21, $0xb8;
	[tilespmem:$0x1F800] =	vst v63  }
0x54: {  	_ = 	snop  }
0x55: {  	[tilespmem:s23], [sflag:$0x2] =	stream.indirect.gather [hbm4b:s5+s21], $0x80, s21, s21, $0xb8;
	[tilespmem:$0x1F800] =	vst v63  }
0x56: {  	_ =	swait.ge [sflag:s24], $0x4000  }
0x57: {  	[sflag:s24] =	ssyncset.done $0x0  }
0x58: {  	[sflag:s24] =	ssyncadd.s32 $0xFFFFC000  }
0x59: {  	[spmem:s3] =	stream.indirect.scatter.add.f32 [tilespmem:s22], [sflag:$0x3], $0x80, s29, s21, $0xb8;
	[tilespmem:$0x1F800] =	vst v63  }
0x5a: {  	_ =	swait.ge [sflag:s18], $0x4000  }
0x5b: {  	[sflag:s18] =	ssyncset.done $0x0  }
0x5c: {  	[sflag:s18] =	ssyncadd.s32 $0xFFFFC000  }
0x5d: {  	[tilespmem:s22], [sflag:$0x1] =	stream.indirect.gather [hbm4b:s5+s21], $0x80, s31, s21, $0xb8;
	[tilespmem:$0x1F800] =	vst v63  }
0x5e: {  	_ =	swait.ge [sflag:s25], $0x4000  }
0x5f: {  	p0 =	sne.s32 s8, $0x1;
	[sflag:s25] =	ssyncset.done $0x0  }
.Ltmp2:
0x60: {  	[sflag:s25] =	ssyncadd.s32 $0xFFFFC000;
	(pc) =	sbr.rel @!p0 .LBB2_5-.Ltmp2, $4  }
0x61: {  	[spmem:s3] =	stream.indirect.scatter.add.f32 [tilespmem:s23], [sflag:$0x3], $0x80, s30, s21, $0xb8;
	[tilespmem:$0x1F800] =	vst v63  }
0x62: {  	_ =	swait.ge [sflag:s18], $0x4000  }
0x63: {  	[sflag:s18] =	ssyncset.done $0x0  }
0x64: {  	s1 =	sadd.s32 $0xFFFFFFFF, s8;
	s0 =	simm.s32 $0x1D80;
	[sflag:s18] =	ssyncadd.s32 $0xFFFFC000  }
.LBB2_4:
0x65: {  	[tilespmem:s23], [sflag:$0x2] =	stream.indirect.gather [hbm4b:s5+s21], $0x80, s28, s21, $0xb8;
	[tilespmem:$0x1F800] =	vst v63  }
0x66: {  	p0 =	sne.s32 s1, $0x1;
	s1 =	sadd.s32 $0xFFFFFFFF, s1;
	_ =	swait.ge [sflag:s24], $0x4000  }
0x67: {  	[sflag:s24] =	ssyncset.done $0x0  }
0x68: {  	s2 =	sadd.s32 $0xFFFFFF80, s0;
	[sflag:s24] =	ssyncadd.s32 $0xFFFFC000  }
0x69: {  	[spmem:s3] =	stream.indirect.scatter.add.f32 [tilespmem:s22], [sflag:$0x3], $0x80, s2, s21, $0xb8;
	[tilespmem:$0x1F800] =	vst v63  }
0x6a: {  	_ =	swait.ge [sflag:s18], $0x4000  }
0x6b: {  	[sflag:s18] =	ssyncset.done $0x0  }
0x6c: {  	s2 =	sadd.s32 $0xFFFFE480, s0;
	[sflag:s18] =	ssyncadd.s32 $0xFFFFC000  }
0x6d: {  	[tilespmem:s22], [sflag:$0x1] =	stream.indirect.gather [hbm4b:s5+s21], $0x80, s2, s21, $0xb8;
	[tilespmem:$0x1F800] =	vst v63  }
0x6e: {  	_ =	swait.ge [sflag:s25], $0x4000  }
0x6f: {  	[sflag:s25] =	ssyncset.done $0x0  }
.Ltmp3:
0x70: {  	[sflag:s25] =	ssyncadd.s32 $0xFFFFC000;
	(pc) =	sbr.rel @p0 .LBB2_4-.Ltmp3, $4  }
0x71: {  	[spmem:s3] =	stream.indirect.scatter.add.f32 [tilespmem:s23], [sflag:$0x3], $0x80, s0, s21, $0xb8;
	[tilespmem:$0x1F800] =	vst v63  }
0x72: {  	_ =	swait.ge [sflag:s18], $0x4000  }
0x73: {  	[sflag:s18] =	ssyncset.done $0x0  }
0x74: {  	s28 =	sadd.s32 $0xFFFFE500, s0;
	s0 =	sadd.s32 $0x100, s0;
	[sflag:s18] =	ssyncadd.s32 $0xFFFFC000  }
.LBB2_5:
0x75: {  	[tilespmem:s23], [sflag:$0x2] =	stream.indirect.gather [hbm4b:s5+s21], $0x80, s28, s21, $0xb8;
	[tilespmem:$0x1F800] =	vst v63  }
0x76: {  	_ =	swait.ge [sflag:s24], $0x4000  }
0x77: {  	[sflag:s24] =	ssyncset.done $0x0  }
0x78: {  	[sflag:s24] =	ssyncadd.s32 $0xFFFFC000  }
0x79: {  	[spmem:s3] =	stream.indirect.scatter.add.f32 [tilespmem:s22], [sflag:$0x3], $0x80, s13, s21, $0xb8;
	[tilespmem:$0x1F800] =	vst v63  }
0x7a: {  	_ =	swait.ge [sflag:s18], $0x4000  }
0x7b: {  	[sflag:s18] =	ssyncset.done $0x0  }
0x7c: {  	[sflag:s18] =	ssyncadd.s32 $0xFFFFC000  }
0x7d: {  	_ =	swait.ge [sflag:s25], $0x4000  }
0x7e: {  	[sflag:s25] =	ssyncset.done $0x0  }
0x7f: {  	[sflag:s25] =	ssyncadd.s32 $0xFFFFC000  }
0x80: {  	[spmem:s3] =	stream.indirect.scatter.add.f32 [tilespmem:s23], [sflag:$0x3], $0x80, s14, s21, $0xb8;
	[tilespmem:$0x1F800] =	vst v63  }
0x81: {  	_ =	swait.ge [sflag:s18], $0x4000  }
0x82: {  	s26 =	sadd.s32 $0x1, s26;
	[sflag:s18] =	ssyncset.done $0x0  }
0x83: {  	p0 =	sne.s32 s26, s16;
	[sflag:s18] =	ssyncadd.s32 $0xFFFFC000  }
.Ltmp4:
0x84: {  	[bflag:$0x0] =	sbarrier.arrive $0xFFFF;
	(pc) =	sbr.rel @p0 .LBB2_1-.Ltmp4, $4  }
0x85: {  	[hbm:s15], [sflag:s7] =	dma.local [spmem:s17], $0x2800  }
0x86: {  	_ =	swait.ge [sflag:s18], $0x2800  }
0x87: {  	[sflag:s18] =	ssyncset.done $0x0  }
0x88: {  	[sflag:s18] =	ssyncadd.s32 $0xFFFFD800  }
0x89: {  	_ =	sfence.sel $0x180000  }
0x8a: {  	[bflag:$0x0] =	sbarrier.arrive $0xFFFF  }
0x8b: {  	_ =	strace $0x9000004A  }
0x8c: {  	s0 =	stileid.u32;
	[bflag:$0x2] =	sbarrier.arrive $0xFFFF  }
0x8d: {  	p0 =	sne.s32 s0, $0x0;
	s0 =	rddreg [dreg:$0x3]  }
0x8e: {  	s0 =	sadd.s32 @!p0 $0x100000, s0  }
0x8f: {  	[sflag:s0] =	ssyncadd.tile.s32 @!p0 $0x1;
	_ =	shalt  }
.Lfunc_end2:
_tile_overlayer_lowered:
.L_overlay_start_2:
0x90: {  	(tag) =	ssettag $0x2  }
0x91: {  	s0 =	rddreg [dreg:$0x0];
	s2 =	stileid.u32  }
0x92: {  	s1 =	rddreg [dreg:$0x1];
	p0 =	sne.s32 s2, $0x0  }
0x93: {  	s3 =	rddreg [dreg:$0x2];
	[bflag:$0x3] =	sbarrier.arrive $0xFFFF;
	s2 =	simm.s32 @!p0 $0x1C03  }
0x94: {  	[timem:s3], [sflag:s2] =	dma.local @!p0 [hbm:s0], s1  }
0x95: {  	s0 =	simm.s32 @!p0 $0x3  }
0x96: {  	_ =	swait.ge @!p0 [sflag:s0], s1  }
0x97: {  	s1 =	ssub.s32 @!p0 $0x0, s1;
	[sflag:s0] =	ssyncset.done @!p0 $0x0  }
0x98: {  	[sflag:s0] =	ssyncadd.s32 @!p0 s1  }
0x99: {  	[bflag:$0x3] =	sbarrier.arrive $0xFFFF  }
0x9a: {  	_ =	shalt  }

// kernel: kernel.15.cloned.1.call-start
scs
__scs_entry_jumppad:
0x0: {  	(pc) =	sbr.rel $0x88, $3  }
0x1: {  	(tag) =	ssettag $0x0;
	lr =	simm.s32 $0x1  }
0x2: {  	[smem:$0x3F99] =	sst lr;
	_ =	strace $0xD0000000  }
0x3: {  	_ = 	snop  }
0x4: {  	_ = 	snop  }
0x5: {  	_ = 	snop  }
0x6: {  	_ = 	snop  }
0x7: {  	_ = 	snop  }
__scs_overlays_trampoline_lowered:
0x8: {  	[smem:$0x3FA8] =	sst s0  }
0x9: {  	[smem:$0x3FA9] =	sst s1  }
0xa: {  	[smem:$0x3FAA] =	sst s2  }
0xb: {  	[smem:$0x3FAB] =	sst s3  }
0xc: {  	[smem:$0x3FAC] =	sst s4  }
0xd: {  	[smem:$0x3FAD] =	sst s5  }
0xe: {  	[smem:$0x3FAE] =	sst s6  }
0xf: {  	[smem:$0x3FAF] =	sst s7  }
0x10: {  	[smem:$0x3FB0] =	sst s8  }
0x11: {  	[smem:$0x3FB1] =	sst s9;
	s0 =	simm.s32 @!p0 $0x0  }
0x12: {  	s1 =	sld [smem:$0x3F97];
	s0 =	simm.s32 @p0 $0x1  }
0x13: {  	[smem:$0x3FB2] =	sst s0;
	s0 =	simm.s32 @!p1 $0x0  }
0x14: {  	s2 =	sld [smem:$0x3F96];
	s0 =	simm.s32 @p1 $0x1  }
0x15: {  	[smem:$0x3FB3] =	sst s0;
	s0 =	simm.s32 @!p2 $0x0  }
0x16: {  	s3 =	sld [smem:$0x3FDB];
	s0 =	simm.s32 @p2 $0x1  }
0x17: {  	s4 =	simm.s32 $0x1BF5;
	[smem:$0x3FB5] =	sst s0  }
0x18: {  	s0 =	sld [smem:$0x3F98];
	_ =	swait.ge [sflag:s4], $0x0  }
0x19: {  	s7 =	sld [smem:$0x3F99]  }
0x1a: {  	s8 =	sadd.s32 $0xFFFFE003, lr  }
0x1b: {  	s9 =	sadd.s32 $0xFFFFFEF7, lr;
	s5 =	simm.s32 $0xFFFFFFFF;
	p2 =	slt.u32 s8, $0xFFFFF086  }
0x1c: {  	p1 =	slt.u32 s9, $0xF7A;
	s5 =	simm.s32 @!p2 $0x0  }
0x1d: {  	s5 =	simm.s32 @p1 $0x1;
	p0 =	seq.s32 s7, s2  }
0x1e: {  	s7 =	smul.u32 @!p0 $0xF7A, s2;
	p2 =	seq.s32 @!p0 s5, $0x0  }
0x1f: {  	s9 =	smul.u32 $0xF7A, s1;
	s8 =	simm.s32 @!p0 $0x1BF5;
	p2 =	por !p2, p0  }
0x20: {  	[sflag:s8] =	ssyncset.s32 @!p0 $0xFFFFF086;
	s6 =	sadd.s32 @!p0 s3, s7;
	s7 =	simm.s32 @!p0 $0x108  }
0x21: {  	s3 =	sadd.s32 s3, s9;
	s6 =	sadd.s32 @!p0 $0x88, s6;
	s7 =	simm.s32 @p2 $0x1082  }
0x22: {  	[simem:s7], [sflag:s8] =	dma.local @!p0 [hbm:s6], $0xF7A  }
0x23: {  	s9 =	sor.u32 $0xD0000000, s2;
	s6 =	simm.s32 $0x108;
	_ =	swait.ge @!p0 [sflag:s8], $0x0  }
0x24: {  	s3 =	sadd.s32 $0x88, s3;
	s6 =	simm.s32 @!p1 $0x1082;
	[sflag:s4] =	ssyncset.s32 $0xFFFFF086  }
0x25: {  	[simem:s6], [sflag:s4] =	dma.local [hbm:s3], $0xF7A  }
0x26: {  	[smem:$0x3F99] =	sst s1;
	(tag) =	ssettag s2;
	_ =	strace s9  }
0x27: {  	s1 =	sld [smem:$0x3FA9]  }
0x28: {  	s2 =	sld [smem:$0x3FAA]  }
0x29: {  	s4 =	sld [smem:$0x3FAC]  }
0x2a: {  	p0 =	seq.s32 s5, $0x0;
	s5 =	sld [smem:$0x3FAD]  }
0x2b: {  	s6 =	sld [smem:$0x3FAE]  }
0x2c: {  	s7 =	sld [smem:$0x3FAF]  }
0x2d: {  	s3 =	simm.s32 $0x108;
	s8 =	sld [smem:$0x3FB0]  }
0x2e: {  	s3 =	simm.s32 @!p0 $0x1082;
	s9 =	sld [smem:$0x3FB1]  }
0x2f: {  	lr =	sadd.s32 s0, s3;
	s0 =	sld [smem:$0x3FA8]  }
0x30: {  	s3 =	sld [smem:$0x3FAB]  }
0x31: {  	[smem:$0x3FB4] =	sst s10  }
0x32: {  	s10 =	sld [smem:$0x3FB2];
	_ =	sdelay $0x3  }
0x33: {  	p0 =	seq.s32 s10, $0x1;
	s10 =	sld [smem:$0x3FB4];
	_ =	sdelay $0x3  }
0x34: {  	[smem:$0x3FB4] =	sst s10  }
0x35: {  	s10 =	sld [smem:$0x3FB3];
	_ =	sdelay $0x3  }
0x36: {  	p1 =	seq.s32 s10, $0x1;
	s10 =	sld [smem:$0x3FB4];
	_ =	sdelay $0x3  }
0x37: {  	[smem:$0x3FB4] =	sst s10  }
0x38: {  	s10 =	sld [smem:$0x3FB5]  }
0x39: {  	_ = 	snop;
	(pc) =	sbr.ind lr, $3  }
0x3a: {  	_ = 	snop  }
0x3b: {  	_ = 	snop  }
0x3c: {  	p2 =	seq.s32 s10, $0x1;
	s10 =	sld [smem:$0x3FB4]  }
0x3d: {  	_ =	shalt  }
0x3e: {  	_ =	shalt  }
0x3f: {  	_ =	shalt  }
0x40: {  	_ =	shalt  }
0x41: {  	_ =	shalt  }
0x42: {  	_ =	shalt  }
0x43: {  	_ =	shalt  }
0x44: {  	_ =	shalt  }
0x45: {  	_ =	shalt  }
0x46: {  	_ =	shalt  }
0x47: {  	_ =	shalt  }
0x48: {  	_ =	shalt  }
0x49: {  	_ =	shalt  }
0x4a: {  	_ =	shalt  }
0x4b: {  	_ =	shalt  }
0x4c: {  	_ =	shalt  }
0x4d: {  	_ =	shalt  }
0x4e: {  	_ =	shalt  }
0x4f: {  	_ =	shalt  }
0x50: {  	_ =	shalt  }
0x51: {  	_ =	shalt  }
0x52: {  	_ =	shalt  }
0x53: {  	_ =	shalt  }
0x54: {  	_ =	shalt  }
0x55: {  	_ =	shalt  }
0x56: {  	_ =	shalt  }
0x57: {  	_ =	shalt  }
0x58: {  	_ =	shalt  }
0x59: {  	_ =	shalt  }
0x5a: {  	_ =	shalt  }
0x5b: {  	_ =	shalt  }
0x5c: {  	_ =	shalt  }
0x5d: {  	_ =	shalt  }
0x5e: {  	_ =	shalt  }
0x5f: {  	_ =	shalt  }
0x60: {  	_ =	shalt  }
0x61: {  	_ =	shalt  }
0x62: {  	_ =	shalt  }
0x63: {  	_ =	shalt  }
0x64: {  	_ =	shalt  }
0x65: {  	_ =	shalt  }
0x66: {  	_ =	shalt  }
0x67: {  	_ =	shalt  }
0x68: {  	_ =	shalt  }
0x69: {  	_ =	shalt  }
0x6a: {  	_ =	shalt  }
0x6b: {  	_ =	shalt  }
0x6c: {  	_ =	shalt  }
0x6d: {  	_ =	shalt  }
0x6e: {  	_ =	shalt  }
0x6f: {  	_ =	shalt  }
0x70: {  	_ =	shalt  }
0x71: {  	_ =	shalt  }
0x72: {  	_ =	shalt  }
0x73: {  	_ =	shalt  }
0x74: {  	_ =	shalt  }
0x75: {  	_ =	shalt  }
0x76: {  	_ =	shalt  }
0x77: {  	_ =	shalt  }
0x78: {  	_ =	shalt  }
0x79: {  	_ =	shalt  }
0x7a: {  	_ =	shalt  }
0x7b: {  	_ =	shalt  }
0x7c: {  	_ =	shalt  }
0x7d: {  	_ =	shalt  }
0x7e: {  	_ =	shalt  }
0x7f: {  	_ =	shalt  }
0x80: {  	_ =	shalt  }
0x81: {  	_ =	shalt  }
0x82: {  	_ =	shalt  }
0x83: {  	_ =	shalt  }
0x84: {  	_ =	shalt  }
0x85: {  	_ =	shalt  }
0x86: {  	_ =	shalt  }
0x87: {  	_ =	shalt  }
.Lfunc_end0:
.L_simem_size_0:
called_computation.2_lowered:
.L_overlay_start_0:
0x88: {  	s2 =	sld [smem:$0x3FD9]  }
0x89: {  	s3 =	sld [smem:$0x3FFE];
	_ =	sdelay $0x1  }
0x8a: {  	s1 =	srdreg.scid  }
0x8b: {  	s0 =	sand.u32 $0x1, s1  }
0x8c: {  	s17 =	sshll.u32 s0, $0xA;
	s2 =	sadd.s32 s3, s2  }
0x8d: {  	s2 =	sadd.s32 s2, s17  }
0x8e: {  	[smem:$0x3FC0] =	sst s2  }
0x8f: {  	_ = 	snop  }
0x90: {  	s2 =	sld [smem:$0x3FD0];
	(tm) =	ssettm $0x1  }
0x91: {  	s18 =	sld [smem:$0x3FFB];
	_ =	sdelay $0x3  }
0x92: {  	_ =	strace s18  }
0x93: {  	s3 =	sld [smem:$0x3FFC];
	_ =	sdelay $0x3  }
0x94: {  	_ =	strace s3  }
0x95: {  	s3 =	sld [smem:$0x3FFD];
	_ =	sdelay $0x3  }
0x96: {  	_ =	strace s3  }
0x97: {  	_ =	strace $0x8FFFFFFF  }
0x98: {  	s19 =	sld [smem:$0x3FDB];
	_ =	sdelay $0x1  }
0x99: {  	s4 =	simm.s32 $_scs_section_size  }
0x9a: {  	s5 =	simm.s32 $_size__tile_overlayer_lowered;
	s6 =	simm.s32 $_tile_overlayer_lowered  }
0x9b: {  	s22 =	simm.s32 $0x1BFF;
	s21 =	sshll.u32 s6, $0x1;
	s3 =	sadd.s32 s4, s19  }
0x9c: {  	s7 =	simm.s32 $0x0;
	s20 =	sshll.u32 s5, $0x1;
	s5 =	sadd.s32 s21, s3  }
0x9d: {  	[timem:s7], [sflag:s22] =	dma.local [hbm:s5], s20  }
0x9e: {  	_ =	swait.ge [sflag:s22], s20  }
0x9f: {  	s4 =	ssub.s32 $0x0, s20;
	[sflag:s22] =	ssyncset.done $0x0  }
0xa0: {  	[sflag:s22] =	ssyncadd.s32 s4;
	_ =	sdelay $0x1  }
0xa1: {  	s23 =	simm.s32 $0x1B8B  }
0xa2: {  	_ =	swait.ge [sflag:s23], $0x1  }
0xa3: {  	[sflag:s23] =	ssyncset.done $0x0  }
0xa4: {  	s25 =	simm.s32 $0x1B8E;
	s24 =	sld [smem:$0x3FFE];
	[sflag:s23] =	ssyncadd.s32 $0xFFFFFFFF  }
0xa5: {  	s26 =	simm.s32 $execute0_lowered;
	[smem:$0x3FD2] =	sst s25  }
0xa6: {  	s5 =	sshll.u32 s26, $0x1;
	_ =	strace $0x8000004C;
	[dreg:$0x1] =	wrdreg $0xFFFFFFFF  }
0xa7: {  	s28 =	simm.s32 $_size_execute0_lowered;
	s3 =	sadd.s32 s3, s5;
	[dreg:$0x0] =	wrdreg $0x0  }
0xa8: {  	s5 =	sshll.u32 s28, $0x1;
	[dreg:$0x2] =	wrdreg s3  }
0xa9: {  	[dreg:$0x3] =	wrdreg s5  }
0xaa: {  	[dreg:$0x4] =	wrdreg $0xC0  }
0xab: {  	_ =	task [dreg:s7], $0x5FFFF  }
0xac: {  	[dreg:$0x1] =	wrdreg $0xFFFFFFFF  }
0xad: {  	[dreg:$0x0] =	wrdreg $0x60  }
0xae: {  	[dreg:$0x2] =	wrdreg s24  }
0xaf: {  	[dreg:$0x3] =	wrdreg s2  }
0xb0: {  	[dreg:$0x4] =	wrdreg $0xB8000  }
0xb1: {  	[dreg:$0x5] =	wrdreg $0x9  }
0xb2: {  	_ =	task.clear_ibuf [dreg:s7], $0x6FFFF;
	_ =	strace $0x9000004C  }
0xb3: {  	s29 =	simm.s32 $0x9;
	_ =	strace $0x8000004E  }
0xb4: {  	_ =	swait.ge [sflag:s29], $0x1  }
0xb5: {  	[sflag:s29] =	ssyncadd.s32 $0xFFFFFFFF  }
0xb6: {  	_ =	strace $0x9000004E  }
0xb7: {  	_ =	sfence  }
0xb8: {  	s30 =	sld [smem:$0x0];
	_ =	sdelay $0x2  }
0xb9: {  	s31 =	sshll.u32 s1, $0xD;
	s1 =	sshrl.u32 s1, $0x2  }
0xba: {  	s3 =	sand.u32 $0x4000, s31;
	s1 =	sadd.s32 s1, s30  }
0xbb: {  	s0 =	sor.u32 s3, s0;
	s1 =	sshll.u32 s1, $0x11  }
0xbc: {  	s0 =	sor.u32 s1, s0  }
0xbd: {  	s0 =	sadd.s32 $0x8F2B, s0  }
0xbe: {  	[sflag:s0] =	ssyncadd.remote.s32 $0x1  }
0xbf: {  	_ =	sfence.sel $0xFFFF  }
0xc0: {  	[dreg:$0x0] =	wrdreg $0xFFFFFFFF;
	(pc) =	sbr.abs _section_cstart, $3  }
0xc1: {  	[dreg:$0x1] =	wrdreg $0xFFFFFFFF  }
0xc2: {  	_ =	task.clear_ibuf [dreg:s7], $0x2FFFF;
	_ =	strace $0x9FFFFFFF  }
0xc3: {  	(tm) =	ssettm $0x7FFFFFFF  }
tec
execute0_lowered:
.L_overlay_start_1:
0x0: {  	(tag) =	ssettag $0x1  }
0x1: {  	s0 =	srdreg.scid;
	s1 =	rddreg [dreg:$0x0]  }
0x2: {  	s10 =	stileid.u32;
	s3 =	rddreg [dreg:$0x2]  }
0x3: {  	s4 =	simm.s32 $0x0;
	s18 =	simm.s32 $0x3;
	s19 =	simm.s32 $0x1C00  }
0x4: {  	s20 =	simm.s32 $0x70000;
	s21 =	simm.s32 $0x80;
	s22 =	simm.s32 $0x3800  }
0x5: {  	s23 =	simm.s32 $0x7800;
	s29 =	simm.s32 $0x1C00;
	s31 =	simm.s32 $0x100  }
0x6: {  	s30 =	simm.s32 $0x1C80;
	s0 =	sand.u32 $0x1, s0;
	s7 =	smul.u32 $0x14000, s10  }
0x7: {  	[smem:$0x7FF] =	sst s4;
	s5 =	sadd.s32 $0x1EC00, s1;
	s8 =	smul.u32 $0x50000, s10  }
0x8: {  	s25 =	sshll.u32 s10, $0x6;
	s2 =	sshll.u32 s0, $0x4;
	s6 =	smul.u32 $0x140000, s0  }
0x9: {  	_ =	strace $0x8000004D;
	s24 =	ssub.s32 $0x2, s0;
	p0 =	seq.s32 s0, $0x0  }
0xa: {  	s2 =	sor.u32 s10, s2;
	s9 =	sshrl.u32 s24, $0x1;
	s8 =	sshrl.u32 s8, $0x2  }
0xb: {  	s2 =	smul.u32 $0x3800, s2;
	s6 =	sadd.s32 s7, s6;
	s16 =	ssub.s32 s24, s9  }
0xc: {  	s17 =	sadd.s32 s8, s3;
	s7 =	sor.u32 $0x1C03, s25;
	s8 =	simm.s32 $0x1B  }
0xd: {  	s24 =	simm.s32 $0x1;
	s25 =	simm.s32 $0x2;
	s6 =	sshrl.u32 s6, $0x3  }
0xe: {  	s8 =	simm.s32 @!p0 $0xA;
	s16 =	smax.u32 s16, $0x1;
	s2 =	sshrl.u32 s2, $0x3  }
0xf: {  	s17 =	sshrl.u32 s17, $0x3;
	s28 =	sshll.u32 s8, $0x8;
	s2 =	sadd.s32 s2, s1  }
0x10: {  	s1 =	sadd.s32 s6, s1;
	s6 =	simm.s32 $0x1B;
	s13 =	sadd.s32 $0x1C00, s28  }
0x11: {  	s14 =	sadd.s32 $0x1C80, s28;
	s6 =	simm.s32 @!p0 $0xB;
	s9 =	sadd.s32 $0x2C00, s2  }
0x12: {  	s12 =	sadd.s32 $0x2F80, s2;
	s15 =	sadd.s32 $0x46C00, s1;
	s26 =	sshll.u32 s6, $0x8  }
0x13: {  	s10 =	sadd.s32 $0x1C00, s26;
	s11 =	sadd.s32 $0x1C80, s26;
	s26 =	simm.s32 $0x0  }
.LBB2_1:
0x14: {  	s0 =	rddreg [dreg:$0x1]  }
0x15: {  	[spmem:s17], [sflag:s7] =	dma.local [hbm:s0], $0x2800  }
0x16: {  	_ =	swait.ge [sflag:s18], $0x2800  }
0x17: {  	[sflag:s18] =	ssyncset.done $0x0  }
0x18: {  	[sflag:s18] =	ssyncadd.s32 $0xFFFFD800  }
0x19: {  	[bflag:$0x0] =	sbarrier.arrive $0xFFFF  }
0x1a: {  	[tilespmem:s4], [sflag:$0x3] =	stream.strided.gather [hbm4b:s9+s19], $0x3800, s20, s19, $0x38;
	[tilespmem:$0x1F800] =	vst v63  }
0x1b: {  	_ =	swait.ge [sflag:s18], $0x3800  }
0x1c: {  	[sflag:s18] =	ssyncset.done $0x0  }
0x1d: {  	[sflag:s18] =	ssyncadd.s32 $0xFFFFC800  }
0x1e: {  	[tilespmem:s22], [sflag:$0x1] =	stream.indirect.gather [hbm4b:s5+s21], $0x80, s4, s21, $0xb8;
	[tilespmem:$0x1F800] =	vst v63  }
0x1f: {  	_ = 	snop  }
0x20: {  	[tilespmem:s23], [sflag:$0x2] =	stream.indirect.gather [hbm4b:s5+s21], $0x80, s21, s21, $0xb8;
	[tilespmem:$0x1F800] =	vst v63  }
0x21: {  	_ =	swait.ge [sflag:s24], $0x4000  }
0x22: {  	[sflag:s24] =	ssyncset.done $0x0  }
0x23: {  	[sflag:s24] =	ssyncadd.s32 $0xFFFFC000  }
0x24: {  	[spmem:s3] =	stream.indirect.scatter.add.f32 [tilespmem:s22], [sflag:$0x3], $0x80, s29, s21, $0xb8;
	[tilespmem:$0x1F800] =	vst v63  }
0x25: {  	_ =	swait.ge [sflag:s18], $0x4000  }
0x26: {  	[sflag:s18] =	ssyncset.done $0x0  }
0x27: {  	[sflag:s18] =	ssyncadd.s32 $0xFFFFC000  }
0x28: {  	[tilespmem:s22], [sflag:$0x1] =	stream.indirect.gather [hbm4b:s5+s21], $0x80, s31, s21, $0xb8;
	[tilespmem:$0x1F800] =	vst v63  }
0x29: {  	_ =	swait.ge [sflag:s25], $0x4000  }
0x2a: {  	p0 =	sne.s32 s6, $0x1;
	[sflag:s25] =	ssyncset.done $0x0  }
.Ltmp0:
0x2b: {  	[sflag:s25] =	ssyncadd.s32 $0xFFFFC000;
	(pc) =	sbr.rel @!p0 .LBB2_3-.Ltmp0, $4  }
0x2c: {  	[spmem:s3] =	stream.indirect.scatter.add.f32 [tilespmem:s23], [sflag:$0x3], $0x80, s30, s21, $0xb8;
	[tilespmem:$0x1F800] =	vst v63  }
0x2d: {  	_ =	swait.ge [sflag:s18], $0x4000  }
0x2e: {  	s1 =	sadd.s32 $0xFFFFFFFF, s6;
	s28 =	simm.s32 $0x180;
	[sflag:s18] =	ssyncset.done $0x0  }
0x2f: {  	s2 =	simm.s32 $0x180;
	s0 =	simm.s32 $0x1D80;
	[sflag:s18] =	ssyncadd.s32 $0xFFFFC000  }
.LBB2_2:
0x30: {  	[tilespmem:s23], [sflag:$0x2] =	stream.indirect.gather [hbm4b:s5+s21], $0x80, s2, s21, $0xb8;
	[tilespmem:$0x1F800] =	vst v63  }
0x31: {  	p0 =	sne.s32 s1, $0x1;
	s1 =	sadd.s32 $0xFFFFFFFF, s1;
	_ =	swait.ge [sflag:s24], $0x4000  }
0x32: {  	[sflag:s24] =	ssyncset.done $0x0  }
0x33: {  	s2 =	sadd.s32 $0xFFFFFF80, s0;
	[sflag:s24] =	ssyncadd.s32 $0xFFFFC000  }
0x34: {  	[spmem:s3] =	stream.indirect.scatter.add.f32 [tilespmem:s22], [sflag:$0x3], $0x80, s2, s21, $0xb8;
	[tilespmem:$0x1F800] =	vst v63  }
0x35: {  	_ =	swait.ge [sflag:s18], $0x4000  }
0x36: {  	[sflag:s18] =	ssyncset.done $0x0  }
0x37: {  	s2 =	sadd.s32 $0xFFFFE480, s0;
	[sflag:s18] =	ssyncadd.s32 $0xFFFFC000  }
0x38: {  	[tilespmem:s22], [sflag:$0x1] =	stream.indirect.gather [hbm4b:s5+s21], $0x80, s2, s21, $0xb8;
	[tilespmem:$0x1F800] =	vst v63  }
0x39: {  	_ =	swait.ge [sflag:s25], $0x4000  }
0x3a: {  	[sflag:s25] =	ssyncset.done $0x0  }
.Ltmp1:
0x3b: {  	[sflag:s25] =	ssyncadd.s32 $0xFFFFC000;
	(pc) =	sbr.rel @p0 .LBB2_2-.Ltmp1, $4  }
0x3c: {  	[spmem:s3] =	stream.indirect.scatter.add.f32 [tilespmem:s23], [sflag:$0x3], $0x80, s0, s21, $0xb8;
	[tilespmem:$0x1F800] =	vst v63  }
0x3d: {  	_ =	swait.ge [sflag:s18], $0x4000  }
0x3e: {  	[sflag:s18] =	ssyncset.done $0x0  }
0x3f: {  	s2 =	sadd.s32 $0xFFFFE500, s0;
	s0 =	sadd.s32 $0x100, s0;
	[sflag:s18] =	ssyncadd.s32 $0xFFFFC000  }
.LBB2_3:
0x40: {  	[tilespmem:s23], [sflag:$0x2] =	stream.indirect.gather [hbm4b:s5+s21], $0x80, s2, s21, $0xb8;
	[tilespmem:$0x1F800] =	vst v63  }
0x41: {  	_ =	swait.ge [sflag:s24], $0x4000  }
0x42: {  	[sflag:s24] =	ssyncset.done $0x0  }
0x43: {  	[sflag:s24] =	ssyncadd.s32 $0xFFFFC000  }
0x44: {  	[spmem:s3] =	stream.indirect.scatter.add.f32 [tilespmem:s22], [sflag:$0x3], $0x80, s10, s21, $0xb8;
	[tilespmem:$0x1F800] =	vst v63  }
0x45: {  	_ =	swait.ge [sflag:s18], $0x4000  }
0x46: {  	[sflag:s18] =	ssyncset.done $0x0  }
0x47: {  	[sflag:s18] =	ssyncadd.s32 $0xFFFFC000  }
0x48: {  	_ =	swait.ge [sflag:s25], $0x4000  }
0x49: {  	[sflag:s25] =	ssyncset.done $0x0  }
0x4a: {  	[sflag:s25] =	ssyncadd.s32 $0xFFFFC000  }
0x4b: {  	[spmem:s3] =	stream.indirect.scatter.add.f32 [tilespmem:s23], [sflag:$0x3], $0x80, s11, s21, $0xb8;
	[tilespmem:$0x1F800] =	vst v63  }
0x4c: {  	_ =	swait.ge [sflag:s18], $0x4000  }
0x4d: {  	[sflag:s18] =	ssyncset.done $0x0  }
0x4e: {  	[sflag:s18] =	ssyncadd.s32 $0xFFFFC000  }
0x4f: {  	[tilespmem:s4], [sflag:$0x3] =	stream.strided.gather [hbm4b:s12+s19], $0x3800, s20, s19, $0x38;
	[tilespmem:$0x1F800] =	vst v63  }
0x50: {  	_ =	swait.ge [sflag:s18], $0x3800  }
0x51: {  	[sflag:s18] =	ssyncset.done $0x0  }
0x52: {  	[sflag:s18] =	ssyncadd.s32 $0xFFFFC800  }
0x53: {  	[tilespmem:s22], [sflag:$0x1] =	stream.indirect.gather [hbm4b:s5+s21], $0x80, s4, s21, $0xb8;
	[tilespmem:$0x1F800] =	vst v63  }
0x54: {  	_ = 	snop  }
0x55: {  	[tilespmem:s23], [sflag:$0x2] =	stream.indirect.gather [hbm4b:s5+s21], $0x80, s21, s21, $0xb8;
	[tilespmem:$0x1F800] =	vst v63  }
0x56: {  	_ =	swait.ge [sflag:s24], $0x4000  }
0x57: {  	[sflag:s24] =	ssyncset.done $0x0  }
0x58: {  	[sflag:s24] =	ssyncadd.s32 $0xFFFFC000  }
0x59: {  	[spmem:s3] =	stream.indirect.scatter.add.f32 [tilespmem:s22], [sflag:$0x3], $0x80, s29, s21, $0xb8;
	[tilespmem:$0x1F800] =	vst v63  }
0x5a: {  	_ =	swait.ge [sflag:s18], $0x4000  }
0x5b: {  	[sflag:s18] =	ssyncset.done $0x0  }
0x5c: {  	[sflag:s18] =	ssyncadd.s32 $0xFFFFC000  }
0x5d: {  	[tilespmem:s22], [sflag:$0x1] =	stream.indirect.gather [hbm4b:s5+s21], $0x80, s31, s21, $0xb8;
	[tilespmem:$0x1F800] =	vst v63  }
0x5e: {  	_ =	swait.ge [sflag:s25], $0x4000  }
0x5f: {  	p0 =	sne.s32 s8, $0x1;
	[sflag:s25] =	ssyncset.done $0x0  }
.Ltmp2:
0x60: {  	[sflag:s25] =	ssyncadd.s32 $0xFFFFC000;
	(pc) =	sbr.rel @!p0 .LBB2_5-.Ltmp2, $4  }
0x61: {  	[spmem:s3] =	stream.indirect.scatter.add.f32 [tilespmem:s23], [sflag:$0x3], $0x80, s30, s21, $0xb8;
	[tilespmem:$0x1F800] =	vst v63  }
0x62: {  	_ =	swait.ge [sflag:s18], $0x4000  }
0x63: {  	[sflag:s18] =	ssyncset.done $0x0  }
0x64: {  	s1 =	sadd.s32 $0xFFFFFFFF, s8;
	s0 =	simm.s32 $0x1D80;
	[sflag:s18] =	ssyncadd.s32 $0xFFFFC000  }
.LBB2_4:
0x65: {  	[tilespmem:s23], [sflag:$0x2] =	stream.indirect.gather [hbm4b:s5+s21], $0x80, s28, s21, $0xb8;
	[tilespmem:$0x1F800] =	vst v63  }
0x66: {  	p0 =	sne.s32 s1, $0x1;
	s1 =	sadd.s32 $0xFFFFFFFF, s1;
	_ =	swait.ge [sflag:s24], $0x4000  }
0x67: {  	[sflag:s24] =	ssyncset.done $0x0  }
0x68: {  	s2 =	sadd.s32 $0xFFFFFF80, s0;
	[sflag:s24] =	ssyncadd.s32 $0xFFFFC000  }
0x69: {  	[spmem:s3] =	stream.indirect.scatter.add.f32 [tilespmem:s22], [sflag:$0x3], $0x80, s2, s21, $0xb8;
	[tilespmem:$0x1F800] =	vst v63  }
0x6a: {  	_ =	swait.ge [sflag:s18], $0x4000  }
0x6b: {  	[sflag:s18] =	ssyncset.done $0x0  }
0x6c: {  	s2 =	sadd.s32 $0xFFFFE480, s0;
	[sflag:s18] =	ssyncadd.s32 $0xFFFFC000  }
0x6d: {  	[tilespmem:s22], [sflag:$0x1] =	stream.indirect.gather [hbm4b:s5+s21], $0x80, s2, s21, $0xb8;
	[tilespmem:$0x1F800] =	vst v63  }
0x6e: {  	_ =	swait.ge [sflag:s25], $0x4000  }
0x6f: {  	[sflag:s25] =	ssyncset.done $0x0  }
.Ltmp3:
0x70: {  	[sflag:s25] =	ssyncadd.s32 $0xFFFFC000;
	(pc) =	sbr.rel @p0 .LBB2_4-.Ltmp3, $4  }
0x71: {  	[spmem:s3] =	stream.indirect.scatter.add.f32 [tilespmem:s23], [sflag:$0x3], $0x80, s0, s21, $0xb8;
	[tilespmem:$0x1F800] =	vst v63  }
0x72: {  	_ =	swait.ge [sflag:s18], $0x4000  }
0x73: {  	[sflag:s18] =	ssyncset.done $0x0  }
0x74: {  	s28 =	sadd.s32 $0xFFFFE500, s0;
	s0 =	sadd.s32 $0x100, s0;
	[sflag:s18] =	ssyncadd.s32 $0xFFFFC000  }
.LBB2_5:
0x75: {  	[tilespmem:s23], [sflag:$0x2] =	stream.indirect.gather [hbm4b:s5+s21], $0x80, s28, s21, $0xb8;
	[tilespmem:$0x1F800] =	vst v63  }
0x76: {  	_ =	swait.ge [sflag:s24], $0x4000  }
0x77: {  	[sflag:s24] =	ssyncset.done $0x0  }
0x78: {  	[sflag:s24] =	ssyncadd.s32 $0xFFFFC000  }
0x79: {  	[spmem:s3] =	stream.indirect.scatter.add.f32 [tilespmem:s22], [sflag:$0x3], $0x80, s13, s21, $0xb8;
	[tilespmem:$0x1F800] =	vst v63  }
0x7a: {  	_ =	swait.ge [sflag:s18], $0x4000  }
0x7b: {  	[sflag:s18] =	ssyncset.done $0x0  }
0x7c: {  	[sflag:s18] =	ssyncadd.s32 $0xFFFFC000  }
0x7d: {  	_ =	swait.ge [sflag:s25], $0x4000  }
0x7e: {  	[sflag:s25] =	ssyncset.done $0x0  }
0x7f: {  	[sflag:s25] =	ssyncadd.s32 $0xFFFFC000  }
0x80: {  	[spmem:s3] =	stream.indirect.scatter.add.f32 [tilespmem:s23], [sflag:$0x3], $0x80, s14, s21, $0xb8;
	[tilespmem:$0x1F800] =	vst v63  }
0x81: {  	_ =	swait.ge [sflag:s18], $0x4000  }
0x82: {  	s26 =	sadd.s32 $0x1, s26;
	[sflag:s18] =	ssyncset.done $0x0  }
0x83: {  	p0 =	sne.s32 s26, s16;
	[sflag:s18] =	ssyncadd.s32 $0xFFFFC000  }
.Ltmp4:
0x84: {  	[bflag:$0x0] =	sbarrier.arrive $0xFFFF;
	(pc) =	sbr.rel @p0 .LBB2_1-.Ltmp4, $4  }
0x85: {  	[hbm:s15], [sflag:s7] =	dma.local [spmem:s17], $0x2800  }
0x86: {  	_ =	swait.ge [sflag:s18], $0x2800  }
0x87: {  	[sflag:s18] =	ssyncset.done $0x0  }
0x88: {  	[sflag:s18] =	ssyncadd.s32 $0xFFFFD800  }
0x89: {  	_ =	sfence.sel $0x180000  }
0x8a: {  	[bflag:$0x0] =	sbarrier.arrive $0xFFFF  }
0x8b: {  	_ =	strace $0x9000004D  }
0x8c: {  	s0 =	stileid.u32;
	[bflag:$0x2] =	sbarrier.arrive $0xFFFF  }
0x8d: {  	p0 =	sne.s32 s0, $0x0;
	s0 =	rddreg [dreg:$0x3]  }
0x8e: {  	s0 =	sadd.s32 @!p0 $0x100000, s0  }
0x8f: {  	[sflag:s0] =	ssyncadd.tile.s32 @!p0 $0x1;
	_ =	shalt  }
.Lfunc_end2:
_tile_overlayer_lowered:
.L_overlay_start_2:
0x90: {  	(tag) =	ssettag $0x2  }
0x91: {  	s0 =	rddreg [dreg:$0x0];
	s2 =	stileid.u32  }
0x92: {  	s1 =	rddreg [dreg:$0x1];
	p0 =	sne.s32 s2, $0x0  }
0x93: {  	s3 =	rddreg [dreg:$0x2];
	[bflag:$0x3] =	sbarrier.arrive $0xFFFF;
	s2 =	simm.s32 @!p0 $0x1C03  }
0x94: {  	[timem:s3], [sflag:s2] =	dma.local @!p0 [hbm:s0], s1  }
0x95: {  	s0 =	simm.s32 @!p0 $0x3  }
0x96: {  	_ =	swait.ge @!p0 [sflag:s0], s1  }
0x97: {  	s1 =	ssub.s32 @!p0 $0x0, s1;
	[sflag:s0] =	ssyncset.done @!p0 $0x0  }
0x98: {  	[sflag:s0] =	ssyncadd.s32 @!p0 s1  }
0x99: {  	[bflag:$0x3] =	sbarrier.arrive $0xFFFF  }
0x9a: {  	_ =	shalt  }

// kernel: kernel.9.cloned.1.call-start
scs
__scs_entry_jumppad:
0x0: {  	(pc) =	sbr.rel $0x88, $3  }
0x1: {  	(tag) =	ssettag $0x0;
	lr =	simm.s32 $0x1  }
0x2: {  	[smem:$0x3F99] =	sst lr;
	_ =	strace $0xD0000000  }
0x3: {  	_ = 	snop  }
0x4: {  	_ = 	snop  }
0x5: {  	_ = 	snop  }
0x6: {  	_ = 	snop  }
0x7: {  	_ = 	snop  }
__scs_overlays_trampoline_lowered:
0x8: {  	[smem:$0x3FA8] =	sst s0  }
0x9: {  	[smem:$0x3FA9] =	sst s1  }
0xa: {  	[smem:$0x3FAA] =	sst s2  }
0xb: {  	[smem:$0x3FAB] =	sst s3  }
0xc: {  	[smem:$0x3FAC] =	sst s4  }
0xd: {  	[smem:$0x3FAD] =	sst s5  }
0xe: {  	[smem:$0x3FAE] =	sst s6  }
0xf: {  	[smem:$0x3FAF] =	sst s7  }
0x10: {  	[smem:$0x3FB0] =	sst s8  }
0x11: {  	[smem:$0x3FB1] =	sst s9;
	s0 =	simm.s32 @!p0 $0x0  }
0x12: {  	s1 =	sld [smem:$0x3F97];
	s0 =	simm.s32 @p0 $0x1  }
0x13: {  	[smem:$0x3FB2] =	sst s0;
	s0 =	simm.s32 @!p1 $0x0  }
0x14: {  	s2 =	sld [smem:$0x3F96];
	s0 =	simm.s32 @p1 $0x1  }
0x15: {  	[smem:$0x3FB3] =	sst s0;
	s0 =	simm.s32 @!p2 $0x0  }
0x16: {  	s3 =	sld [smem:$0x3FDB];
	s0 =	simm.s32 @p2 $0x1  }
0x17: {  	s4 =	simm.s32 $0x1BF5;
	[smem:$0x3FB5] =	sst s0  }
0x18: {  	s0 =	sld [smem:$0x3F98];
	_ =	swait.ge [sflag:s4], $0x0  }
0x19: {  	s7 =	sld [smem:$0x3F99]  }
0x1a: {  	s8 =	sadd.s32 $0xFFFFE003, lr  }
0x1b: {  	s9 =	sadd.s32 $0xFFFFFEF7, lr;
	s5 =	simm.s32 $0xFFFFFFFF;
	p2 =	slt.u32 s8, $0xFFFFF086  }
0x1c: {  	p1 =	slt.u32 s9, $0xF7A;
	s5 =	simm.s32 @!p2 $0x0  }
0x1d: {  	s5 =	simm.s32 @p1 $0x1;
	p0 =	seq.s32 s7, s2  }
0x1e: {  	s7 =	smul.u32 @!p0 $0xF7A, s2;
	p2 =	seq.s32 @!p0 s5, $0x0  }
0x1f: {  	s9 =	smul.u32 $0xF7A, s1;
	s8 =	simm.s32 @!p0 $0x1BF5;
	p2 =	por !p2, p0  }
0x20: {  	[sflag:s8] =	ssyncset.s32 @!p0 $0xFFFFF086;
	s6 =	sadd.s32 @!p0 s3, s7;
	s7 =	simm.s32 @!p0 $0x108  }
0x21: {  	s3 =	sadd.s32 s3, s9;
	s6 =	sadd.s32 @!p0 $0x88, s6;
	s7 =	simm.s32 @p2 $0x1082  }
0x22: {  	[simem:s7], [sflag:s8] =	dma.local @!p0 [hbm:s6], $0xF7A  }
0x23: {  	s9 =	sor.u32 $0xD0000000, s2;
	s6 =	simm.s32 $0x108;
	_ =	swait.ge @!p0 [sflag:s8], $0x0  }
0x24: {  	s3 =	sadd.s32 $0x88, s3;
	s6 =	simm.s32 @!p1 $0x1082;
	[sflag:s4] =	ssyncset.s32 $0xFFFFF086  }
0x25: {  	[simem:s6], [sflag:s4] =	dma.local [hbm:s3], $0xF7A  }
0x26: {  	[smem:$0x3F99] =	sst s1;
	(tag) =	ssettag s2;
	_ =	strace s9  }
0x27: {  	s1 =	sld [smem:$0x3FA9]  }
0x28: {  	s2 =	sld [smem:$0x3FAA]  }
0x29: {  	s4 =	sld [smem:$0x3FAC]  }
0x2a: {  	p0 =	seq.s32 s5, $0x0;
	s5 =	sld [smem:$0x3FAD]  }
0x2b: {  	s6 =	sld [smem:$0x3FAE]  }
0x2c: {  	s7 =	sld [smem:$0x3FAF]  }
0x2d: {  	s3 =	simm.s32 $0x108;
	s8 =	sld [smem:$0x3FB0]  }
0x2e: {  	s3 =	simm.s32 @!p0 $0x1082;
	s9 =	sld [smem:$0x3FB1]  }
0x2f: {  	lr =	sadd.s32 s0, s3;
	s0 =	sld [smem:$0x3FA8]  }
0x30: {  	s3 =	sld [smem:$0x3FAB]  }
0x31: {  	[smem:$0x3FB4] =	sst s10  }
0x32: {  	s10 =	sld [smem:$0x3FB2];
	_ =	sdelay $0x3  }
0x33: {  	p0 =	seq.s32 s10, $0x1;
	s10 =	sld [smem:$0x3FB4];
	_ =	sdelay $0x3  }
0x34: {  	[smem:$0x3FB4] =	sst s10  }
0x35: {  	s10 =	sld [smem:$0x3FB3];
	_ =	sdelay $0x3  }
0x36: {  	p1 =	seq.s32 s10, $0x1;
	s10 =	sld [smem:$0x3FB4];
	_ =	sdelay $0x3  }
0x37: {  	[smem:$0x3FB4] =	sst s10  }
0x38: {  	s10 =	sld [smem:$0x3FB5]  }
0x39: {  	_ = 	snop;
	(pc) =	sbr.ind lr, $3  }
0x3a: {  	_ = 	snop  }
0x3b: {  	_ = 	snop  }
0x3c: {  	p2 =	seq.s32 s10, $0x1;
	s10 =	sld [smem:$0x3FB4]  }
0x3d: {  	_ =	shalt  }
0x3e: {  	_ =	shalt  }
0x3f: {  	_ =	shalt  }
0x40: {  	_ =	shalt  }
0x41: {  	_ =	shalt  }
0x42: {  	_ =	shalt  }
0x43: {  	_ =	shalt  }
0x44: {  	_ =	shalt  }
0x45: {  	_ =	shalt  }
0x46: {  	_ =	shalt  }
0x47: {  	_ =	shalt  }
0x48: {  	_ =	shalt  }
0x49: {  	_ =	shalt  }
0x4a: {  	_ =	shalt  }
0x4b: {  	_ =	shalt  }
0x4c: {  	_ =	shalt  }
0x4d: {  	_ =	shalt  }
0x4e: {  	_ =	shalt  }
0x4f: {  	_ =	shalt  }
0x50: {  	_ =	shalt  }
0x51: {  	_ =	shalt  }
0x52: {  	_ =	shalt  }
0x53: {  	_ =	shalt  }
0x54: {  	_ =	shalt  }
0x55: {  	_ =	shalt  }
0x56: {  	_ =	shalt  }
0x57: {  	_ =	shalt  }
0x58: {  	_ =	shalt  }
0x59: {  	_ =	shalt  }
0x5a: {  	_ =	shalt  }
0x5b: {  	_ =	shalt  }
0x5c: {  	_ =	shalt  }
0x5d: {  	_ =	shalt  }
0x5e: {  	_ =	shalt  }
0x5f: {  	_ =	shalt  }
0x60: {  	_ =	shalt  }
0x61: {  	_ =	shalt  }
0x62: {  	_ =	shalt  }
0x63: {  	_ =	shalt  }
0x64: {  	_ =	shalt  }
0x65: {  	_ =	shalt  }
0x66: {  	_ =	shalt  }
0x67: {  	_ =	shalt  }
0x68: {  	_ =	shalt  }
0x69: {  	_ =	shalt  }
0x6a: {  	_ =	shalt  }
0x6b: {  	_ =	shalt  }
0x6c: {  	_ =	shalt  }
0x6d: {  	_ =	shalt  }
0x6e: {  	_ =	shalt  }
0x6f: {  	_ =	shalt  }
0x70: {  	_ =	shalt  }
0x71: {  	_ =	shalt  }
0x72: {  	_ =	shalt  }
0x73: {  	_ =	shalt  }
0x74: {  	_ =	shalt  }
0x75: {  	_ =	shalt  }
0x76: {  	_ =	shalt  }
0x77: {  	_ =	shalt  }
0x78: {  	_ =	shalt  }
0x79: {  	_ =	shalt  }
0x7a: {  	_ =	shalt  }
0x7b: {  	_ =	shalt  }
0x7c: {  	_ =	shalt  }
0x7d: {  	_ =	shalt  }
0x7e: {  	_ =	shalt  }
0x7f: {  	_ =	shalt  }
0x80: {  	_ =	shalt  }
0x81: {  	_ =	shalt  }
0x82: {  	_ =	shalt  }
0x83: {  	_ =	shalt  }
0x84: {  	_ =	shalt  }
0x85: {  	_ =	shalt  }
0x86: {  	_ =	shalt  }
0x87: {  	_ =	shalt  }
.Lfunc_end0:
.L_simem_size_0:
called_computation_lowered:
.L_overlay_start_0:
0x88: {  	s2 =	sld [smem:$0x3FD9]  }
0x89: {  	s3 =	sld [smem:$0x3FFE];
	_ =	sdelay $0x1  }
0x8a: {  	s1 =	srdreg.scid  }
0x8b: {  	s0 =	sand.u32 $0x1, s1  }
0x8c: {  	s17 =	sshll.u32 s0, $0xA;
	s2 =	sadd.s32 s3, s2  }
0x8d: {  	s2 =	sadd.s32 s2, s17  }
0x8e: {  	[smem:$0x3FC0] =	sst s2  }
0x8f: {  	_ = 	snop  }
0x90: {  	s2 =	sld [smem:$0x3FD0];
	(tm) =	ssettm $0x1  }
0x91: {  	s18 =	sld [smem:$0x3FFB];
	_ =	sdelay $0x3  }
0x92: {  	_ =	strace s18  }
0x93: {  	s3 =	sld [smem:$0x3FFC];
	_ =	sdelay $0x3  }
0x94: {  	_ =	strace s3  }
0x95: {  	s3 =	sld [smem:$0x3FFD];
	_ =	sdelay $0x3  }
0x96: {  	_ =	strace s3  }
0x97: {  	_ =	strace $0x8FFFFFFF  }
0x98: {  	s19 =	sld [smem:$0x3FDB];
	_ =	sdelay $0x1  }
0x99: {  	s4 =	simm.s32 $_scs_section_size  }
0x9a: {  	s5 =	simm.s32 $_size__tile_overlayer_lowered;
	s6 =	simm.s32 $_tile_overlayer_lowered  }
0x9b: {  	s22 =	simm.s32 $0x1BFF;
	s21 =	sshll.u32 s6, $0x1;
	s3 =	sadd.s32 s4, s19  }
0x9c: {  	s7 =	simm.s32 $0x0;
	s20 =	sshll.u32 s5, $0x1;
	s5 =	sadd.s32 s21, s3  }
0x9d: {  	[timem:s7], [sflag:s22] =	dma.local [hbm:s5], s20  }
0x9e: {  	_ =	swait.ge [sflag:s22], s20  }
0x9f: {  	s4 =	ssub.s32 $0x0, s20;
	[sflag:s22] =	ssyncset.done $0x0  }
0xa0: {  	[sflag:s22] =	ssyncadd.s32 s4;
	_ =	sdelay $0x1  }
0xa1: {  	s23 =	simm.s32 $0x1B8B  }
0xa2: {  	_ =	swait.ge [sflag:s23], $0x1  }
0xa3: {  	[sflag:s23] =	ssyncset.done $0x0  }
0xa4: {  	s25 =	simm.s32 $0x1B8E;
	s24 =	sld [smem:$0x3FFE];
	[sflag:s23] =	ssyncadd.s32 $0xFFFFFFFF  }
0xa5: {  	s26 =	simm.s32 $execute0_lowered;
	[smem:$0x3FD2] =	sst s25  }
0xa6: {  	s5 =	sshll.u32 s26, $0x1;
	_ =	strace $0x80000046;
	[dreg:$0x1] =	wrdreg $0xFFFFFFFF  }
0xa7: {  	s28 =	simm.s32 $_size_execute0_lowered;
	s3 =	sadd.s32 s3, s5;
	[dreg:$0x0] =	wrdreg $0x0  }
0xa8: {  	s5 =	sshll.u32 s28, $0x1;
	[dreg:$0x2] =	wrdreg s3  }
0xa9: {  	[dreg:$0x3] =	wrdreg s5  }
0xaa: {  	[dreg:$0x4] =	wrdreg $0xC0  }
0xab: {  	_ =	task [dreg:s7], $0x5FFFF  }
0xac: {  	[dreg:$0x1] =	wrdreg $0xFFFFFFFF  }
0xad: {  	[dreg:$0x0] =	wrdreg $0x60  }
0xae: {  	[dreg:$0x2] =	wrdreg s24  }
0xaf: {  	[dreg:$0x3] =	wrdreg s2  }
0xb0: {  	[dreg:$0x4] =	wrdreg $0xB8000  }
0xb1: {  	[dreg:$0x5] =	wrdreg $0x9  }
0xb2: {  	_ =	task.clear_ibuf [dreg:s7], $0x6FFFF;
	_ =	strace $0x90000046  }
0xb3: {  	s29 =	simm.s32 $0x9;
	_ =	strace $0x80000048  }
0xb4: {  	_ =	swait.ge [sflag:s29], $0x1  }
0xb5: {  	[sflag:s29] =	ssyncadd.s32 $0xFFFFFFFF  }
0xb6: {  	_ =	strace $0x90000048  }
0xb7: {  	_ =	sfence  }
0xb8: {  	s30 =	sld [smem:$0x0];
	_ =	sdelay $0x2  }
0xb9: {  	s31 =	sshll.u32 s1, $0xD;
	s1 =	sshrl.u32 s1, $0x2  }
0xba: {  	s3 =	sand.u32 $0x4000, s31;
	s1 =	sadd.s32 s1, s30  }
0xbb: {  	s0 =	sor.u32 s3, s0;
	s1 =	sshll.u32 s1, $0x11  }
0xbc: {  	s0 =	sor.u32 s1, s0  }
0xbd: {  	s0 =	sadd.s32 $0x8F2B, s0  }
0xbe: {  	[sflag:s0] =	ssyncadd.remote.s32 $0x1  }
0xbf: {  	_ =	sfence.sel $0xFFFF  }
0xc0: {  	[dreg:$0x0] =	wrdreg $0xFFFFFFFF;
	(pc) =	sbr.abs _section_cstart, $3  }
0xc1: {  	[dreg:$0x1] =	wrdreg $0xFFFFFFFF  }
0xc2: {  	_ =	task.clear_ibuf [dreg:s7], $0x2FFFF;
	_ =	strace $0x9FFFFFFF  }
0xc3: {  	(tm) =	ssettm $0x7FFFFFFF  }
tec
execute0_lowered:
.L_overlay_start_1:
0x0: {  	(tag) =	ssettag $0x1  }
0x1: {  	s0 =	srdreg.scid;
	s1 =	rddreg [dreg:$0x0]  }
0x2: {  	s10 =	stileid.u32;
	s3 =	rddreg [dreg:$0x2]  }
0x3: {  	s4 =	simm.s32 $0x0;
	s18 =	simm.s32 $0x3;
	s19 =	simm.s32 $0x1C00  }
0x4: {  	s20 =	simm.s32 $0x70000;
	s21 =	simm.s32 $0x80;
	s22 =	simm.s32 $0x3800  }
0x5: {  	s23 =	simm.s32 $0x7800;
	s29 =	simm.s32 $0x1C00;
	s31 =	simm.s32 $0x100  }
0x6: {  	s30 =	simm.s32 $0x1C80;
	s0 =	sand.u32 $0x1, s0;
	s7 =	smul.u32 $0x14000, s10  }
0x7: {  	[smem:$0x7FF] =	sst s4;
	s5 =	sadd.s32 $0x1EC00, s1;
	s8 =	smul.u32 $0x50000, s10  }
0x8: {  	s25 =	sshll.u32 s10, $0x6;
	s2 =	sshll.u32 s0, $0x4;
	s6 =	smul.u32 $0x140000, s0  }
0x9: {  	_ =	strace $0x80000047;
	s24 =	ssub.s32 $0x2, s0;
	p0 =	seq.s32 s0, $0x0  }
0xa: {  	s2 =	sor.u32 s10, s2;
	s9 =	sshrl.u32 s24, $0x1;
	s8 =	sshrl.u32 s8, $0x2  }
0xb: {  	s2 =	smul.u32 $0x3800, s2;
	s6 =	sadd.s32 s7, s6;
	s16 =	ssub.s32 s24, s9  }
0xc: {  	s17 =	sadd.s32 s8, s3;
	s7 =	sor.u32 $0x1C03, s25;
	s8 =	simm.s32 $0x1B  }
0xd: {  	s24 =	simm.s32 $0x1;
	s25 =	simm.s32 $0x2;
	s6 =	sshrl.u32 s6, $0x3  }
0xe: {  	s8 =	simm.s32 @!p0 $0xA;
	s16 =	smax.u32 s16, $0x1;
	s2 =	sshrl.u32 s2, $0x3  }
0xf: {  	s17 =	sshrl.u32 s17, $0x3;
	s28 =	sshll.u32 s8, $0x8;
	s2 =	sadd.s32 s2, s1  }
0x10: {  	s1 =	sadd.s32 s6, s1;
	s6 =	simm.s32 $0x1B;
	s13 =	sadd.s32 $0x1C00, s28  }
0x11: {  	s14 =	sadd.s32 $0x1C80, s28;
	s6 =	simm.s32 @!p0 $0xB;
	s9 =	sadd.s32 $0x2C00, s2  }
0x12: {  	s12 =	sadd.s32 $0x2F80, s2;
	s15 =	sadd.s32 $0x46C00, s1;
	s26 =	sshll.u32 s6, $0x8  }
0x13: {  	s10 =	sadd.s32 $0x1C00, s26;
	s11 =	sadd.s32 $0x1C80, s26;
	s26 =	simm.s32 $0x0  }
.LBB2_1:
0x14: {  	s0 =	rddreg [dreg:$0x1]  }
0x15: {  	[spmem:s17], [sflag:s7] =	dma.local [hbm:s0], $0x2800  }
0x16: {  	_ =	swait.ge [sflag:s18], $0x2800  }
0x17: {  	[sflag:s18] =	ssyncset.done $0x0  }
0x18: {  	[sflag:s18] =	ssyncadd.s32 $0xFFFFD800  }
0x19: {  	[bflag:$0x0] =	sbarrier.arrive $0xFFFF  }
0x1a: {  	[tilespmem:s4], [sflag:$0x3] =	stream.strided.gather [hbm4b:s9+s19], $0x3800, s20, s19, $0x38;
	[tilespmem:$0x1F800] =	vst v63  }
0x1b: {  	_ =	swait.ge [sflag:s18], $0x3800  }
0x1c: {  	[sflag:s18] =	ssyncset.done $0x0  }
0x1d: {  	[sflag:s18] =	ssyncadd.s32 $0xFFFFC800  }
0x1e: {  	[tilespmem:s22], [sflag:$0x1] =	stream.indirect.gather [hbm4b:s5+s21], $0x80, s4, s21, $0xb8;
	[tilespmem:$0x1F800] =	vst v63  }
0x1f: {  	_ = 	snop  }
0x20: {  	[tilespmem:s23], [sflag:$0x2] =	stream.indirect.gather [hbm4b:s5+s21], $0x80, s21, s21, $0xb8;
	[tilespmem:$0x1F800] =	vst v63  }
0x21: {  	_ =	swait.ge [sflag:s24], $0x4000  }
0x22: {  	[sflag:s24] =	ssyncset.done $0x0  }
0x23: {  	[sflag:s24] =	ssyncadd.s32 $0xFFFFC000  }
0x24: {  	[spmem:s3] =	stream.indirect.scatter.add.f32 [tilespmem:s22], [sflag:$0x3], $0x80, s29, s21, $0xb8;
	[tilespmem:$0x1F800] =	vst v63  }
0x25: {  	_ =	swait.ge [sflag:s18], $0x4000  }
0x26: {  	[sflag:s18] =	ssyncset.done $0x0  }
0x27: {  	[sflag:s18] =	ssyncadd.s32 $0xFFFFC000  }
0x28: {  	[tilespmem:s22], [sflag:$0x1] =	stream.indirect.gather [hbm4b:s5+s21], $0x80, s31, s21, $0xb8;
	[tilespmem:$0x1F800] =	vst v63  }
0x29: {  	_ =	swait.ge [sflag:s25], $0x4000  }
0x2a: {  	p0 =	sne.s32 s6, $0x1;
	[sflag:s25] =	ssyncset.done $0x0  }
.Ltmp0:
0x2b: {  	[sflag:s25] =	ssyncadd.s32 $0xFFFFC000;
	(pc) =	sbr.rel @!p0 .LBB2_3-.Ltmp0, $4  }
0x2c: {  	[spmem:s3] =	stream.indirect.scatter.add.f32 [tilespmem:s23], [sflag:$0x3], $0x80, s30, s21, $0xb8;
	[tilespmem:$0x1F800] =	vst v63  }
0x2d: {  	_ =	swait.ge [sflag:s18], $0x4000  }
0x2e: {  	s1 =	sadd.s32 $0xFFFFFFFF, s6;
	s28 =	simm.s32 $0x180;
	[sflag:s18] =	ssyncset.done $0x0  }
0x2f: {  	s2 =	simm.s32 $0x180;
	s0 =	simm.s32 $0x1D80;
	[sflag:s18] =	ssyncadd.s32 $0xFFFFC000  }
.LBB2_2:
0x30: {  	[tilespmem:s23], [sflag:$0x2] =	stream.indirect.gather [hbm4b:s5+s21], $0x80, s2, s21, $0xb8;
	[tilespmem:$0x1F800] =	vst v63  }
0x31: {  	p0 =	sne.s32 s1, $0x1;
	s1 =	sadd.s32 $0xFFFFFFFF, s1;
	_ =	swait.ge [sflag:s24], $0x4000  }
0x32: {  	[sflag:s24] =	ssyncset.done $0x0  }
0x33: {  	s2 =	sadd.s32 $0xFFFFFF80, s0;
	[sflag:s24] =	ssyncadd.s32 $0xFFFFC000  }
0x34: {  	[spmem:s3] =	stream.indirect.scatter.add.f32 [tilespmem:s22], [sflag:$0x3], $0x80, s2, s21, $0xb8;
	[tilespmem:$0x1F800] =	vst v63  }
0x35: {  	_ =	swait.ge [sflag:s18], $0x4000  }
0x36: {  	[sflag:s18] =	ssyncset.done $0x0  }
0x37: {  	s2 =	sadd.s32 $0xFFFFE480, s0;
	[sflag:s18] =	ssyncadd.s32 $0xFFFFC000  }
0x38: {  	[tilespmem:s22], [sflag:$0x1] =	stream.indirect.gather [hbm4b:s5+s21], $0x80, s2, s21, $0xb8;
	[tilespmem:$0x1F800] =	vst v63  }
0x39: {  	_ =	swait.ge [sflag:s25], $0x4000  }
0x3a: {  	[sflag:s25] =	ssyncset.done $0x0  }
.Ltmp1:
0x3b: {  	[sflag:s25] =	ssyncadd.s32 $0xFFFFC000;
	(pc) =	sbr.rel @p0 .LBB2_2-.Ltmp1, $4  }
0x3c: {  	[spmem:s3] =	stream.indirect.scatter.add.f32 [tilespmem:s23], [sflag:$0x3], $0x80, s0, s21, $0xb8;
	[tilespmem:$0x1F800] =	vst v63  }
0x3d: {  	_ =	swait.ge [sflag:s18], $0x4000  }
0x3e: {  	[sflag:s18] =	ssyncset.done $0x0  }
0x3f: {  	s2 =	sadd.s32 $0xFFFFE500, s0;
	s0 =	sadd.s32 $0x100, s0;
	[sflag:s18] =	ssyncadd.s32 $0xFFFFC000  }
.LBB2_3:
0x40: {  	[tilespmem:s23], [sflag:$0x2] =	stream.indirect.gather [hbm4b:s5+s21], $0x80, s2, s21, $0xb8;
	[tilespmem:$0x1F800] =	vst v63  }
0x41: {  	_ =	swait.ge [sflag:s24], $0x4000  }
0x42: {  	[sflag:s24] =	ssyncset.done $0x0  }
0x43: {  	[sflag:s24] =	ssyncadd.s32 $0xFFFFC000  }
0x44: {  	[spmem:s3] =	stream.indirect.scatter.add.f32 [tilespmem:s22], [sflag:$0x3], $0x80, s10, s21, $0xb8;
	[tilespmem:$0x1F800] =	vst v63  }
0x45: {  	_ =	swait.ge [sflag:s18], $0x4000  }
0x46: {  	[sflag:s18] =	ssyncset.done $0x0  }
0x47: {  	[sflag:s18] =	ssyncadd.s32 $0xFFFFC000  }
0x48: {  	_ =	swait.ge [sflag:s25], $0x4000  }
0x49: {  	[sflag:s25] =	ssyncset.done $0x0  }
0x4a: {  	[sflag:s25] =	ssyncadd.s32 $0xFFFFC000  }
0x4b: {  	[spmem:s3] =	stream.indirect.scatter.add.f32 [tilespmem:s23], [sflag:$0x3], $0x80, s11, s21, $0xb8;
	[tilespmem:$0x1F800] =	vst v63  }
0x4c: {  	_ =	swait.ge [sflag:s18], $0x4000  }
0x4d: {  	[sflag:s18] =	ssyncset.done $0x0  }
0x4e: {  	[sflag:s18] =	ssyncadd.s32 $0xFFFFC000  }
0x4f: {  	[tilespmem:s4], [sflag:$0x3] =	stream.strided.gather [hbm4b:s12+s19], $0x3800, s20, s19, $0x38;
	[tilespmem:$0x1F800] =	vst v63  }
0x50: {  	_ =	swait.ge [sflag:s18], $0x3800  }
0x51: {  	[sflag:s18] =	ssyncset.done $0x0  }
0x52: {  	[sflag:s18] =	ssyncadd.s32 $0xFFFFC800  }
0x53: {  	[tilespmem:s22], [sflag:$0x1] =	stream.indirect.gather [hbm4b:s5+s21], $0x80, s4, s21, $0xb8;
	[tilespmem:$0x1F800] =	vst v63  }
0x54: {  	_ = 	snop  }
0x55: {  	[tilespmem:s23], [sflag:$0x2] =	stream.indirect.gather [hbm4b:s5+s21], $0x80, s21, s21, $0xb8;
	[tilespmem:$0x1F800] =	vst v63  }
0x56: {  	_ =	swait.ge [sflag:s24], $0x4000  }
0x57: {  	[sflag:s24] =	ssyncset.done $0x0  }
0x58: {  	[sflag:s24] =	ssyncadd.s32 $0xFFFFC000  }
0x59: {  	[spmem:s3] =	stream.indirect.scatter.add.f32 [tilespmem:s22], [sflag:$0x3], $0x80, s29, s21, $0xb8;
	[tilespmem:$0x1F800] =	vst v63  }
0x5a: {  	_ =	swait.ge [sflag:s18], $0x4000  }
0x5b: {  	[sflag:s18] =	ssyncset.done $0x0  }
0x5c: {  	[sflag:s18] =	ssyncadd.s32 $0xFFFFC000  }
0x5d: {  	[tilespmem:s22], [sflag:$0x1] =	stream.indirect.gather [hbm4b:s5+s21], $0x80, s31, s21, $0xb8;
	[tilespmem:$0x1F800] =	vst v63  }
0x5e: {  	_ =	swait.ge [sflag:s25], $0x4000  }
0x5f: {  	p0 =	sne.s32 s8, $0x1;
	[sflag:s25] =	ssyncset.done $0x0  }
.Ltmp2:
0x60: {  	[sflag:s25] =	ssyncadd.s32 $0xFFFFC000;
	(pc) =	sbr.rel @!p0 .LBB2_5-.Ltmp2, $4  }
0x61: {  	[spmem:s3] =	stream.indirect.scatter.add.f32 [tilespmem:s23], [sflag:$0x3], $0x80, s30, s21, $0xb8;
	[tilespmem:$0x1F800] =	vst v63  }
0x62: {  	_ =	swait.ge [sflag:s18], $0x4000  }
0x63: {  	[sflag:s18] =	ssyncset.done $0x0  }
0x64: {  	s1 =	sadd.s32 $0xFFFFFFFF, s8;
	s0 =	simm.s32 $0x1D80;
	[sflag:s18] =	ssyncadd.s32 $0xFFFFC000  }
.LBB2_4:
0x65: {  	[tilespmem:s23], [sflag:$0x2] =	stream.indirect.gather [hbm4b:s5+s21], $0x80, s28, s21, $0xb8;
	[tilespmem:$0x1F800] =	vst v63  }
0x66: {  	p0 =	sne.s32 s1, $0x1;
	s1 =	sadd.s32 $0xFFFFFFFF, s1;
	_ =	swait.ge [sflag:s24], $0x4000  }
0x67: {  	[sflag:s24] =	ssyncset.done $0x0  }
0x68: {  	s2 =	sadd.s32 $0xFFFFFF80, s0;
	[sflag:s24] =	ssyncadd.s32 $0xFFFFC000  }
0x69: {  	[spmem:s3] =	stream.indirect.scatter.add.f32 [tilespmem:s22], [sflag:$0x3], $0x80, s2, s21, $0xb8;
	[tilespmem:$0x1F800] =	vst v63  }
0x6a: {  	_ =	swait.ge [sflag:s18], $0x4000  }
0x6b: {  	[sflag:s18] =	ssyncset.done $0x0  }
0x6c: {  	s2 =	sadd.s32 $0xFFFFE480, s0;
	[sflag:s18] =	ssyncadd.s32 $0xFFFFC000  }
0x6d: {  	[tilespmem:s22], [sflag:$0x1] =	stream.indirect.gather [hbm4b:s5+s21], $0x80, s2, s21, $0xb8;
	[tilespmem:$0x1F800] =	vst v63  }
0x6e: {  	_ =	swait.ge [sflag:s25], $0x4000  }
0x6f: {  	[sflag:s25] =	ssyncset.done $0x0  }
.Ltmp3:
0x70: {  	[sflag:s25] =	ssyncadd.s32 $0xFFFFC000;
	(pc) =	sbr.rel @p0 .LBB2_4-.Ltmp3, $4  }
0x71: {  	[spmem:s3] =	stream.indirect.scatter.add.f32 [tilespmem:s23], [sflag:$0x3], $0x80, s0, s21, $0xb8;
	[tilespmem:$0x1F800] =	vst v63  }
0x72: {  	_ =	swait.ge [sflag:s18], $0x4000  }
0x73: {  	[sflag:s18] =	ssyncset.done $0x0  }
0x74: {  	s28 =	sadd.s32 $0xFFFFE500, s0;
	s0 =	sadd.s32 $0x100, s0;
	[sflag:s18] =	ssyncadd.s32 $0xFFFFC000  }
.LBB2_5:
0x75: {  	[tilespmem:s23], [sflag:$0x2] =	stream.indirect.gather [hbm4b:s5+s21], $0x80, s28, s21, $0xb8;
	[tilespmem:$0x1F800] =	vst v63  }
0x76: {  	_ =	swait.ge [sflag:s24], $0x4000  }
0x77: {  	[sflag:s24] =	ssyncset.done $0x0  }
0x78: {  	[sflag:s24] =	ssyncadd.s32 $0xFFFFC000  }
0x79: {  	[spmem:s3] =	stream.indirect.scatter.add.f32 [tilespmem:s22], [sflag:$0x3], $0x80, s13, s21, $0xb8;
	[tilespmem:$0x1F800] =	vst v63  }
0x7a: {  	_ =	swait.ge [sflag:s18], $0x4000  }
0x7b: {  	[sflag:s18] =	ssyncset.done $0x0  }
0x7c: {  	[sflag:s18] =	ssyncadd.s32 $0xFFFFC000  }
0x7d: {  	_ =	swait.ge [sflag:s25], $0x4000  }
0x7e: {  	[sflag:s25] =	ssyncset.done $0x0  }
0x7f: {  	[sflag:s25] =	ssyncadd.s32 $0xFFFFC000  }
0x80: {  	[spmem:s3] =	stream.indirect.scatter.add.f32 [tilespmem:s23], [sflag:$0x3], $0x80, s14, s21, $0xb8;
	[tilespmem:$0x1F800] =	vst v63  }
0x81: {  	_ =	swait.ge [sflag:s18], $0x4000  }
0x82: {  	s26 =	sadd.s32 $0x1, s26;
	[sflag:s18] =	ssyncset.done $0x0  }
0x83: {  	p0 =	sne.s32 s26, s16;
	[sflag:s18] =	ssyncadd.s32 $0xFFFFC000  }
.Ltmp4:
0x84: {  	[bflag:$0x0] =	sbarrier.arrive $0xFFFF;
	(pc) =	sbr.rel @p0 .LBB2_1-.Ltmp4, $4  }
0x85: {  	[hbm:s15], [sflag:s7] =	dma.local [spmem:s17], $0x2800  }
0x86: {  	_ =	swait.ge [sflag:s18], $0x2800  }
0x87: {  	[sflag:s18] =	ssyncset.done $0x0  }
0x88: {  	[sflag:s18] =	ssyncadd.s32 $0xFFFFD800  }
0x89: {  	_ =	sfence.sel $0x180000  }
0x8a: {  	[bflag:$0x0] =	sbarrier.arrive $0xFFFF  }
0x8b: {  	_ =	strace $0x90000047  }
0x8c: {  	s0 =	stileid.u32;
	[bflag:$0x2] =	sbarrier.arrive $0xFFFF  }
0x8d: {  	p0 =	sne.s32 s0, $0x0;
	s0 =	rddreg [dreg:$0x3]  }
0x8e: {  	s0 =	sadd.s32 @!p0 $0x100000, s0  }
0x8f: {  	[sflag:s0] =	ssyncadd.tile.s32 @!p0 $0x1;
	_ =	shalt  }
.Lfunc_end2:
_tile_overlayer_lowered:
.L_overlay_start_2:
0x90: {  	(tag) =	ssettag $0x2  }
0x91: {  	s0 =	rddreg [dreg:$0x0];
	s2 =	stileid.u32  }
0x92: {  	s1 =	rddreg [dreg:$0x1];
	p0 =	sne.s32 s2, $0x0  }
0x93: {  	s3 =	rddreg [dreg:$0x2];
	[bflag:$0x3] =	sbarrier.arrive $0xFFFF;
	s2 =	simm.s32 @!p0 $0x1C03  }
0x94: {  	[timem:s3], [sflag:s2] =	dma.local @!p0 [hbm:s0], s1  }
0x95: {  	s0 =	simm.s32 @!p0 $0x3  }
0x96: {  	_ =	swait.ge @!p0 [sflag:s0], s1  }
0x97: {  	s1 =	ssub.s32 @!p0 $0x0, s1;
	[sflag:s0] =	ssyncset.done @!p0 $0x0  }
0x98: {  	[sflag:s0] =	ssyncadd.s32 @!p0 s1  }
0x99: {  	[bflag:$0x3] =	sbarrier.arrive $0xFFFF  }
0x9a: {  	_ =	shalt  }

</sc_bundles>
